<compile_context>
chip_gen: v7x
topology: tpu7x:2x2x1
jax: 0.10.2.dev20260603
libtpu: 0.0.44.dev20260713+nightly
codegen_flags: <defaults>
</compile_context>

<pallas_src>
import functools

import jax
import jax.numpy as jnp
from jax import lax
from jax.experimental import pallas as pl
from jax.experimental.pallas import tpu as pltpu
from jax.experimental.pallas import tpu_sc as plsc

_BATCH = 4096
_INPUT_DIM = 100
_NUM_EMB = 1000
_EMB_DIM = 64
_V_MIN, _V_MAX = -6.0, 6.0
_SCALE = (_NUM_EMB - 1) / (_V_MAX - _V_MIN)

_NC, _NS = 2, 16
_NW = _NC * _NS
_N = _BATCH * _INPUT_DIM
_PW = _N // _NW
_GROUP = 16
_CHUNK = 256
_GPC = _CHUNK // _GROUP
_NCHUNKS = _PW // _CHUNK
_CHUNK_OUT = _CHUNK * _EMB_DIM
_NBUF = 2


def _body(x_hbm, emb_hbm, out_hbm, x_v, table_v, ob0, ob1, sem0, sem1):
    wid = lax.axis_index("s") * _NC + lax.axis_index("c")
    base = wid * _PW
    obufs = (ob0, ob1)
    sems = (sem0, sem1)

    pltpu.sync_copy(emb_hbm, table_v)
    pltpu.sync_copy(x_hbm.at[pl.ds(base, _PW)], x_v)

    lane = lax.iota(jnp.int32, _GROUP)
    st0 = lane * _EMB_DIM

    def fill(c, obuf):
        def group_body(gg, carry):
            goff = c * _CHUNK + gg * _GROUP
            xv = x_v[pl.ds(goff, _GROUP)]
            xs = jnp.clip((xv - _V_MIN) * _SCALE, 0.0, float(_NUM_EMB - 1))
            il = xs.astype(jnp.int32)
            ih = jnp.minimum(il + 1, _NUM_EMB - 1)
            wh = xs - il.astype(jnp.float32)
            wl = 1.0 - wh
            blo = il * _EMB_DIM
            bhi = ih * _EMB_DIM
            stb = st0 + gg * (_GROUP * _EMB_DIM)
            for d in range(_EMB_DIM):
                lo = plsc.load_gather(table_v, [blo + d])
                hi = plsc.load_gather(table_v, [bhi + d])
                plsc.store_scatter(obuf, [stb + d], wl * lo + wh * hi)
            return carry

        lax.fori_loop(0, _GPC, group_body, 0)

    def chunk_pair(ci, carry):
        for b in range(_NBUF):
            c = ci * _NBUF + b

            @pl.when(ci > 0)
            def _():
                pltpu.make_async_copy(
                    out_hbm.at[pl.ds(0, _CHUNK_OUT)], obufs[b], sems[b]
                ).wait()

            fill(c, obufs[b])
            pltpu.async_copy(
                obufs[b],
                out_hbm.at[pl.ds(base * _EMB_DIM + c * _CHUNK_OUT, _CHUNK_OUT)],
                sems[b],
            )
        return carry

    lax.fori_loop(0, _NCHUNKS // _NBUF, chunk_pair, 0)
    for b in range(_NBUF):
        pltpu.make_async_copy(
            out_hbm.at[pl.ds(0, _CHUNK_OUT)], obufs[b], sems[b]
        ).wait()


_sc_call = functools.partial(
    pl.kernel,
    out_type=jax.ShapeDtypeStruct((_N * _EMB_DIM,), jnp.float32),
    mesh=plsc.VectorSubcoreMesh(
        core_axis_name="c", subcore_axis_name="s", num_cores=_NC, num_subcores=_NS
    ),
    scratch_types=[
        pltpu.VMEM((_PW,), jnp.float32),
        pltpu.VMEM((_NUM_EMB * _EMB_DIM,), jnp.float32),
        pltpu.VMEM((_CHUNK_OUT,), jnp.float32),
        pltpu.VMEM((_CHUNK_OUT,), jnp.float32),
        pltpu.SemaphoreType.DMA,
        pltpu.SemaphoreType.DMA,
    ],
    compiler_params=pltpu.CompilerParams(needs_layout_passes=False),
)(_body)


def kernel(x, embeddings):
    out = _sc_call(x.reshape(-1), embeddings.reshape(-1))
    return out.reshape(_BATCH, _INPUT_DIM * _EMB_DIM)

# --- scband reference (transcript-rebuilt; emitter-appended) ---
"""Pipeline reference for scband-linear-interpolation-embedding-29884382445871 (READ-ONLY COPY).

The authoritative reference and input builder live on the scoring server;
editing this copy changes nothing except your own understanding.
"""

import jax, jax.numpy as jnp
import numpy as np

BATCH = 4096
INPUT_DIM = 100
NUM_EMB = 1000
EMB_DIM = 64
V_MIN, V_MAX = -6.0, 6.0


def setup_inputs(seed: int = 0) -> dict:
    key = jax.random.key(seed)
    k1, k2 = jax.random.split(key)
    x = jax.random.normal(k1, (BATCH, INPUT_DIM), dtype=jnp.float32)
    embeddings = jax.random.normal(k2, (NUM_EMB, EMB_DIM), dtype=jnp.float32)
    return {"x": x, "embeddings": embeddings}


def reference(x, embeddings):
    num_embeddings = embeddings.shape[0]
    x_scaled = (x - V_MIN) / (V_MAX - V_MIN) * (num_embeddings - 1)
    x_scaled = jnp.clip(x_scaled, 0.0, float(num_embeddings - 1))
    idx_low = x_scaled.astype(jnp.int32)
    idx_high = jnp.minimum(idx_low + 1, num_embeddings - 1)
    weight_high = x_scaled - idx_low.astype(jnp.float32)
    weight_low = 1.0 - weight_high
    emb_low = jnp.take(embeddings, idx_low, axis=0)
    emb_high = jnp.take(embeddings, idx_high, axis=0)
    out = weight_low[..., None] * emb_low + weight_high[..., None] * emb_high
    return out.reshape(x.shape[0], -1)

if __name__ == "__main__":
    import jax
    _d = setup_inputs()
    print(jax.jit(kernel)(*tuple(_d.values())))

</pallas_src>

<mosaic_0001>
#map = affine_map<(d0, d1) -> (0)>
module attributes {stable_mosaic.version = 14 : i64} {
  func.func @_body(%arg0: i32, %arg1: i32, %arg2: memref<409600xf32, #tpu.memory_space<hbm>>, %arg3: memref<64000xf32, #tpu.memory_space<hbm>>, %arg4: memref<26214400xf32, #tpu.memory_space<hbm>>, %arg5: memref<12800xf32, #tpu.memory_space<vmem>>, %arg6: memref<64000xf32, #tpu.memory_space<vmem>>, %arg7: memref<16384xf32, #tpu.memory_space<vmem>>, %arg8: memref<16384xf32, #tpu.memory_space<vmem>>, %arg9: memref<!tpu.dma_semaphore, #tpu.memory_space<semaphore_mem>>, %arg10: memref<!tpu.dma_semaphore, #tpu.memory_space<semaphore_mem>>) attributes {dimension_semantics = [#tpu.dimension_semantics<core_parallel>, #tpu.dimension_semantics<subcore_parallel>], iteration_bounds = array<i64: 2, 16>, scalar_prefetch = 0 : i64, scratch_operands = 6 : i64, tpu.core_type = #tpu.core_type<sc_vector_subcore>, window_params = [{transform_indices = #map}, {transform_indices = #map}, {transform_indices = #map}]} {
    %mul3A = arith.constant 2 : i32
    %mul3A_0 = arith.muli %arg1, %mul3A : i32
    %add3A = arith.addi %mul3A_0, %arg0 : i32
    %mul3A_1 = arith.constant 12800 : i32
    %mul3A_2 = arith.muli %add3A, %mul3A_1 : i32
    "tpu.region"() ({
      %run_scoped3A = tpu.sem_alloc : memref<!tpu.dma_semaphore, #tpu.memory_space<semaphore_mem>>
      tpu.enqueue_dma source(%arg3 : memref<64000xf32, #tpu.memory_space<hbm>>) target(%arg6 : memref<64000xf32, #tpu.memory_space<vmem>>) target_semaphore(%run_scoped3A : memref<!tpu.dma_semaphore, #tpu.memory_space<semaphore_mem>>)
      tpu.wait_dma2 semaphore(%run_scoped3A : memref<!tpu.dma_semaphore, #tpu.memory_space<semaphore_mem>>) src(%arg3 : memref<64000xf32, #tpu.memory_space<hbm>>) dst(%arg6 : memref<64000xf32, #tpu.memory_space<vmem>>)
      tpu.yield
    }) : () -> ()
    "tpu.region"() ({
      %run_scoped3A = tpu.sem_alloc : memref<!tpu.dma_semaphore, #tpu.memory_space<semaphore_mem>>
      %dma_start3A = tpu.memref_slice %arg2[%mul3A_2] : memref<409600xf32, #tpu.memory_space<hbm>> -> memref<12800xf32, #tpu.memory_space<hbm>>
      %dma_start3A_18 = tpu.memref_slice %arg2[%mul3A_2] : memref<409600xf32, #tpu.memory_space<hbm>> -> memref<12800xf32, #tpu.memory_space<hbm>>
      tpu.enqueue_dma source(%dma_start3A_18 : memref<12800xf32, #tpu.memory_space<hbm>>) target(%arg5 : memref<12800xf32, #tpu.memory_space<vmem>>) target_semaphore(%run_scoped3A : memref<!tpu.dma_semaphore, #tpu.memory_space<semaphore_mem>>)
      %dma_wait3A_19 = tpu.memref_slice %arg2[%mul3A_2] : memref<409600xf32, #tpu.memory_space<hbm>> -> memref<12800xf32, #tpu.memory_space<hbm>>
      %dma_wait3A_20 = tpu.memref_slice %arg2[%mul3A_2] : memref<409600xf32, #tpu.memory_space<hbm>> -> memref<12800xf32, #tpu.memory_space<hbm>>
      tpu.wait_dma2 semaphore(%run_scoped3A : memref<!tpu.dma_semaphore, #tpu.memory_space<semaphore_mem>>) src(%dma_wait3A_20 : memref<12800xf32, #tpu.memory_space<hbm>>) dst(%arg5 : memref<12800xf32, #tpu.memory_space<vmem>>)
      tpu.yield
    }) : () -> ()
    %iota3A = tpu.iota {dimensions = array<i32: 0>} : vector<16xi32>
    %mul3A_3 = arith.constant 64 : i32
    %mul3A_4 = vector.broadcast %mul3A_3 : i32 to vector<16xi32>
    %mul3A_5 = arith.muli %iota3A, %mul3A_4 : vector<16xi32>
    %scan3A = arith.constant 0 : i32
    %scan3A_6 = arith.constant 0 : i32
    %scan3A_7 = arith.constant 25 : i32
    %scan3A_8 = arith.addi %scan3A_6, %scan3A_7 : i32
    %scan3A_9 = arith.constant 1 : i32
    scf.for %scan3A_18 = %scan3A_6 to %scan3A_8 step %scan3A_9  : i32 {
      %mul3A_19 = arith.constant 2 : i32
      %mul3A_20 = arith.muli %scan3A_18, %mul3A_19 : i32
      %add3A_21 = arith.constant 0 : i32
      %add3A_22 = arith.addi %mul3A_20, %add3A_21 : i32
      %gt3A = arith.constant 0 : i32
      %gt3A_23 = arith.cmpi sgt, %scan3A_18, %gt3A : i32
      %convert_element_type3A = arith.extui %gt3A_23 : i1 to i32
      %cond3A = arith.constant 0 : i32
      %cond3A_24 = arith.cmpi ne, %convert_element_type3A, %cond3A : i32
      scf.if %cond3A_24 {
        %dma_wait3A_59 = arith.constant 0 : i32
        %dma_wait3A_60 = tpu.memref_slice %arg4[%dma_wait3A_59] : memref<26214400xf32, #tpu.memory_space<hbm>> -> memref<16384xf32, #tpu.memory_space<hbm>>
        %dma_wait3A_61 = arith.constant 0 : i32
        %dma_wait3A_62 = tpu.memref_slice %arg4[%dma_wait3A_61] : memref<26214400xf32, #tpu.memory_space<hbm>> -> memref<16384xf32, #tpu.memory_space<hbm>>
        tpu.wait_dma2 semaphore(%arg9 : memref<!tpu.dma_semaphore, #tpu.memory_space<semaphore_mem>>) src(%dma_wait3A_62 : memref<16384xf32, #tpu.memory_space<hbm>>) dst(%arg7 : memref<16384xf32, #tpu.memory_space<vmem>>)
      } else {
      }
      %scan3A_25 = arith.constant 0 : i32
      %scan3A_26 = arith.constant 0 : i32
      %scan3A_27 = arith.constant 16 : i32
      %scan3A_28 = arith.addi %scan3A_26, %scan3A_27 : i32
      %scan3A_29 = arith.constant 1 : i32
      scf.for %scan3A_59 = %scan3A_26 to %scan3A_28 step %scan3A_29  : i32 {
        %mul3A_60 = arith.constant 256 : i32
        %mul3A_61 = arith.muli %add3A_22, %mul3A_60 : i32
        %mul3A_62 = arith.constant 16 : i32
        %mul3A_63 = arith.muli %scan3A_59, %mul3A_62 : i32
        %add3A_64 = arith.addi %mul3A_61, %mul3A_63 : i32
        %get3A = arith.index_cast %add3A_64 : i32 to index
        %get3A_65 = tpu.vector_load %arg5[%get3A] {strides = array<i32>} : memref<12800xf32, #tpu.memory_space<vmem>>, vector<16xf32>,
        %sub3A = arith.constant -6.000000e+00 : f32
        %sub3A_66 = vector.broadcast %sub3A : f32 to vector<16xf32>
        %sub3A_67 = arith.subf %get3A_65, %sub3A_66 : vector<16xf32>
        %mul3A_68 = arith.constant 8.325000e+01 : f32
        %mul3A_69 = vector.broadcast %mul3A_68 : f32 to vector<16xf32>
        %mul3A_70 = arith.mulf %sub3A_67, %mul3A_69 : vector<16xf32>
        %jit3A = arith.constant 0.000000e+00 : f32
        %jit3A_71 = arith.constant 9.990000e+02 : f32
        %max3A = vector.broadcast %jit3A : f32 to vector<16xf32>
        %max3A_72 = arith.maximumf %max3A, %mul3A_70 : vector<16xf32>
        %min3A = vector.broadcast %jit3A_71 : f32 to vector<16xf32>
        %min3A_73 = arith.minimumf %min3A, %max3A_72 : vector<16xf32>
        %convert_element_type3A_74 = arith.fptosi %min3A_73 : vector<16xf32> to vector<16xi32>
        %add3A_75 = arith.constant 1 : i32
        %add3A_76 = vector.broadcast %add3A_75 : i32 to vector<16xi32>
        %add3A_77 = arith.addi %convert_element_type3A_74, %add3A_76 : vector<16xi32>
        %min3A_78 = arith.constant 999 : i32
        %min3A_79 = vector.broadcast %min3A_78 : i32 to vector<16xi32>
        %min3A_80 = arith.minsi %add3A_77, %min3A_79 : vector<16xi32>
        %convert_element_type3A_81 = arith.sitofp %convert_element_type3A_74 : vector<16xi32> to vector<16xf32>
        %sub3A_82 = arith.subf %min3A_73, %convert_element_type3A_81 : vector<16xf32>
        %sub3A_83 = arith.constant 1.000000e+00 : f32
        %sub3A_84 = vector.broadcast %sub3A_83 : f32 to vector<16xf32>
        %sub3A_85 = arith.subf %sub3A_84, %sub3A_82 : vector<16xf32>
        %mul3A_86 = arith.constant 64 : i32
        %mul3A_87 = vector.broadcast %mul3A_86 : i32 to vector<16xi32>
        %mul3A_88 = arith.muli %convert_element_type3A_74, %mul3A_87 : vector<16xi32>
        %mul3A_89 = arith.constant 64 : i32
        %mul3A_90 = vector.broadcast %mul3A_89 : i32 to vector<16xi32>
        %mul3A_91 = arith.muli %min3A_80, %mul3A_90 : vector<16xi32>
        %mul3A_92 = arith.constant 1024 : i32
        %mul3A_93 = arith.muli %scan3A_59, %mul3A_92 : i32
        %add3A_94 = vector.broadcast %mul3A_93 : i32 to vector<16xi32>
        %add3A_95 = arith.addi %mul3A_5, %add3A_94 : vector<16xi32>
        %add3A_96 = arith.constant 0 : i32
        %add3A_97 = vector.broadcast %add3A_96 : i32 to vector<16xi32>
        %add3A_98 = arith.addi %mul3A_88, %add3A_97 : vector<16xi32>
        %gather3A = tpu.vector_load_idx %arg6[%add3A_98] : memref<64000xf32, #tpu.memory_space<vmem>>[vector<16xi32>], vector<16xf32>,
        %add3A_99 = arith.constant 0 : i32
        %add3A_100 = vector.broadcast %add3A_99 : i32 to vector<16xi32>
        %add3A_101 = arith.addi %mul3A_91, %add3A_100 : vector<16xi32>
        %gather3A_102 = tpu.vector_load_idx %arg6[%add3A_101] : memref<64000xf32, #tpu.memory_space<vmem>>[vector<16xi32>], vector<16xf32>,
        %add3A_103 = arith.constant 0 : i32
        %add3A_104 = vector.broadcast %add3A_103 : i32 to vector<16xi32>
        %add3A_105 = arith.addi %add3A_95, %add3A_104 : vector<16xi32>
        %mul3A_106 = arith.mulf %sub3A_85, %gather3A : vector<16xf32>
        %mul3A_107 = arith.mulf %sub3A_82, %gather3A_102 : vector<16xf32>
        %add3A_108 = arith.addf %mul3A_106, %mul3A_107 : vector<16xf32>
        tpu.vector_store_idx %arg7[%add3A_105], %add3A_108 : memref<16384xf32, #tpu.memory_space<vmem>>[vector<16xi32>], vector<16xf32>,
        %add3A_109 = arith.constant 1 : i32
        %add3A_110 = vector.broadcast %add3A_109 : i32 to vector<16xi32>
        %add3A_111 = arith.addi %mul3A_88, %add3A_110 : vector<16xi32>
        %gather3A_112 = tpu.vector_load_idx %arg6[%add3A_111] : memref<64000xf32, #tpu.memory_space<vmem>>[vector<16xi32>], vector<16xf32>,
        %add3A_113 = arith.constant 1 : i32
        %add3A_114 = vector.broadcast %add3A_113 : i32 to vector<16xi32>
        %add3A_115 = arith.addi %mul3A_91, %add3A_114 : vector<16xi32>
        %gather3A_116 = tpu.vector_load_idx %arg6[%add3A_115] : memref<64000xf32, #tpu.memory_space<vmem>>[vector<16xi32>], vector<16xf32>,
        %add3A_117 = arith.constant 1 : i32
        %add3A_118 = vector.broadcast %add3A_117 : i32 to vector<16xi32>
        %add3A_119 = arith.addi %add3A_95, %add3A_118 : vector<16xi32>
        %mul3A_120 = arith.mulf %sub3A_85, %gather3A_112 : vector<16xf32>
        %mul3A_121 = arith.mulf %sub3A_82, %gather3A_116 : vector<16xf32>
        %add3A_122 = arith.addf %mul3A_120, %mul3A_121 : vector<16xf32>
        tpu.vector_store_idx %arg7[%add3A_119], %add3A_122 : memref<16384xf32, #tpu.memory_space<vmem>>[vector<16xi32>], vector<16xf32>,
        %add3A_123 = arith.constant 2 : i32
        %add3A_124 = vector.broadcast %add3A_123 : i32 to vector<16xi32>
        %add3A_125 = arith.addi %mul3A_88, %add3A_124 : vector<16xi32>
        %gather3A_126 = tpu.vector_load_idx %arg6[%add3A_125] : memref<64000xf32, #tpu.memory_space<vmem>>[vector<16xi32>], vector<16xf32>,
        %add3A_127 = arith.constant 2 : i32
        %add3A_128 = vector.broadcast %add3A_127 : i32 to vector<16xi32>
        %add3A_129 = arith.addi %mul3A_91, %add3A_128 : vector<16xi32>
        %gather3A_130 = tpu.vector_load_idx %arg6[%add3A_129] : memref<64000xf32, #tpu.memory_space<vmem>>[vector<16xi32>], vector<16xf32>,
        %add3A_131 = arith.constant 2 : i32
        %add3A_132 = vector.broadcast %add3A_131 : i32 to vector<16xi32>
        %add3A_133 = arith.addi %add3A_95, %add3A_132 : vector<16xi32>
        %mul3A_134 = arith.mulf %sub3A_85, %gather3A_126 : vector<16xf32>
        %mul3A_135 = arith.mulf %sub3A_82, %gather3A_130 : vector<16xf32>
        %add3A_136 = arith.addf %mul3A_134, %mul3A_135 : vector<16xf32>
        tpu.vector_store_idx %arg7[%add3A_133], %add3A_136 : memref<16384xf32, #tpu.memory_space<vmem>>[vector<16xi32>], vector<16xf32>,
        %add3A_137 = arith.constant 3 : i32
        %add3A_138 = vector.broadcast %add3A_137 : i32 to vector<16xi32>
        %add3A_139 = arith.addi %mul3A_88, %add3A_138 : vector<16xi32>
        %gather3A_140 = tpu.vector_load_idx %arg6[%add3A_139] : memref<64000xf32, #tpu.memory_space<vmem>>[vector<16xi32>], vector<16xf32>,
        %add3A_141 = arith.constant 3 : i32
        %add3A_142 = vector.broadcast %add3A_141 : i32 to vector<16xi32>
        %add3A_143 = arith.addi %mul3A_91, %add3A_142 : vector<16xi32>
        %gather3A_144 = tpu.vector_load_idx %arg6[%add3A_143] : memref<64000xf32, #tpu.memory_space<vmem>>[vector<16xi32>], vector<16xf32>,
        %add3A_145 = arith.constant 3 : i32
        %add3A_146 = vector.broadcast %add3A_145 : i32 to vector<16xi32>
        %add3A_147 = arith.addi %add3A_95, %add3A_146 : vector<16xi32>
        %mul3A_148 = arith.mulf %sub3A_85, %gather3A_140 : vector<16xf32>
        %mul3A_149 = arith.mulf %sub3A_82, %gather3A_144 : vector<16xf32>
        %add3A_150 = arith.addf %mul3A_148, %mul3A_149 : vector<16xf32>
        tpu.vector_store_idx %arg7[%add3A_147], %add3A_150 : memref<16384xf32, #tpu.memory_space<vmem>>[vector<16xi32>], vector<16xf32>,
        %add3A_151 = arith.constant 4 : i32
        %add3A_152 = vector.broadcast %add3A_151 : i32 to vector<16xi32>
        %add3A_153 = arith.addi %mul3A_88, %add3A_152 : vector<16xi32>
        %gather3A_154 = tpu.vector_load_idx %arg6[%add3A_153] : memref<64000xf32, #tpu.memory_space<vmem>>[vector<16xi32>], vector<16xf32>,
        %add3A_155 = arith.constant 4 : i32
        %add3A_156 = vector.broadcast %add3A_155 : i32 to vector<16xi32>
        %add3A_157 = arith.addi %mul3A_91, %add3A_156 : vector<16xi32>
        %gather3A_158 = tpu.vector_load_idx %arg6[%add3A_157] : memref<64000xf32, #tpu.memory_space<vmem>>[vector<16xi32>], vector<16xf32>,
        %add3A_159 = arith.constant 4 : i32
        %add3A_160 = vector.broadcast %add3A_159 : i32 to vector<16xi32>
        %add3A_161 = arith.addi %add3A_95, %add3A_160 : vector<16xi32>
        %mul3A_162 = arith.mulf %sub3A_85, %gather3A_154 : vector<16xf32>
        %mul3A_163 = arith.mulf %sub3A_82, %gather3A_158 : vector<16xf32>
        %add3A_164 = arith.addf %mul3A_162, %mul3A_163 : vector<16xf32>
        tpu.vector_store_idx %arg7[%add3A_161], %add3A_164 : memref<16384xf32, #tpu.memory_space<vmem>>[vector<16xi32>], vector<16xf32>,
        %add3A_165 = arith.constant 5 : i32
        %add3A_166 = vector.broadcast %add3A_165 : i32 to vector<16xi32>
        %add3A_167 = arith.addi %mul3A_88, %add3A_166 : vector<16xi32>
        %gather3A_168 = tpu.vector_load_idx %arg6[%add3A_167] : memref<64000xf32, #tpu.memory_space<vmem>>[vector<16xi32>], vector<16xf32>,
        %add3A_169 = arith.constant 5 : i32
        %add3A_170 = vector.broadcast %add3A_169 : i32 to vector<16xi32>
        %add3A_171 = arith.addi %mul3A_91, %add3A_170 : vector<16xi32>
        %gather3A_172 = tpu.vector_load_idx %arg6[%add3A_171] : memref<64000xf32, #tpu.memory_space<vmem>>[vector<16xi32>], vector<16xf32>,
        %add3A_173 = arith.constant 5 : i32
        %add3A_174 = vector.broadcast %add3A_173 : i32 to vector<16xi32>
        %add3A_175 = arith.addi %add3A_95, %add3A_174 : vector<16xi32>
        %mul3A_176 = arith.mulf %sub3A_85, %gather3A_168 : vector<16xf32>
        %mul3A_177 = arith.mulf %sub3A_82, %gather3A_172 : vector<16xf32>
        %add3A_178 = arith.addf %mul3A_176, %mul3A_177 : vector<16xf32>
        tpu.vector_store_idx %arg7[%add3A_175], %add3A_178 : memref<16384xf32, #tpu.memory_space<vmem>>[vector<16xi32>], vector<16xf32>,
        %add3A_179 = arith.constant 6 : i32
        %add3A_180 = vector.broadcast %add3A_179 : i32 to vector<16xi32>
        %add3A_181 = arith.addi %mul3A_88, %add3A_180 : vector<16xi32>
        %gather3A_182 = tpu.vector_load_idx %arg6[%add3A_181] : memref<64000xf32, #tpu.memory_space<vmem>>[vector<16xi32>], vector<16xf32>,
        %add3A_183 = arith.constant 6 : i32
        %add3A_184 = vector.broadcast %add3A_183 : i32 to vector<16xi32>
        %add3A_185 = arith.addi %mul3A_91, %add3A_184 : vector<16xi32>
        %gather3A_186 = tpu.vector_load_idx %arg6[%add3A_185] : memref<64000xf32, #tpu.memory_space<vmem>>[vector<16xi32>], vector<16xf32>,
        %add3A_187 = arith.constant 6 : i32
        %add3A_188 = vector.broadcast %add3A_187 : i32 to vector<16xi32>
        %add3A_189 = arith.addi %add3A_95, %add3A_188 : vector<16xi32>
        %mul3A_190 = arith.mulf %sub3A_85, %gather3A_182 : vector<16xf32>
        %mul3A_191 = arith.mulf %sub3A_82, %gather3A_186 : vector<16xf32>
        %add3A_192 = arith.addf %mul3A_190, %mul3A_191 : vector<16xf32>
        tpu.vector_store_idx %arg7[%add3A_189], %add3A_192 : memref<16384xf32, #tpu.memory_space<vmem>>[vector<16xi32>], vector<16xf32>,
        %add3A_193 = arith.constant 7 : i32
        %add3A_194 = vector.broadcast %add3A_193 : i32 to vector<16xi32>
        %add3A_195 = arith.addi %mul3A_88, %add3A_194 : vector<16xi32>
        %gather3A_196 = tpu.vector_load_idx %arg6[%add3A_195] : memref<64000xf32, #tpu.memory_space<vmem>>[vector<16xi32>], vector<16xf32>,
        %add3A_197 = arith.constant 7 : i32
        %add3A_198 = vector.broadcast %add3A_197 : i32 to vector<16xi32>
        %add3A_199 = arith.addi %mul3A_91, %add3A_198 : vector<16xi32>
        %gather3A_200 = tpu.vector_load_idx %arg6[%add3A_199] : memref<64000xf32, #tpu.memory_space<vmem>>[vector<16xi32>], vector<16xf32>,
        %add3A_201 = arith.constant 7 : i32
        %add3A_202 = vector.broadcast %add3A_201 : i32 to vector<16xi32>
        %add3A_203 = arith.addi %add3A_95, %add3A_202 : vector<16xi32>
        %mul3A_204 = arith.mulf %sub3A_85, %gather3A_196 : vector<16xf32>
        %mul3A_205 = arith.mulf %sub3A_82, %gather3A_200 : vector<16xf32>
        %add3A_206 = arith.addf %mul3A_204, %mul3A_205 : vector<16xf32>
        tpu.vector_store_idx %arg7[%add3A_203], %add3A_206 : memref<16384xf32, #tpu.memory_space<vmem>>[vector<16xi32>], vector<16xf32>,
        %add3A_207 = arith.constant 8 : i32
        %add3A_208 = vector.broadcast %add3A_207 : i32 to vector<16xi32>
        %add3A_209 = arith.addi %mul3A_88, %add3A_208 : vector<16xi32>
        %gather3A_210 = tpu.vector_load_idx %arg6[%add3A_209] : memref<64000xf32, #tpu.memory_space<vmem>>[vector<16xi32>], vector<16xf32>,
        %add3A_211 = arith.constant 8 : i32
        %add3A_212 = vector.broadcast %add3A_211 : i32 to vector<16xi32>
        %add3A_213 = arith.addi %mul3A_91, %add3A_212 : vector<16xi32>
        %gather3A_214 = tpu.vector_load_idx %arg6[%add3A_213] : memref<64000xf32, #tpu.memory_space<vmem>>[vector<16xi32>], vector<16xf32>,
        %add3A_215 = arith.constant 8 : i32
        %add3A_216 = vector.broadcast %add3A_215 : i32 to vector<16xi32>
        %add3A_217 = arith.addi %add3A_95, %add3A_216 : vector<16xi32>
        %mul3A_218 = arith.mulf %sub3A_85, %gather3A_210 : vector<16xf32>
        %mul3A_219 = arith.mulf %sub3A_82, %gather3A_214 : vector<16xf32>
        %add3A_220 = arith.addf %mul3A_218, %mul3A_219 : vector<16xf32>
        tpu.vector_store_idx %arg7[%add3A_217], %add3A_220 : memref<16384xf32, #tpu.memory_space<vmem>>[vector<16xi32>], vector<16xf32>,
        %add3A_221 = arith.constant 9 : i32
        %add3A_222 = vector.broadcast %add3A_221 : i32 to vector<16xi32>
        %add3A_223 = arith.addi %mul3A_88, %add3A_222 : vector<16xi32>
        %gather3A_224 = tpu.vector_load_idx %arg6[%add3A_223] : memref<64000xf32, #tpu.memory_space<vmem>>[vector<16xi32>], vector<16xf32>,
        %add3A_225 = arith.constant 9 : i32
        %add3A_226 = vector.broadcast %add3A_225 : i32 to vector<16xi32>
        %add3A_227 = arith.addi %mul3A_91, %add3A_226 : vector<16xi32>
        %gather3A_228 = tpu.vector_load_idx %arg6[%add3A_227] : memref<64000xf32, #tpu.memory_space<vmem>>[vector<16xi32>], vector<16xf32>,
        %add3A_229 = arith.constant 9 : i32
        %add3A_230 = vector.broadcast %add3A_229 : i32 to vector<16xi32>
        %add3A_231 = arith.addi %add3A_95, %add3A_230 : vector<16xi32>
        %mul3A_232 = arith.mulf %sub3A_85, %gather3A_224 : vector<16xf32>
        %mul3A_233 = arith.mulf %sub3A_82, %gather3A_228 : vector<16xf32>
        %add3A_234 = arith.addf %mul3A_232, %mul3A_233 : vector<16xf32>
        tpu.vector_store_idx %arg7[%add3A_231], %add3A_234 : memref<16384xf32, #tpu.memory_space<vmem>>[vector<16xi32>], vector<16xf32>,
        %add3A_235 = arith.constant 10 : i32
        %add3A_236 = vector.broadcast %add3A_235 : i32 to vector<16xi32>
        %add3A_237 = arith.addi %mul3A_88, %add3A_236 : vector<16xi32>
        %gather3A_238 = tpu.vector_load_idx %arg6[%add3A_237] : memref<64000xf32, #tpu.memory_space<vmem>>[vector<16xi32>], vector<16xf32>,
        %add3A_239 = arith.constant 10 : i32
        %add3A_240 = vector.broadcast %add3A_239 : i32 to vector<16xi32>
        %add3A_241 = arith.addi %mul3A_91, %add3A_240 : vector<16xi32>
        %gather3A_242 = tpu.vector_load_idx %arg6[%add3A_241] : memref<64000xf32, #tpu.memory_space<vmem>>[vector<16xi32>], vector<16xf32>,
        %add3A_243 = arith.constant 10 : i32
        %add3A_244 = vector.broadcast %add3A_243 : i32 to vector<16xi32>
        %add3A_245 = arith.addi %add3A_95, %add3A_244 : vector<16xi32>
        %mul3A_246 = arith.mulf %sub3A_85, %gather3A_238 : vector<16xf32>
        %mul3A_247 = arith.mulf %sub3A_82, %gather3A_242 : vector<16xf32>
        %add3A_248 = arith.addf %mul3A_246, %mul3A_247 : vector<16xf32>
        tpu.vector_store_idx %arg7[%add3A_245], %add3A_248 : memref<16384xf32, #tpu.memory_space<vmem>>[vector<16xi32>], vector<16xf32>,
        %add3A_249 = arith.constant 11 : i32
        %add3A_250 = vector.broadcast %add3A_249 : i32 to vector<16xi32>
        %add3A_251 = arith.addi %mul3A_88, %add3A_250 : vector<16xi32>
        %gather3A_252 = tpu.vector_load_idx %arg6[%add3A_251] : memref<64000xf32, #tpu.memory_space<vmem>>[vector<16xi32>], vector<16xf32>,
        %add3A_253 = arith.constant 11 : i32
        %add3A_254 = vector.broadcast %add3A_253 : i32 to vector<16xi32>
        %add3A_255 = arith.addi %mul3A_91, %add3A_254 : vector<16xi32>
        %gather3A_256 = tpu.vector_load_idx %arg6[%add3A_255] : memref<64000xf32, #tpu.memory_space<vmem>>[vector<16xi32>], vector<16xf32>,
        %add3A_257 = arith.constant 11 : i32
        %add3A_258 = vector.broadcast %add3A_257 : i32 to vector<16xi32>
        %add3A_259 = arith.addi %add3A_95, %add3A_258 : vector<16xi32>
        %mul3A_260 = arith.mulf %sub3A_85, %gather3A_252 : vector<16xf32>
        %mul3A_261 = arith.mulf %sub3A_82, %gather3A_256 : vector<16xf32>
        %add3A_262 = arith.addf %mul3A_260, %mul3A_261 : vector<16xf32>
        tpu.vector_store_idx %arg7[%add3A_259], %add3A_262 : memref<16384xf32, #tpu.memory_space<vmem>>[vector<16xi32>], vector<16xf32>,
        %add3A_263 = arith.constant 12 : i32
        %add3A_264 = vector.broadcast %add3A_263 : i32 to vector<16xi32>
        %add3A_265 = arith.addi %mul3A_88, %add3A_264 : vector<16xi32>
        %gather3A_266 = tpu.vector_load_idx %arg6[%add3A_265] : memref<64000xf32, #tpu.memory_space<vmem>>[vector<16xi32>], vector<16xf32>,
        %add3A_267 = arith.constant 12 : i32
        %add3A_268 = vector.broadcast %add3A_267 : i32 to vector<16xi32>
        %add3A_269 = arith.addi %mul3A_91, %add3A_268 : vector<16xi32>
        %gather3A_270 = tpu.vector_load_idx %arg6[%add3A_269] : memref<64000xf32, #tpu.memory_space<vmem>>[vector<16xi32>], vector<16xf32>,
        %add3A_271 = arith.constant 12 : i32
        %add3A_272 = vector.broadcast %add3A_271 : i32 to vector<16xi32>
        %add3A_273 = arith.addi %add3A_95, %add3A_272 : vector<16xi32>
        %mul3A_274 = arith.mulf %sub3A_85, %gather3A_266 : vector<16xf32>
        %mul3A_275 = arith.mulf %sub3A_82, %gather3A_270 : vector<16xf32>
        %add3A_276 = arith.addf %mul3A_274, %mul3A_275 : vector<16xf32>
        tpu.vector_store_idx %arg7[%add3A_273], %add3A_276 : memref<16384xf32, #tpu.memory_space<vmem>>[vector<16xi32>], vector<16xf32>,
        %add3A_277 = arith.constant 13 : i32
        %add3A_278 = vector.broadcast %add3A_277 : i32 to vector<16xi32>
        %add3A_279 = arith.addi %mul3A_88, %add3A_278 : vector<16xi32>
        %gather3A_280 = tpu.vector_load_idx %arg6[%add3A_279] : memref<64000xf32, #tpu.memory_space<vmem>>[vector<16xi32>], vector<16xf32>,
        %add3A_281 = arith.constant 13 : i32
        %add3A_282 = vector.broadcast %add3A_281 : i32 to vector<16xi32>
        %add3A_283 = arith.addi %mul3A_91, %add3A_282 : vector<16xi32>
        %gather3A_284 = tpu.vector_load_idx %arg6[%add3A_283] : memref<64000xf32, #tpu.memory_space<vmem>>[vector<16xi32>], vector<16xf32>,
        %add3A_285 = arith.constant 13 : i32
        %add3A_286 = vector.broadcast %add3A_285 : i32 to vector<16xi32>
        %add3A_287 = arith.addi %add3A_95, %add3A_286 : vector<16xi32>
        %mul3A_288 = arith.mulf %sub3A_85, %gather3A_280 : vector<16xf32>
        %mul3A_289 = arith.mulf %sub3A_82, %gather3A_284 : vector<16xf32>
        %add3A_290 = arith.addf %mul3A_288, %mul3A_289 : vector<16xf32>
        tpu.vector_store_idx %arg7[%add3A_287], %add3A_290 : memref<16384xf32, #tpu.memory_space<vmem>>[vector<16xi32>], vector<16xf32>,
        %add3A_291 = arith.constant 14 : i32
        %add3A_292 = vector.broadcast %add3A_291 : i32 to vector<16xi32>
        %add3A_293 = arith.addi %mul3A_88, %add3A_292 : vector<16xi32>
        %gather3A_294 = tpu.vector_load_idx %arg6[%add3A_293] : memref<64000xf32, #tpu.memory_space<vmem>>[vector<16xi32>], vector<16xf32>,
        %add3A_295 = arith.constant 14 : i32
        %add3A_296 = vector.broadcast %add3A_295 : i32 to vector<16xi32>
        %add3A_297 = arith.addi %mul3A_91, %add3A_296 : vector<16xi32>
        %gather3A_298 = tpu.vector_load_idx %arg6[%add3A_297] : memref<64000xf32, #tpu.memory_space<vmem>>[vector<16xi32>], vector<16xf32>,
        %add3A_299 = arith.constant 14 : i32
        %add3A_300 = vector.broadcast %add3A_299 : i32 to vector<16xi32>
        %add3A_301 = arith.addi %add3A_95, %add3A_300 : vector<16xi32>
        %mul3A_302 = arith.mulf %sub3A_85, %gather3A_294 : vector<16xf32>
        %mul3A_303 = arith.mulf %sub3A_82, %gather3A_298 : vector<16xf32>
        %add3A_304 = arith.addf %mul3A_302, %mul3A_303 : vector<16xf32>
        tpu.vector_store_idx %arg7[%add3A_301], %add3A_304 : memref<16384xf32, #tpu.memory_space<vmem>>[vector<16xi32>], vector<16xf32>,
        %add3A_305 = arith.constant 15 : i32
        %add3A_306 = vector.broadcast %add3A_305 : i32 to vector<16xi32>
        %add3A_307 = arith.addi %mul3A_88, %add3A_306 : vector<16xi32>
        %gather3A_308 = tpu.vector_load_idx %arg6[%add3A_307] : memref<64000xf32, #tpu.memory_space<vmem>>[vector<16xi32>], vector<16xf32>,
        %add3A_309 = arith.constant 15 : i32
        %add3A_310 = vector.broadcast %add3A_309 : i32 to vector<16xi32>
        %add3A_311 = arith.addi %mul3A_91, %add3A_310 : vector<16xi32>
        %gather3A_312 = tpu.vector_load_idx %arg6[%add3A_311] : memref<64000xf32, #tpu.memory_space<vmem>>[vector<16xi32>], vector<16xf32>,
        %add3A_313 = arith.constant 15 : i32
        %add3A_314 = vector.broadcast %add3A_313 : i32 to vector<16xi32>
        %add3A_315 = arith.addi %add3A_95, %add3A_314 : vector<16xi32>
        %mul3A_316 = arith.mulf %sub3A_85, %gather3A_308 : vector<16xf32>
        %mul3A_317 = arith.mulf %sub3A_82, %gather3A_312 : vector<16xf32>
        %add3A_318 = arith.addf %mul3A_316, %mul3A_317 : vector<16xf32>
        tpu.vector_store_idx %arg7[%add3A_315], %add3A_318 : memref<16384xf32, #tpu.memory_space<vmem>>[vector<16xi32>], vector<16xf32>,
        %add3A_319 = arith.constant 16 : i32
        %add3A_320 = vector.broadcast %add3A_319 : i32 to vector<16xi32>
        %add3A_321 = arith.addi %mul3A_88, %add3A_320 : vector<16xi32>
        %gather3A_322 = tpu.vector_load_idx %arg6[%add3A_321] : memref<64000xf32, #tpu.memory_space<vmem>>[vector<16xi32>], vector<16xf32>,
        %add3A_323 = arith.constant 16 : i32
        %add3A_324 = vector.broadcast %add3A_323 : i32 to vector<16xi32>
        %add3A_325 = arith.addi %mul3A_91, %add3A_324 : vector<16xi32>
        %gather3A_326 = tpu.vector_load_idx %arg6[%add3A_325] : memref<64000xf32, #tpu.memory_space<vmem>>[vector<16xi32>], vector<16xf32>,
        %add3A_327 = arith.constant 16 : i32
        %add3A_328 = vector.broadcast %add3A_327 : i32 to vector<16xi32>
        %add3A_329 = arith.addi %add3A_95, %add3A_328 : vector<16xi32>
        %mul3A_330 = arith.mulf %sub3A_85, %gather3A_322 : vector<16xf32>
        %mul3A_331 = arith.mulf %sub3A_82, %gather3A_326 : vector<16xf32>
        %add3A_332 = arith.addf %mul3A_330, %mul3A_331 : vector<16xf32>
        tpu.vector_store_idx %arg7[%add3A_329], %add3A_332 : memref<16384xf32, #tpu.memory_space<vmem>>[vector<16xi32>], vector<16xf32>,
        %add3A_333 = arith.constant 17 : i32
        %add3A_334 = vector.broadcast %add3A_333 : i32 to vector<16xi32>
        %add3A_335 = arith.addi %mul3A_88, %add3A_334 : vector<16xi32>
        %gather3A_336 = tpu.vector_load_idx %arg6[%add3A_335] : memref<64000xf32, #tpu.memory_space<vmem>>[vector<16xi32>], vector<16xf32>,
        %add3A_337 = arith.constant 17 : i32
        %add3A_338 = vector.broadcast %add3A_337 : i32 to vector<16xi32>
        %add3A_339 = arith.addi %mul3A_91, %add3A_338 : vector<16xi32>
        %gather3A_340 = tpu.vector_load_idx %arg6[%add3A_339] : memref<64000xf32, #tpu.memory_space<vmem>>[vector<16xi32>], vector<16xf32>,
        %add3A_341 = arith.constant 17 : i32
        %add3A_342 = vector.broadcast %add3A_341 : i32 to vector<16xi32>
        %add3A_343 = arith.addi %add3A_95, %add3A_342 : vector<16xi32>
        %mul3A_344 = arith.mulf %sub3A_85, %gather3A_336 : vector<16xf32>
        %mul3A_345 = arith.mulf %sub3A_82, %gather3A_340 : vector<16xf32>
        %add3A_346 = arith.addf %mul3A_344, %mul3A_345 : vector<16xf32>
        tpu.vector_store_idx %arg7[%add3A_343], %add3A_346 : memref<16384xf32, #tpu.memory_space<vmem>>[vector<16xi32>], vector<16xf32>,
        %add3A_347 = arith.constant 18 : i32
        %add3A_348 = vector.broadcast %add3A_347 : i32 to vector<16xi32>
        %add3A_349 = arith.addi %mul3A_88, %add3A_348 : vector<16xi32>
        %gather3A_350 = tpu.vector_load_idx %arg6[%add3A_349] : memref<64000xf32, #tpu.memory_space<vmem>>[vector<16xi32>], vector<16xf32>,
        %add3A_351 = arith.constant 18 : i32
        %add3A_352 = vector.broadcast %add3A_351 : i32 to vector<16xi32>
        %add3A_353 = arith.addi %mul3A_91, %add3A_352 : vector<16xi32>
        %gather3A_354 = tpu.vector_load_idx %arg6[%add3A_353] : memref<64000xf32, #tpu.memory_space<vmem>>[vector<16xi32>], vector<16xf32>,
        %add3A_355 = arith.constant 18 : i32
        %add3A_356 = vector.broadcast %add3A_355 : i32 to vector<16xi32>
        %add3A_357 = arith.addi %add3A_95, %add3A_356 : vector<16xi32>
        %mul3A_358 = arith.mulf %sub3A_85, %gather3A_350 : vector<16xf32>
        %mul3A_359 = arith.mulf %sub3A_82, %gather3A_354 : vector<16xf32>
        %add3A_360 = arith.addf %mul3A_358, %mul3A_359 : vector<16xf32>
        tpu.vector_store_idx %arg7[%add3A_357], %add3A_360 : memref<16384xf32, #tpu.memory_space<vmem>>[vector<16xi32>], vector<16xf32>,
        %add3A_361 = arith.constant 19 : i32
        %add3A_362 = vector.broadcast %add3A_361 : i32 to vector<16xi32>
        %add3A_363 = arith.addi %mul3A_88, %add3A_362 : vector<16xi32>
        %gather3A_364 = tpu.vector_load_idx %arg6[%add3A_363] : memref<64000xf32, #tpu.memory_space<vmem>>[vector<16xi32>], vector<16xf32>,
        %add3A_365 = arith.constant 19 : i32
        %add3A_366 = vector.broadcast %add3A_365 : i32 to vector<16xi32>
        %add3A_367 = arith.addi %mul3A_91, %add3A_366 : vector<16xi32>
        %gather3A_368 = tpu.vector_load_idx %arg6[%add3A_367] : memref<64000xf32, #tpu.memory_space<vmem>>[vector<16xi32>], vector<16xf32>,
        %add3A_369 = arith.constant 19 : i32
        %add3A_370 = vector.broadcast %add3A_369 : i32 to vector<16xi32>
        %add3A_371 = arith.addi %add3A_95, %add3A_370 : vector<16xi32>
        %mul3A_372 = arith.mulf %sub3A_85, %gather3A_364 : vector<16xf32>
        %mul3A_373 = arith.mulf %sub3A_82, %gather3A_368 : vector<16xf32>
        %add3A_374 = arith.addf %mul3A_372, %mul3A_373 : vector<16xf32>
        tpu.vector_store_idx %arg7[%add3A_371], %add3A_374 : memref<16384xf32, #tpu.memory_space<vmem>>[vector<16xi32>], vector<16xf32>,
        %add3A_375 = arith.constant 20 : i32
        %add3A_376 = vector.broadcast %add3A_375 : i32 to vector<16xi32>
        %add3A_377 = arith.addi %mul3A_88, %add3A_376 : vector<16xi32>
        %gather3A_378 = tpu.vector_load_idx %arg6[%add3A_377] : memref<64000xf32, #tpu.memory_space<vmem>>[vector<16xi32>], vector<16xf32>,
        %add3A_379 = arith.constant 20 : i32
        %add3A_380 = vector.broadcast %add3A_379 : i32 to vector<16xi32>
        %add3A_381 = arith.addi %mul3A_91, %add3A_380 : vector<16xi32>
        %gather3A_382 = tpu.vector_load_idx %arg6[%add3A_381] : memref<64000xf32, #tpu.memory_space<vmem>>[vector<16xi32>], vector<16xf32>,
        %add3A_383 = arith.constant 20 : i32
        %add3A_384 = vector.broadcast %add3A_383 : i32 to vector<16xi32>
        %add3A_385 = arith.addi %add3A_95, %add3A_384 : vector<16xi32>
        %mul3A_386 = arith.mulf %sub3A_85, %gather3A_378 : vector<16xf32>
        %mul3A_387 = arith.mulf %sub3A_82, %gather3A_382 : vector<16xf32>
        %add3A_388 = arith.addf %mul3A_386, %mul3A_387 : vector<16xf32>
        tpu.vector_store_idx %arg7[%add3A_385], %add3A_388 : memref<16384xf32, #tpu.memory_space<vmem>>[vector<16xi32>], vector<16xf32>,
        %add3A_389 = arith.constant 21 : i32
        %add3A_390 = vector.broadcast %add3A_389 : i32 to vector<16xi32>
        %add3A_391 = arith.addi %mul3A_88, %add3A_390 : vector<16xi32>
        %gather3A_392 = tpu.vector_load_idx %arg6[%add3A_391] : memref<64000xf32, #tpu.memory_space<vmem>>[vector<16xi32>], vector<16xf32>,
        %add3A_393 = arith.constant 21 : i32
        %add3A_394 = vector.broadcast %add3A_393 : i32 to vector<16xi32>
        %add3A_395 = arith.addi %mul3A_91, %add3A_394 : vector<16xi32>
        %gather3A_396 = tpu.vector_load_idx %arg6[%add3A_395] : memref<64000xf32, #tpu.memory_space<vmem>>[vector<16xi32>], vector<16xf32>,
        %add3A_397 = arith.constant 21 : i32
        %add3A_398 = vector.broadcast %add3A_397 : i32 to vector<16xi32>
        %add3A_399 = arith.addi %add3A_95, %add3A_398 : vector<16xi32>
        %mul3A_400 = arith.mulf %sub3A_85, %gather3A_392 : vector<16xf32>
        %mul3A_401 = arith.mulf %sub3A_82, %gather3A_396 : vector<16xf32>
        %add3A_402 = arith.addf %mul3A_400, %mul3A_401 : vector<16xf32>
        tpu.vector_store_idx %arg7[%add3A_399], %add3A_402 : memref<16384xf32, #tpu.memory_space<vmem>>[vector<16xi32>], vector<16xf32>,
        %add3A_403 = arith.constant 22 : i32
        %add3A_404 = vector.broadcast %add3A_403 : i32 to vector<16xi32>
        %add3A_405 = arith.addi %mul3A_88, %add3A_404 : vector<16xi32>
        %gather3A_406 = tpu.vector_load_idx %arg6[%add3A_405] : memref<64000xf32, #tpu.memory_space<vmem>>[vector<16xi32>], vector<16xf32>,
        %add3A_407 = arith.constant 22 : i32
        %add3A_408 = vector.broadcast %add3A_407 : i32 to vector<16xi32>
        %add3A_409 = arith.addi %mul3A_91, %add3A_408 : vector<16xi32>
        %gather3A_410 = tpu.vector_load_idx %arg6[%add3A_409] : memref<64000xf32, #tpu.memory_space<vmem>>[vector<16xi32>], vector<16xf32>,
        %add3A_411 = arith.constant 22 : i32
        %add3A_412 = vector.broadcast %add3A_411 : i32 to vector<16xi32>
        %add3A_413 = arith.addi %add3A_95, %add3A_412 : vector<16xi32>
        %mul3A_414 = arith.mulf %sub3A_85, %gather3A_406 : vector<16xf32>
        %mul3A_415 = arith.mulf %sub3A_82, %gather3A_410 : vector<16xf32>
        %add3A_416 = arith.addf %mul3A_414, %mul3A_415 : vector<16xf32>
        tpu.vector_store_idx %arg7[%add3A_413], %add3A_416 : memref<16384xf32, #tpu.memory_space<vmem>>[vector<16xi32>], vector<16xf32>,
        %add3A_417 = arith.constant 23 : i32
        %add3A_418 = vector.broadcast %add3A_417 : i32 to vector<16xi32>
        %add3A_419 = arith.addi %mul3A_88, %add3A_418 : vector<16xi32>
        %gather3A_420 = tpu.vector_load_idx %arg6[%add3A_419] : memref<64000xf32, #tpu.memory_space<vmem>>[vector<16xi32>], vector<16xf32>,
        %add3A_421 = arith.constant 23 : i32
        %add3A_422 = vector.broadcast %add3A_421 : i32 to vector<16xi32>
        %add3A_423 = arith.addi %mul3A_91, %add3A_422 : vector<16xi32>
        %gather3A_424 = tpu.vector_load_idx %arg6[%add3A_423] : memref<64000xf32, #tpu.memory_space<vmem>>[vector<16xi32>], vector<16xf32>,
        %add3A_425 = arith.constant 23 : i32
        %add3A_426 = vector.broadcast %add3A_425 : i32 to vector<16xi32>
        %add3A_427 = arith.addi %add3A_95, %add3A_426 : vector<16xi32>
        %mul3A_428 = arith.mulf %sub3A_85, %gather3A_420 : vector<16xf32>
        %mul3A_429 = arith.mulf %sub3A_82, %gather3A_424 : vector<16xf32>
        %add3A_430 = arith.addf %mul3A_428, %mul3A_429 : vector<16xf32>
        tpu.vector_store_idx %arg7[%add3A_427], %add3A_430 : memref<16384xf32, #tpu.memory_space<vmem>>[vector<16xi32>], vector<16xf32>,
        %add3A_431 = arith.constant 24 : i32
        %add3A_432 = vector.broadcast %add3A_431 : i32 to vector<16xi32>
        %add3A_433 = arith.addi %mul3A_88, %add3A_432 : vector<16xi32>
        %gather3A_434 = tpu.vector_load_idx %arg6[%add3A_433] : memref<64000xf32, #tpu.memory_space<vmem>>[vector<16xi32>], vector<16xf32>,
        %add3A_435 = arith.constant 24 : i32
        %add3A_436 = vector.broadcast %add3A_435 : i32 to vector<16xi32>
        %add3A_437 = arith.addi %mul3A_91, %add3A_436 : vector<16xi32>
        %gather3A_438 = tpu.vector_load_idx %arg6[%add3A_437] : memref<64000xf32, #tpu.memory_space<vmem>>[vector<16xi32>], vector<16xf32>,
        %add3A_439 = arith.constant 24 : i32
        %add3A_440 = vector.broadcast %add3A_439 : i32 to vector<16xi32>
        %add3A_441 = arith.addi %add3A_95, %add3A_440 : vector<16xi32>
        %mul3A_442 = arith.mulf %sub3A_85, %gather3A_434 : vector<16xf32>
        %mul3A_443 = arith.mulf %sub3A_82, %gather3A_438 : vector<16xf32>
        %add3A_444 = arith.addf %mul3A_442, %mul3A_443 : vector<16xf32>
        tpu.vector_store_idx %arg7[%add3A_441], %add3A_444 : memref<16384xf32, #tpu.memory_space<vmem>>[vector<16xi32>], vector<16xf32>,
        %add3A_445 = arith.constant 25 : i32
        %add3A_446 = vector.broadcast %add3A_445 : i32 to vector<16xi32>
        %add3A_447 = arith.addi %mul3A_88, %add3A_446 : vector<16xi32>
        %gather3A_448 = tpu.vector_load_idx %arg6[%add3A_447] : memref<64000xf32, #tpu.memory_space<vmem>>[vector<16xi32>], vector<16xf32>,
        %add3A_449 = arith.constant 25 : i32
        %add3A_450 = vector.broadcast %add3A_449 : i32 to vector<16xi32>
        %add3A_451 = arith.addi %mul3A_91, %add3A_450 : vector<16xi32>
        %gather3A_452 = tpu.vector_load_idx %arg6[%add3A_451] : memref<64000xf32, #tpu.memory_space<vmem>>[vector<16xi32>], vector<16xf32>,
        %add3A_453 = arith.constant 25 : i32
        %add3A_454 = vector.broadcast %add3A_453 : i32 to vector<16xi32>
        %add3A_455 = arith.addi %add3A_95, %add3A_454 : vector<16xi32>
        %mul3A_456 = arith.mulf %sub3A_85, %gather3A_448 : vector<16xf32>
        %mul3A_457 = arith.mulf %sub3A_82, %gather3A_452 : vector<16xf32>
        %add3A_458 = arith.addf %mul3A_456, %mul3A_457 : vector<16xf32>
        tpu.vector_store_idx %arg7[%add3A_455], %add3A_458 : memref<16384xf32, #tpu.memory_space<vmem>>[vector<16xi32>], vector<16xf32>,
        %add3A_459 = arith.constant 26 : i32
        %add3A_460 = vector.broadcast %add3A_459 : i32 to vector<16xi32>
        %add3A_461 = arith.addi %mul3A_88, %add3A_460 : vector<16xi32>
        %gather3A_462 = tpu.vector_load_idx %arg6[%add3A_461] : memref<64000xf32, #tpu.memory_space<vmem>>[vector<16xi32>], vector<16xf32>,
        %add3A_463 = arith.constant 26 : i32
        %add3A_464 = vector.broadcast %add3A_463 : i32 to vector<16xi32>
        %add3A_465 = arith.addi %mul3A_91, %add3A_464 : vector<16xi32>
        %gather3A_466 = tpu.vector_load_idx %arg6[%add3A_465] : memref<64000xf32, #tpu.memory_space<vmem>>[vector<16xi32>], vector<16xf32>,
        %add3A_467 = arith.constant 26 : i32
        %add3A_468 = vector.broadcast %add3A_467 : i32 to vector<16xi32>
        %add3A_469 = arith.addi %add3A_95, %add3A_468 : vector<16xi32>
        %mul3A_470 = arith.mulf %sub3A_85, %gather3A_462 : vector<16xf32>
        %mul3A_471 = arith.mulf %sub3A_82, %gather3A_466 : vector<16xf32>
        %add3A_472 = arith.addf %mul3A_470, %mul3A_471 : vector<16xf32>
        tpu.vector_store_idx %arg7[%add3A_469], %add3A_472 : memref<16384xf32, #tpu.memory_space<vmem>>[vector<16xi32>], vector<16xf32>,
        %add3A_473 = arith.constant 27 : i32
        %add3A_474 = vector.broadcast %add3A_473 : i32 to vector<16xi32>
        %add3A_475 = arith.addi %mul3A_88, %add3A_474 : vector<16xi32>
        %gather3A_476 = tpu.vector_load_idx %arg6[%add3A_475] : memref<64000xf32, #tpu.memory_space<vmem>>[vector<16xi32>], vector<16xf32>,
        %add3A_477 = arith.constant 27 : i32
        %add3A_478 = vector.broadcast %add3A_477 : i32 to vector<16xi32>
        %add3A_479 = arith.addi %mul3A_91, %add3A_478 : vector<16xi32>
        %gather3A_480 = tpu.vector_load_idx %arg6[%add3A_479] : memref<64000xf32, #tpu.memory_space<vmem>>[vector<16xi32>], vector<16xf32>,
        %add3A_481 = arith.constant 27 : i32
        %add3A_482 = vector.broadcast %add3A_481 : i32 to vector<16xi32>
        %add3A_483 = arith.addi %add3A_95, %add3A_482 : vector<16xi32>
        %mul3A_484 = arith.mulf %sub3A_85, %gather3A_476 : vector<16xf32>
        %mul3A_485 = arith.mulf %sub3A_82, %gather3A_480 : vector<16xf32>
        %add3A_486 = arith.addf %mul3A_484, %mul3A_485 : vector<16xf32>
        tpu.vector_store_idx %arg7[%add3A_483], %add3A_486 : memref<16384xf32, #tpu.memory_space<vmem>>[vector<16xi32>], vector<16xf32>,
        %add3A_487 = arith.constant 28 : i32
        %add3A_488 = vector.broadcast %add3A_487 : i32 to vector<16xi32>
        %add3A_489 = arith.addi %mul3A_88, %add3A_488 : vector<16xi32>
        %gather3A_490 = tpu.vector_load_idx %arg6[%add3A_489] : memref<64000xf32, #tpu.memory_space<vmem>>[vector<16xi32>], vector<16xf32>,
        %add3A_491 = arith.constant 28 : i32
        %add3A_492 = vector.broadcast %add3A_491 : i32 to vector<16xi32>
        %add3A_493 = arith.addi %mul3A_91, %add3A_492 : vector<16xi32>
        %gather3A_494 = tpu.vector_load_idx %arg6[%add3A_493] : memref<64000xf32, #tpu.memory_space<vmem>>[vector<16xi32>], vector<16xf32>,
        %add3A_495 = arith.constant 28 : i32
        %add3A_496 = vector.broadcast %add3A_495 : i32 to vector<16xi32>
        %add3A_497 = arith.addi %add3A_95, %add3A_496 : vector<16xi32>
        %mul3A_498 = arith.mulf %sub3A_85, %gather3A_490 : vector<16xf32>
        %mul3A_499 = arith.mulf %sub3A_82, %gather3A_494 : vector<16xf32>
        %add3A_500 = arith.addf %mul3A_498, %mul3A_499 : vector<16xf32>
        tpu.vector_store_idx %arg7[%add3A_497], %add3A_500 : memref<16384xf32, #tpu.memory_space<vmem>>[vector<16xi32>], vector<16xf32>,
        %add3A_501 = arith.constant 29 : i32
        %add3A_502 = vector.broadcast %add3A_501 : i32 to vector<16xi32>
        %add3A_503 = arith.addi %mul3A_88, %add3A_502 : vector<16xi32>
        %gather3A_504 = tpu.vector_load_idx %arg6[%add3A_503] : memref<64000xf32, #tpu.memory_space<vmem>>[vector<16xi32>], vector<16xf32>,
        %add3A_505 = arith.constant 29 : i32
        %add3A_506 = vector.broadcast %add3A_505 : i32 to vector<16xi32>
        %add3A_507 = arith.addi %mul3A_91, %add3A_506 : vector<16xi32>
        %gather3A_508 = tpu.vector_load_idx %arg6[%add3A_507] : memref<64000xf32, #tpu.memory_space<vmem>>[vector<16xi32>], vector<16xf32>,
        %add3A_509 = arith.constant 29 : i32
        %add3A_510 = vector.broadcast %add3A_509 : i32 to vector<16xi32>
        %add3A_511 = arith.addi %add3A_95, %add3A_510 : vector<16xi32>
        %mul3A_512 = arith.mulf %sub3A_85, %gather3A_504 : vector<16xf32>
        %mul3A_513 = arith.mulf %sub3A_82, %gather3A_508 : vector<16xf32>
        %add3A_514 = arith.addf %mul3A_512, %mul3A_513 : vector<16xf32>
        tpu.vector_store_idx %arg7[%add3A_511], %add3A_514 : memref<16384xf32, #tpu.memory_space<vmem>>[vector<16xi32>], vector<16xf32>,
        %add3A_515 = arith.constant 30 : i32
        %add3A_516 = vector.broadcast %add3A_515 : i32 to vector<16xi32>
        %add3A_517 = arith.addi %mul3A_88, %add3A_516 : vector<16xi32>
        %gather3A_518 = tpu.vector_load_idx %arg6[%add3A_517] : memref<64000xf32, #tpu.memory_space<vmem>>[vector<16xi32>], vector<16xf32>,
        %add3A_519 = arith.constant 30 : i32
        %add3A_520 = vector.broadcast %add3A_519 : i32 to vector<16xi32>
        %add3A_521 = arith.addi %mul3A_91, %add3A_520 : vector<16xi32>
        %gather3A_522 = tpu.vector_load_idx %arg6[%add3A_521] : memref<64000xf32, #tpu.memory_space<vmem>>[vector<16xi32>], vector<16xf32>,
        %add3A_523 = arith.constant 30 : i32
        %add3A_524 = vector.broadcast %add3A_523 : i32 to vector<16xi32>
        %add3A_525 = arith.addi %add3A_95, %add3A_524 : vector<16xi32>
        %mul3A_526 = arith.mulf %sub3A_85, %gather3A_518 : vector<16xf32>
        %mul3A_527 = arith.mulf %sub3A_82, %gather3A_522 : vector<16xf32>
        %add3A_528 = arith.addf %mul3A_526, %mul3A_527 : vector<16xf32>
        tpu.vector_store_idx %arg7[%add3A_525], %add3A_528 : memref<16384xf32, #tpu.memory_space<vmem>>[vector<16xi32>], vector<16xf32>,
        %add3A_529 = arith.constant 31 : i32
        %add3A_530 = vector.broadcast %add3A_529 : i32 to vector<16xi32>
        %add3A_531 = arith.addi %mul3A_88, %add3A_530 : vector<16xi32>
        %gather3A_532 = tpu.vector_load_idx %arg6[%add3A_531] : memref<64000xf32, #tpu.memory_space<vmem>>[vector<16xi32>], vector<16xf32>,
        %add3A_533 = arith.constant 31 : i32
        %add3A_534 = vector.broadcast %add3A_533 : i32 to vector<16xi32>
        %add3A_535 = arith.addi %mul3A_91, %add3A_534 : vector<16xi32>
        %gather3A_536 = tpu.vector_load_idx %arg6[%add3A_535] : memref<64000xf32, #tpu.memory_space<vmem>>[vector<16xi32>], vector<16xf32>,
        %add3A_537 = arith.constant 31 : i32
        %add3A_538 = vector.broadcast %add3A_537 : i32 to vector<16xi32>
        %add3A_539 = arith.addi %add3A_95, %add3A_538 : vector<16xi32>
        %mul3A_540 = arith.mulf %sub3A_85, %gather3A_532 : vector<16xf32>
        %mul3A_541 = arith.mulf %sub3A_82, %gather3A_536 : vector<16xf32>
        %add3A_542 = arith.addf %mul3A_540, %mul3A_541 : vector<16xf32>
        tpu.vector_store_idx %arg7[%add3A_539], %add3A_542 : memref<16384xf32, #tpu.memory_space<vmem>>[vector<16xi32>], vector<16xf32>,
        %add3A_543 = arith.constant 32 : i32
        %add3A_544 = vector.broadcast %add3A_543 : i32 to vector<16xi32>
        %add3A_545 = arith.addi %mul3A_88, %add3A_544 : vector<16xi32>
        %gather3A_546 = tpu.vector_load_idx %arg6[%add3A_545] : memref<64000xf32, #tpu.memory_space<vmem>>[vector<16xi32>], vector<16xf32>,
        %add3A_547 = arith.constant 32 : i32
        %add3A_548 = vector.broadcast %add3A_547 : i32 to vector<16xi32>
        %add3A_549 = arith.addi %mul3A_91, %add3A_548 : vector<16xi32>
        %gather3A_550 = tpu.vector_load_idx %arg6[%add3A_549] : memref<64000xf32, #tpu.memory_space<vmem>>[vector<16xi32>], vector<16xf32>,
        %add3A_551 = arith.constant 32 : i32
        %add3A_552 = vector.broadcast %add3A_551 : i32 to vector<16xi32>
        %add3A_553 = arith.addi %add3A_95, %add3A_552 : vector<16xi32>
        %mul3A_554 = arith.mulf %sub3A_85, %gather3A_546 : vector<16xf32>
        %mul3A_555 = arith.mulf %sub3A_82, %gather3A_550 : vector<16xf32>
        %add3A_556 = arith.addf %mul3A_554, %mul3A_555 : vector<16xf32>
        tpu.vector_store_idx %arg7[%add3A_553], %add3A_556 : memref<16384xf32, #tpu.memory_space<vmem>>[vector<16xi32>], vector<16xf32>,
        %add3A_557 = arith.constant 33 : i32
        %add3A_558 = vector.broadcast %add3A_557 : i32 to vector<16xi32>
        %add3A_559 = arith.addi %mul3A_88, %add3A_558 : vector<16xi32>
        %gather3A_560 = tpu.vector_load_idx %arg6[%add3A_559] : memref<64000xf32, #tpu.memory_space<vmem>>[vector<16xi32>], vector<16xf32>,
        %add3A_561 = arith.constant 33 : i32
        %add3A_562 = vector.broadcast %add3A_561 : i32 to vector<16xi32>
        %add3A_563 = arith.addi %mul3A_91, %add3A_562 : vector<16xi32>
        %gather3A_564 = tpu.vector_load_idx %arg6[%add3A_563] : memref<64000xf32, #tpu.memory_space<vmem>>[vector<16xi32>], vector<16xf32>,
        %add3A_565 = arith.constant 33 : i32
        %add3A_566 = vector.broadcast %add3A_565 : i32 to vector<16xi32>
        %add3A_567 = arith.addi %add3A_95, %add3A_566 : vector<16xi32>
        %mul3A_568 = arith.mulf %sub3A_85, %gather3A_560 : vector<16xf32>
        %mul3A_569 = arith.mulf %sub3A_82, %gather3A_564 : vector<16xf32>
        %add3A_570 = arith.addf %mul3A_568, %mul3A_569 : vector<16xf32>
        tpu.vector_store_idx %arg7[%add3A_567], %add3A_570 : memref<16384xf32, #tpu.memory_space<vmem>>[vector<16xi32>], vector<16xf32>,
        %add3A_571 = arith.constant 34 : i32
        %add3A_572 = vector.broadcast %add3A_571 : i32 to vector<16xi32>
        %add3A_573 = arith.addi %mul3A_88, %add3A_572 : vector<16xi32>
        %gather3A_574 = tpu.vector_load_idx %arg6[%add3A_573] : memref<64000xf32, #tpu.memory_space<vmem>>[vector<16xi32>], vector<16xf32>,
        %add3A_575 = arith.constant 34 : i32
        %add3A_576 = vector.broadcast %add3A_575 : i32 to vector<16xi32>
        %add3A_577 = arith.addi %mul3A_91, %add3A_576 : vector<16xi32>
        %gather3A_578 = tpu.vector_load_idx %arg6[%add3A_577] : memref<64000xf32, #tpu.memory_space<vmem>>[vector<16xi32>], vector<16xf32>,
        %add3A_579 = arith.constant 34 : i32
        %add3A_580 = vector.broadcast %add3A_579 : i32 to vector<16xi32>
        %add3A_581 = arith.addi %add3A_95, %add3A_580 : vector<16xi32>
        %mul3A_582 = arith.mulf %sub3A_85, %gather3A_574 : vector<16xf32>
        %mul3A_583 = arith.mulf %sub3A_82, %gather3A_578 : vector<16xf32>
        %add3A_584 = arith.addf %mul3A_582, %mul3A_583 : vector<16xf32>
        tpu.vector_store_idx %arg7[%add3A_581], %add3A_584 : memref<16384xf32, #tpu.memory_space<vmem>>[vector<16xi32>], vector<16xf32>,
        %add3A_585 = arith.constant 35 : i32
        %add3A_586 = vector.broadcast %add3A_585 : i32 to vector<16xi32>
        %add3A_587 = arith.addi %mul3A_88, %add3A_586 : vector<16xi32>
        %gather3A_588 = tpu.vector_load_idx %arg6[%add3A_587] : memref<64000xf32, #tpu.memory_space<vmem>>[vector<16xi32>], vector<16xf32>,
        %add3A_589 = arith.constant 35 : i32
        %add3A_590 = vector.broadcast %add3A_589 : i32 to vector<16xi32>
        %add3A_591 = arith.addi %mul3A_91, %add3A_590 : vector<16xi32>
        %gather3A_592 = tpu.vector_load_idx %arg6[%add3A_591] : memref<64000xf32, #tpu.memory_space<vmem>>[vector<16xi32>], vector<16xf32>,
        %add3A_593 = arith.constant 35 : i32
        %add3A_594 = vector.broadcast %add3A_593 : i32 to vector<16xi32>
        %add3A_595 = arith.addi %add3A_95, %add3A_594 : vector<16xi32>
        %mul3A_596 = arith.mulf %sub3A_85, %gather3A_588 : vector<16xf32>
        %mul3A_597 = arith.mulf %sub3A_82, %gather3A_592 : vector<16xf32>
        %add3A_598 = arith.addf %mul3A_596, %mul3A_597 : vector<16xf32>
        tpu.vector_store_idx %arg7[%add3A_595], %add3A_598 : memref<16384xf32, #tpu.memory_space<vmem>>[vector<16xi32>], vector<16xf32>,
        %add3A_599 = arith.constant 36 : i32
        %add3A_600 = vector.broadcast %add3A_599 : i32 to vector<16xi32>
        %add3A_601 = arith.addi %mul3A_88, %add3A_600 : vector<16xi32>
        %gather3A_602 = tpu.vector_load_idx %arg6[%add3A_601] : memref<64000xf32, #tpu.memory_space<vmem>>[vector<16xi32>], vector<16xf32>,
        %add3A_603 = arith.constant 36 : i32
        %add3A_604 = vector.broadcast %add3A_603 : i32 to vector<16xi32>
        %add3A_605 = arith.addi %mul3A_91, %add3A_604 : vector<16xi32>
        %gather3A_606 = tpu.vector_load_idx %arg6[%add3A_605] : memref<64000xf32, #tpu.memory_space<vmem>>[vector<16xi32>], vector<16xf32>,
        %add3A_607 = arith.constant 36 : i32
        %add3A_608 = vector.broadcast %add3A_607 : i32 to vector<16xi32>
        %add3A_609 = arith.addi %add3A_95, %add3A_608 : vector<16xi32>
        %mul3A_610 = arith.mulf %sub3A_85, %gather3A_602 : vector<16xf32>
        %mul3A_611 = arith.mulf %sub3A_82, %gather3A_606 : vector<16xf32>
        %add3A_612 = arith.addf %mul3A_610, %mul3A_611 : vector<16xf32>
        tpu.vector_store_idx %arg7[%add3A_609], %add3A_612 : memref<16384xf32, #tpu.memory_space<vmem>>[vector<16xi32>], vector<16xf32>,
        %add3A_613 = arith.constant 37 : i32
        %add3A_614 = vector.broadcast %add3A_613 : i32 to vector<16xi32>
        %add3A_615 = arith.addi %mul3A_88, %add3A_614 : vector<16xi32>
        %gather3A_616 = tpu.vector_load_idx %arg6[%add3A_615] : memref<64000xf32, #tpu.memory_space<vmem>>[vector<16xi32>], vector<16xf32>,
        %add3A_617 = arith.constant 37 : i32
        %add3A_618 = vector.broadcast %add3A_617 : i32 to vector<16xi32>
        %add3A_619 = arith.addi %mul3A_91, %add3A_618 : vector<16xi32>
        %gather3A_620 = tpu.vector_load_idx %arg6[%add3A_619] : memref<64000xf32, #tpu.memory_space<vmem>>[vector<16xi32>], vector<16xf32>,
        %add3A_621 = arith.constant 37 : i32
        %add3A_622 = vector.broadcast %add3A_621 : i32 to vector<16xi32>
        %add3A_623 = arith.addi %add3A_95, %add3A_622 : vector<16xi32>
        %mul3A_624 = arith.mulf %sub3A_85, %gather3A_616 : vector<16xf32>
        %mul3A_625 = arith.mulf %sub3A_82, %gather3A_620 : vector<16xf32>
        %add3A_626 = arith.addf %mul3A_624, %mul3A_625 : vector<16xf32>
        tpu.vector_store_idx %arg7[%add3A_623], %add3A_626 : memref<16384xf32, #tpu.memory_space<vmem>>[vector<16xi32>], vector<16xf32>,
        %add3A_627 = arith.constant 38 : i32
        %add3A_628 = vector.broadcast %add3A_627 : i32 to vector<16xi32>
        %add3A_629 = arith.addi %mul3A_88, %add3A_628 : vector<16xi32>
        %gather3A_630 = tpu.vector_load_idx %arg6[%add3A_629] : memref<64000xf32, #tpu.memory_space<vmem>>[vector<16xi32>], vector<16xf32>,
        %add3A_631 = arith.constant 38 : i32
        %add3A_632 = vector.broadcast %add3A_631 : i32 to vector<16xi32>
        %add3A_633 = arith.addi %mul3A_91, %add3A_632 : vector<16xi32>
        %gather3A_634 = tpu.vector_load_idx %arg6[%add3A_633] : memref<64000xf32, #tpu.memory_space<vmem>>[vector<16xi32>], vector<16xf32>,
        %add3A_635 = arith.constant 38 : i32
        %add3A_636 = vector.broadcast %add3A_635 : i32 to vector<16xi32>
        %add3A_637 = arith.addi %add3A_95, %add3A_636 : vector<16xi32>
        %mul3A_638 = arith.mulf %sub3A_85, %gather3A_630 : vector<16xf32>
        %mul3A_639 = arith.mulf %sub3A_82, %gather3A_634 : vector<16xf32>
        %add3A_640 = arith.addf %mul3A_638, %mul3A_639 : vector<16xf32>
        tpu.vector_store_idx %arg7[%add3A_637], %add3A_640 : memref<16384xf32, #tpu.memory_space<vmem>>[vector<16xi32>], vector<16xf32>,
        %add3A_641 = arith.constant 39 : i32
        %add3A_642 = vector.broadcast %add3A_641 : i32 to vector<16xi32>
        %add3A_643 = arith.addi %mul3A_88, %add3A_642 : vector<16xi32>
        %gather3A_644 = tpu.vector_load_idx %arg6[%add3A_643] : memref<64000xf32, #tpu.memory_space<vmem>>[vector<16xi32>], vector<16xf32>,
        %add3A_645 = arith.constant 39 : i32
        %add3A_646 = vector.broadcast %add3A_645 : i32 to vector<16xi32>
        %add3A_647 = arith.addi %mul3A_91, %add3A_646 : vector<16xi32>
        %gather3A_648 = tpu.vector_load_idx %arg6[%add3A_647] : memref<64000xf32, #tpu.memory_space<vmem>>[vector<16xi32>], vector<16xf32>,
        %add3A_649 = arith.constant 39 : i32
        %add3A_650 = vector.broadcast %add3A_649 : i32 to vector<16xi32>
        %add3A_651 = arith.addi %add3A_95, %add3A_650 : vector<16xi32>
        %mul3A_652 = arith.mulf %sub3A_85, %gather3A_644 : vector<16xf32>
        %mul3A_653 = arith.mulf %sub3A_82, %gather3A_648 : vector<16xf32>
        %add3A_654 = arith.addf %mul3A_652, %mul3A_653 : vector<16xf32>
        tpu.vector_store_idx %arg7[%add3A_651], %add3A_654 : memref<16384xf32, #tpu.memory_space<vmem>>[vector<16xi32>], vector<16xf32>,
        %add3A_655 = arith.constant 40 : i32
        %add3A_656 = vector.broadcast %add3A_655 : i32 to vector<16xi32>
        %add3A_657 = arith.addi %mul3A_88, %add3A_656 : vector<16xi32>
        %gather3A_658 = tpu.vector_load_idx %arg6[%add3A_657] : memref<64000xf32, #tpu.memory_space<vmem>>[vector<16xi32>], vector<16xf32>,
        %add3A_659 = arith.constant 40 : i32
        %add3A_660 = vector.broadcast %add3A_659 : i32 to vector<16xi32>
        %add3A_661 = arith.addi %mul3A_91, %add3A_660 : vector<16xi32>
        %gather3A_662 = tpu.vector_load_idx %arg6[%add3A_661] : memref<64000xf32, #tpu.memory_space<vmem>>[vector<16xi32>], vector<16xf32>,
        %add3A_663 = arith.constant 40 : i32
        %add3A_664 = vector.broadcast %add3A_663 : i32 to vector<16xi32>
        %add3A_665 = arith.addi %add3A_95, %add3A_664 : vector<16xi32>
        %mul3A_666 = arith.mulf %sub3A_85, %gather3A_658 : vector<16xf32>
        %mul3A_667 = arith.mulf %sub3A_82, %gather3A_662 : vector<16xf32>
        %add3A_668 = arith.addf %mul3A_666, %mul3A_667 : vector<16xf32>
        tpu.vector_store_idx %arg7[%add3A_665], %add3A_668 : memref<16384xf32, #tpu.memory_space<vmem>>[vector<16xi32>], vector<16xf32>,
        %add3A_669 = arith.constant 41 : i32
        %add3A_670 = vector.broadcast %add3A_669 : i32 to vector<16xi32>
        %add3A_671 = arith.addi %mul3A_88, %add3A_670 : vector<16xi32>
        %gather3A_672 = tpu.vector_load_idx %arg6[%add3A_671] : memref<64000xf32, #tpu.memory_space<vmem>>[vector<16xi32>], vector<16xf32>,
        %add3A_673 = arith.constant 41 : i32
        %add3A_674 = vector.broadcast %add3A_673 : i32 to vector<16xi32>
        %add3A_675 = arith.addi %mul3A_91, %add3A_674 : vector<16xi32>
        %gather3A_676 = tpu.vector_load_idx %arg6[%add3A_675] : memref<64000xf32, #tpu.memory_space<vmem>>[vector<16xi32>], vector<16xf32>,
        %add3A_677 = arith.constant 41 : i32
        %add3A_678 = vector.broadcast %add3A_677 : i32 to vector<16xi32>
        %add3A_679 = arith.addi %add3A_95, %add3A_678 : vector<16xi32>
        %mul3A_680 = arith.mulf %sub3A_85, %gather3A_672 : vector<16xf32>
        %mul3A_681 = arith.mulf %sub3A_82, %gather3A_676 : vector<16xf32>
        %add3A_682 = arith.addf %mul3A_680, %mul3A_681 : vector<16xf32>
        tpu.vector_store_idx %arg7[%add3A_679], %add3A_682 : memref<16384xf32, #tpu.memory_space<vmem>>[vector<16xi32>], vector<16xf32>,
        %add3A_683 = arith.constant 42 : i32
        %add3A_684 = vector.broadcast %add3A_683 : i32 to vector<16xi32>
        %add3A_685 = arith.addi %mul3A_88, %add3A_684 : vector<16xi32>
        %gather3A_686 = tpu.vector_load_idx %arg6[%add3A_685] : memref<64000xf32, #tpu.memory_space<vmem>>[vector<16xi32>], vector<16xf32>,
        %add3A_687 = arith.constant 42 : i32
        %add3A_688 = vector.broadcast %add3A_687 : i32 to vector<16xi32>
        %add3A_689 = arith.addi %mul3A_91, %add3A_688 : vector<16xi32>
        %gather3A_690 = tpu.vector_load_idx %arg6[%add3A_689] : memref<64000xf32, #tpu.memory_space<vmem>>[vector<16xi32>], vector<16xf32>,
        %add3A_691 = arith.constant 42 : i32
        %add3A_692 = vector.broadcast %add3A_691 : i32 to vector<16xi32>
        %add3A_693 = arith.addi %add3A_95, %add3A_692 : vector<16xi32>
        %mul3A_694 = arith.mulf %sub3A_85, %gather3A_686 : vector<16xf32>
        %mul3A_695 = arith.mulf %sub3A_82, %gather3A_690 : vector<16xf32>
        %add3A_696 = arith.addf %mul3A_694, %mul3A_695 : vector<16xf32>
        tpu.vector_store_idx %arg7[%add3A_693], %add3A_696 : memref<16384xf32, #tpu.memory_space<vmem>>[vector<16xi32>], vector<16xf32>,
        %add3A_697 = arith.constant 43 : i32
        %add3A_698 = vector.broadcast %add3A_697 : i32 to vector<16xi32>
        %add3A_699 = arith.addi %mul3A_88, %add3A_698 : vector<16xi32>
        %gather3A_700 = tpu.vector_load_idx %arg6[%add3A_699] : memref<64000xf32, #tpu.memory_space<vmem>>[vector<16xi32>], vector<16xf32>,
        %add3A_701 = arith.constant 43 : i32
        %add3A_702 = vector.broadcast %add3A_701 : i32 to vector<16xi32>
        %add3A_703 = arith.addi %mul3A_91, %add3A_702 : vector<16xi32>
        %gather3A_704 = tpu.vector_load_idx %arg6[%add3A_703] : memref<64000xf32, #tpu.memory_space<vmem>>[vector<16xi32>], vector<16xf32>,
        %add3A_705 = arith.constant 43 : i32
        %add3A_706 = vector.broadcast %add3A_705 : i32 to vector<16xi32>
        %add3A_707 = arith.addi %add3A_95, %add3A_706 : vector<16xi32>
        %mul3A_708 = arith.mulf %sub3A_85, %gather3A_700 : vector<16xf32>
        %mul3A_709 = arith.mulf %sub3A_82, %gather3A_704 : vector<16xf32>
        %add3A_710 = arith.addf %mul3A_708, %mul3A_709 : vector<16xf32>
        tpu.vector_store_idx %arg7[%add3A_707], %add3A_710 : memref<16384xf32, #tpu.memory_space<vmem>>[vector<16xi32>], vector<16xf32>,
        %add3A_711 = arith.constant 44 : i32
        %add3A_712 = vector.broadcast %add3A_711 : i32 to vector<16xi32>
        %add3A_713 = arith.addi %mul3A_88, %add3A_712 : vector<16xi32>
        %gather3A_714 = tpu.vector_load_idx %arg6[%add3A_713] : memref<64000xf32, #tpu.memory_space<vmem>>[vector<16xi32>], vector<16xf32>,
        %add3A_715 = arith.constant 44 : i32
        %add3A_716 = vector.broadcast %add3A_715 : i32 to vector<16xi32>
        %add3A_717 = arith.addi %mul3A_91, %add3A_716 : vector<16xi32>
        %gather3A_718 = tpu.vector_load_idx %arg6[%add3A_717] : memref<64000xf32, #tpu.memory_space<vmem>>[vector<16xi32>], vector<16xf32>,
        %add3A_719 = arith.constant 44 : i32
        %add3A_720 = vector.broadcast %add3A_719 : i32 to vector<16xi32>
        %add3A_721 = arith.addi %add3A_95, %add3A_720 : vector<16xi32>
        %mul3A_722 = arith.mulf %sub3A_85, %gather3A_714 : vector<16xf32>
        %mul3A_723 = arith.mulf %sub3A_82, %gather3A_718 : vector<16xf32>
        %add3A_724 = arith.addf %mul3A_722, %mul3A_723 : vector<16xf32>
        tpu.vector_store_idx %arg7[%add3A_721], %add3A_724 : memref<16384xf32, #tpu.memory_space<vmem>>[vector<16xi32>], vector<16xf32>,
        %add3A_725 = arith.constant 45 : i32
        %add3A_726 = vector.broadcast %add3A_725 : i32 to vector<16xi32>
        %add3A_727 = arith.addi %mul3A_88, %add3A_726 : vector<16xi32>
        %gather3A_728 = tpu.vector_load_idx %arg6[%add3A_727] : memref<64000xf32, #tpu.memory_space<vmem>>[vector<16xi32>], vector<16xf32>,
        %add3A_729 = arith.constant 45 : i32
        %add3A_730 = vector.broadcast %add3A_729 : i32 to vector<16xi32>
        %add3A_731 = arith.addi %mul3A_91, %add3A_730 : vector<16xi32>
        %gather3A_732 = tpu.vector_load_idx %arg6[%add3A_731] : memref<64000xf32, #tpu.memory_space<vmem>>[vector<16xi32>], vector<16xf32>,
        %add3A_733 = arith.constant 45 : i32
        %add3A_734 = vector.broadcast %add3A_733 : i32 to vector<16xi32>
        %add3A_735 = arith.addi %add3A_95, %add3A_734 : vector<16xi32>
        %mul3A_736 = arith.mulf %sub3A_85, %gather3A_728 : vector<16xf32>
        %mul3A_737 = arith.mulf %sub3A_82, %gather3A_732 : vector<16xf32>
        %add3A_738 = arith.addf %mul3A_736, %mul3A_737 : vector<16xf32>
        tpu.vector_store_idx %arg7[%add3A_735], %add3A_738 : memref<16384xf32, #tpu.memory_space<vmem>>[vector<16xi32>], vector<16xf32>,
        %add3A_739 = arith.constant 46 : i32
        %add3A_740 = vector.broadcast %add3A_739 : i32 to vector<16xi32>
        %add3A_741 = arith.addi %mul3A_88, %add3A_740 : vector<16xi32>
        %gather3A_742 = tpu.vector_load_idx %arg6[%add3A_741] : memref<64000xf32, #tpu.memory_space<vmem>>[vector<16xi32>], vector<16xf32>,
        %add3A_743 = arith.constant 46 : i32
        %add3A_744 = vector.broadcast %add3A_743 : i32 to vector<16xi32>
        %add3A_745 = arith.addi %mul3A_91, %add3A_744 : vector<16xi32>
        %gather3A_746 = tpu.vector_load_idx %arg6[%add3A_745] : memref<64000xf32, #tpu.memory_space<vmem>>[vector<16xi32>], vector<16xf32>,
        %add3A_747 = arith.constant 46 : i32
        %add3A_748 = vector.broadcast %add3A_747 : i32 to vector<16xi32>
        %add3A_749 = arith.addi %add3A_95, %add3A_748 : vector<16xi32>
        %mul3A_750 = arith.mulf %sub3A_85, %gather3A_742 : vector<16xf32>
        %mul3A_751 = arith.mulf %sub3A_82, %gather3A_746 : vector<16xf32>
        %add3A_752 = arith.addf %mul3A_750, %mul3A_751 : vector<16xf32>
        tpu.vector_store_idx %arg7[%add3A_749], %add3A_752 : memref<16384xf32, #tpu.memory_space<vmem>>[vector<16xi32>], vector<16xf32>,
        %add3A_753 = arith.constant 47 : i32
        %add3A_754 = vector.broadcast %add3A_753 : i32 to vector<16xi32>
        %add3A_755 = arith.addi %mul3A_88, %add3A_754 : vector<16xi32>
        %gather3A_756 = tpu.vector_load_idx %arg6[%add3A_755] : memref<64000xf32, #tpu.memory_space<vmem>>[vector<16xi32>], vector<16xf32>,
        %add3A_757 = arith.constant 47 : i32
        %add3A_758 = vector.broadcast %add3A_757 : i32 to vector<16xi32>
        %add3A_759 = arith.addi %mul3A_91, %add3A_758 : vector<16xi32>
        %gather3A_760 = tpu.vector_load_idx %arg6[%add3A_759] : memref<64000xf32, #tpu.memory_space<vmem>>[vector<16xi32>], vector<16xf32>,
        %add3A_761 = arith.constant 47 : i32
        %add3A_762 = vector.broadcast %add3A_761 : i32 to vector<16xi32>
        %add3A_763 = arith.addi %add3A_95, %add3A_762 : vector<16xi32>
        %mul3A_764 = arith.mulf %sub3A_85, %gather3A_756 : vector<16xf32>
        %mul3A_765 = arith.mulf %sub3A_82, %gather3A_760 : vector<16xf32>
        %add3A_766 = arith.addf %mul3A_764, %mul3A_765 : vector<16xf32>
        tpu.vector_store_idx %arg7[%add3A_763], %add3A_766 : memref<16384xf32, #tpu.memory_space<vmem>>[vector<16xi32>], vector<16xf32>,
        %add3A_767 = arith.constant 48 : i32
        %add3A_768 = vector.broadcast %add3A_767 : i32 to vector<16xi32>
        %add3A_769 = arith.addi %mul3A_88, %add3A_768 : vector<16xi32>
        %gather3A_770 = tpu.vector_load_idx %arg6[%add3A_769] : memref<64000xf32, #tpu.memory_space<vmem>>[vector<16xi32>], vector<16xf32>,
        %add3A_771 = arith.constant 48 : i32
        %add3A_772 = vector.broadcast %add3A_771 : i32 to vector<16xi32>
        %add3A_773 = arith.addi %mul3A_91, %add3A_772 : vector<16xi32>
        %gather3A_774 = tpu.vector_load_idx %arg6[%add3A_773] : memref<64000xf32, #tpu.memory_space<vmem>>[vector<16xi32>], vector<16xf32>,
        %add3A_775 = arith.constant 48 : i32
        %add3A_776 = vector.broadcast %add3A_775 : i32 to vector<16xi32>
        %add3A_777 = arith.addi %add3A_95, %add3A_776 : vector<16xi32>
        %mul3A_778 = arith.mulf %sub3A_85, %gather3A_770 : vector<16xf32>
        %mul3A_779 = arith.mulf %sub3A_82, %gather3A_774 : vector<16xf32>
        %add3A_780 = arith.addf %mul3A_778, %mul3A_779 : vector<16xf32>
        tpu.vector_store_idx %arg7[%add3A_777], %add3A_780 : memref<16384xf32, #tpu.memory_space<vmem>>[vector<16xi32>], vector<16xf32>,
        %add3A_781 = arith.constant 49 : i32
        %add3A_782 = vector.broadcast %add3A_781 : i32 to vector<16xi32>
        %add3A_783 = arith.addi %mul3A_88, %add3A_782 : vector<16xi32>
        %gather3A_784 = tpu.vector_load_idx %arg6[%add3A_783] : memref<64000xf32, #tpu.memory_space<vmem>>[vector<16xi32>], vector<16xf32>,
        %add3A_785 = arith.constant 49 : i32
        %add3A_786 = vector.broadcast %add3A_785 : i32 to vector<16xi32>
        %add3A_787 = arith.addi %mul3A_91, %add3A_786 : vector<16xi32>
        %gather3A_788 = tpu.vector_load_idx %arg6[%add3A_787] : memref<64000xf32, #tpu.memory_space<vmem>>[vector<16xi32>], vector<16xf32>,
        %add3A_789 = arith.constant 49 : i32
        %add3A_790 = vector.broadcast %add3A_789 : i32 to vector<16xi32>
        %add3A_791 = arith.addi %add3A_95, %add3A_790 : vector<16xi32>
        %mul3A_792 = arith.mulf %sub3A_85, %gather3A_784 : vector<16xf32>
        %mul3A_793 = arith.mulf %sub3A_82, %gather3A_788 : vector<16xf32>
        %add3A_794 = arith.addf %mul3A_792, %mul3A_793 : vector<16xf32>
        tpu.vector_store_idx %arg7[%add3A_791], %add3A_794 : memref<16384xf32, #tpu.memory_space<vmem>>[vector<16xi32>], vector<16xf32>,
        %add3A_795 = arith.constant 50 : i32
        %add3A_796 = vector.broadcast %add3A_795 : i32 to vector<16xi32>
        %add3A_797 = arith.addi %mul3A_88, %add3A_796 : vector<16xi32>
        %gather3A_798 = tpu.vector_load_idx %arg6[%add3A_797] : memref<64000xf32, #tpu.memory_space<vmem>>[vector<16xi32>], vector<16xf32>,
        %add3A_799 = arith.constant 50 : i32
        %add3A_800 = vector.broadcast %add3A_799 : i32 to vector<16xi32>
        %add3A_801 = arith.addi %mul3A_91, %add3A_800 : vector<16xi32>
        %gather3A_802 = tpu.vector_load_idx %arg6[%add3A_801] : memref<64000xf32, #tpu.memory_space<vmem>>[vector<16xi32>], vector<16xf32>,
        %add3A_803 = arith.constant 50 : i32
        %add3A_804 = vector.broadcast %add3A_803 : i32 to vector<16xi32>
        %add3A_805 = arith.addi %add3A_95, %add3A_804 : vector<16xi32>
        %mul3A_806 = arith.mulf %sub3A_85, %gather3A_798 : vector<16xf32>
        %mul3A_807 = arith.mulf %sub3A_82, %gather3A_802 : vector<16xf32>
        %add3A_808 = arith.addf %mul3A_806, %mul3A_807 : vector<16xf32>
        tpu.vector_store_idx %arg7[%add3A_805], %add3A_808 : memref<16384xf32, #tpu.memory_space<vmem>>[vector<16xi32>], vector<16xf32>,
        %add3A_809 = arith.constant 51 : i32
        %add3A_810 = vector.broadcast %add3A_809 : i32 to vector<16xi32>
        %add3A_811 = arith.addi %mul3A_88, %add3A_810 : vector<16xi32>
        %gather3A_812 = tpu.vector_load_idx %arg6[%add3A_811] : memref<64000xf32, #tpu.memory_space<vmem>>[vector<16xi32>], vector<16xf32>,
        %add3A_813 = arith.constant 51 : i32
        %add3A_814 = vector.broadcast %add3A_813 : i32 to vector<16xi32>
        %add3A_815 = arith.addi %mul3A_91, %add3A_814 : vector<16xi32>
        %gather3A_816 = tpu.vector_load_idx %arg6[%add3A_815] : memref<64000xf32, #tpu.memory_space<vmem>>[vector<16xi32>], vector<16xf32>,
        %add3A_817 = arith.constant 51 : i32
        %add3A_818 = vector.broadcast %add3A_817 : i32 to vector<16xi32>
        %add3A_819 = arith.addi %add3A_95, %add3A_818 : vector<16xi32>
        %mul3A_820 = arith.mulf %sub3A_85, %gather3A_812 : vector<16xf32>
        %mul3A_821 = arith.mulf %sub3A_82, %gather3A_816 : vector<16xf32>
        %add3A_822 = arith.addf %mul3A_820, %mul3A_821 : vector<16xf32>
        tpu.vector_store_idx %arg7[%add3A_819], %add3A_822 : memref<16384xf32, #tpu.memory_space<vmem>>[vector<16xi32>], vector<16xf32>,
        %add3A_823 = arith.constant 52 : i32
        %add3A_824 = vector.broadcast %add3A_823 : i32 to vector<16xi32>
        %add3A_825 = arith.addi %mul3A_88, %add3A_824 : vector<16xi32>
        %gather3A_826 = tpu.vector_load_idx %arg6[%add3A_825] : memref<64000xf32, #tpu.memory_space<vmem>>[vector<16xi32>], vector<16xf32>,
        %add3A_827 = arith.constant 52 : i32
        %add3A_828 = vector.broadcast %add3A_827 : i32 to vector<16xi32>
        %add3A_829 = arith.addi %mul3A_91, %add3A_828 : vector<16xi32>
        %gather3A_830 = tpu.vector_load_idx %arg6[%add3A_829] : memref<64000xf32, #tpu.memory_space<vmem>>[vector<16xi32>], vector<16xf32>,
        %add3A_831 = arith.constant 52 : i32
        %add3A_832 = vector.broadcast %add3A_831 : i32 to vector<16xi32>
        %add3A_833 = arith.addi %add3A_95, %add3A_832 : vector<16xi32>
        %mul3A_834 = arith.mulf %sub3A_85, %gather3A_826 : vector<16xf32>
        %mul3A_835 = arith.mulf %sub3A_82, %gather3A_830 : vector<16xf32>
        %add3A_836 = arith.addf %mul3A_834, %mul3A_835 : vector<16xf32>
        tpu.vector_store_idx %arg7[%add3A_833], %add3A_836 : memref<16384xf32, #tpu.memory_space<vmem>>[vector<16xi32>], vector<16xf32>,
        %add3A_837 = arith.constant 53 : i32
        %add3A_838 = vector.broadcast %add3A_837 : i32 to vector<16xi32>
        %add3A_839 = arith.addi %mul3A_88, %add3A_838 : vector<16xi32>
        %gather3A_840 = tpu.vector_load_idx %arg6[%add3A_839] : memref<64000xf32, #tpu.memory_space<vmem>>[vector<16xi32>], vector<16xf32>,
        %add3A_841 = arith.constant 53 : i32
        %add3A_842 = vector.broadcast %add3A_841 : i32 to vector<16xi32>
        %add3A_843 = arith.addi %mul3A_91, %add3A_842 : vector<16xi32>
        %gather3A_844 = tpu.vector_load_idx %arg6[%add3A_843] : memref<64000xf32, #tpu.memory_space<vmem>>[vector<16xi32>], vector<16xf32>,
        %add3A_845 = arith.constant 53 : i32
        %add3A_846 = vector.broadcast %add3A_845 : i32 to vector<16xi32>
        %add3A_847 = arith.addi %add3A_95, %add3A_846 : vector<16xi32>
        %mul3A_848 = arith.mulf %sub3A_85, %gather3A_840 : vector<16xf32>
        %mul3A_849 = arith.mulf %sub3A_82, %gather3A_844 : vector<16xf32>
        %add3A_850 = arith.addf %mul3A_848, %mul3A_849 : vector<16xf32>
        tpu.vector_store_idx %arg7[%add3A_847], %add3A_850 : memref<16384xf32, #tpu.memory_space<vmem>>[vector<16xi32>], vector<16xf32>,
        %add3A_851 = arith.constant 54 : i32
        %add3A_852 = vector.broadcast %add3A_851 : i32 to vector<16xi32>
        %add3A_853 = arith.addi %mul3A_88, %add3A_852 : vector<16xi32>
        %gather3A_854 = tpu.vector_load_idx %arg6[%add3A_853] : memref<64000xf32, #tpu.memory_space<vmem>>[vector<16xi32>], vector<16xf32>,
        %add3A_855 = arith.constant 54 : i32
        %add3A_856 = vector.broadcast %add3A_855 : i32 to vector<16xi32>
        %add3A_857 = arith.addi %mul3A_91, %add3A_856 : vector<16xi32>
        %gather3A_858 = tpu.vector_load_idx %arg6[%add3A_857] : memref<64000xf32, #tpu.memory_space<vmem>>[vector<16xi32>], vector<16xf32>,
        %add3A_859 = arith.constant 54 : i32
        %add3A_860 = vector.broadcast %add3A_859 : i32 to vector<16xi32>
        %add3A_861 = arith.addi %add3A_95, %add3A_860 : vector<16xi32>
        %mul3A_862 = arith.mulf %sub3A_85, %gather3A_854 : vector<16xf32>
        %mul3A_863 = arith.mulf %sub3A_82, %gather3A_858 : vector<16xf32>
        %add3A_864 = arith.addf %mul3A_862, %mul3A_863 : vector<16xf32>
        tpu.vector_store_idx %arg7[%add3A_861], %add3A_864 : memref<16384xf32, #tpu.memory_space<vmem>>[vector<16xi32>], vector<16xf32>,
        %add3A_865 = arith.constant 55 : i32
        %add3A_866 = vector.broadcast %add3A_865 : i32 to vector<16xi32>
        %add3A_867 = arith.addi %mul3A_88, %add3A_866 : vector<16xi32>
        %gather3A_868 = tpu.vector_load_idx %arg6[%add3A_867] : memref<64000xf32, #tpu.memory_space<vmem>>[vector<16xi32>], vector<16xf32>,
        %add3A_869 = arith.constant 55 : i32
        %add3A_870 = vector.broadcast %add3A_869 : i32 to vector<16xi32>
        %add3A_871 = arith.addi %mul3A_91, %add3A_870 : vector<16xi32>
        %gather3A_872 = tpu.vector_load_idx %arg6[%add3A_871] : memref<64000xf32, #tpu.memory_space<vmem>>[vector<16xi32>], vector<16xf32>,
        %add3A_873 = arith.constant 55 : i32
        %add3A_874 = vector.broadcast %add3A_873 : i32 to vector<16xi32>
        %add3A_875 = arith.addi %add3A_95, %add3A_874 : vector<16xi32>
        %mul3A_876 = arith.mulf %sub3A_85, %gather3A_868 : vector<16xf32>
        %mul3A_877 = arith.mulf %sub3A_82, %gather3A_872 : vector<16xf32>
        %add3A_878 = arith.addf %mul3A_876, %mul3A_877 : vector<16xf32>
        tpu.vector_store_idx %arg7[%add3A_875], %add3A_878 : memref<16384xf32, #tpu.memory_space<vmem>>[vector<16xi32>], vector<16xf32>,
        %add3A_879 = arith.constant 56 : i32
        %add3A_880 = vector.broadcast %add3A_879 : i32 to vector<16xi32>
        %add3A_881 = arith.addi %mul3A_88, %add3A_880 : vector<16xi32>
        %gather3A_882 = tpu.vector_load_idx %arg6[%add3A_881] : memref<64000xf32, #tpu.memory_space<vmem>>[vector<16xi32>], vector<16xf32>,
        %add3A_883 = arith.constant 56 : i32
        %add3A_884 = vector.broadcast %add3A_883 : i32 to vector<16xi32>
        %add3A_885 = arith.addi %mul3A_91, %add3A_884 : vector<16xi32>
        %gather3A_886 = tpu.vector_load_idx %arg6[%add3A_885] : memref<64000xf32, #tpu.memory_space<vmem>>[vector<16xi32>], vector<16xf32>,
        %add3A_887 = arith.constant 56 : i32
        %add3A_888 = vector.broadcast %add3A_887 : i32 to vector<16xi32>
        %add3A_889 = arith.addi %add3A_95, %add3A_888 : vector<16xi32>
        %mul3A_890 = arith.mulf %sub3A_85, %gather3A_882 : vector<16xf32>
        %mul3A_891 = arith.mulf %sub3A_82, %gather3A_886 : vector<16xf32>
        %add3A_892 = arith.addf %mul3A_890, %mul3A_891 : vector<16xf32>
        tpu.vector_store_idx %arg7[%add3A_889], %add3A_892 : memref<16384xf32, #tpu.memory_space<vmem>>[vector<16xi32>], vector<16xf32>,
        %add3A_893 = arith.constant 57 : i32
        %add3A_894 = vector.broadcast %add3A_893 : i32 to vector<16xi32>
        %add3A_895 = arith.addi %mul3A_88, %add3A_894 : vector<16xi32>
        %gather3A_896 = tpu.vector_load_idx %arg6[%add3A_895] : memref<64000xf32, #tpu.memory_space<vmem>>[vector<16xi32>], vector<16xf32>,
        %add3A_897 = arith.constant 57 : i32
        %add3A_898 = vector.broadcast %add3A_897 : i32 to vector<16xi32>
        %add3A_899 = arith.addi %mul3A_91, %add3A_898 : vector<16xi32>
        %gather3A_900 = tpu.vector_load_idx %arg6[%add3A_899] : memref<64000xf32, #tpu.memory_space<vmem>>[vector<16xi32>], vector<16xf32>,
        %add3A_901 = arith.constant 57 : i32
        %add3A_902 = vector.broadcast %add3A_901 : i32 to vector<16xi32>
        %add3A_903 = arith.addi %add3A_95, %add3A_902 : vector<16xi32>
        %mul3A_904 = arith.mulf %sub3A_85, %gather3A_896 : vector<16xf32>
        %mul3A_905 = arith.mulf %sub3A_82, %gather3A_900 : vector<16xf32>
        %add3A_906 = arith.addf %mul3A_904, %mul3A_905 : vector<16xf32>
        tpu.vector_store_idx %arg7[%add3A_903], %add3A_906 : memref<16384xf32, #tpu.memory_space<vmem>>[vector<16xi32>], vector<16xf32>,
        %add3A_907 = arith.constant 58 : i32
        %add3A_908 = vector.broadcast %add3A_907 : i32 to vector<16xi32>
        %add3A_909 = arith.addi %mul3A_88, %add3A_908 : vector<16xi32>
        %gather3A_910 = tpu.vector_load_idx %arg6[%add3A_909] : memref<64000xf32, #tpu.memory_space<vmem>>[vector<16xi32>], vector<16xf32>,
        %add3A_911 = arith.constant 58 : i32
        %add3A_912 = vector.broadcast %add3A_911 : i32 to vector<16xi32>
        %add3A_913 = arith.addi %mul3A_91, %add3A_912 : vector<16xi32>
        %gather3A_914 = tpu.vector_load_idx %arg6[%add3A_913] : memref<64000xf32, #tpu.memory_space<vmem>>[vector<16xi32>], vector<16xf32>,
        %add3A_915 = arith.constant 58 : i32
        %add3A_916 = vector.broadcast %add3A_915 : i32 to vector<16xi32>
        %add3A_917 = arith.addi %add3A_95, %add3A_916 : vector<16xi32>
        %mul3A_918 = arith.mulf %sub3A_85, %gather3A_910 : vector<16xf32>
        %mul3A_919 = arith.mulf %sub3A_82, %gather3A_914 : vector<16xf32>
        %add3A_920 = arith.addf %mul3A_918, %mul3A_919 : vector<16xf32>
        tpu.vector_store_idx %arg7[%add3A_917], %add3A_920 : memref<16384xf32, #tpu.memory_space<vmem>>[vector<16xi32>], vector<16xf32>,
        %add3A_921 = arith.constant 59 : i32
        %add3A_922 = vector.broadcast %add3A_921 : i32 to vector<16xi32>
        %add3A_923 = arith.addi %mul3A_88, %add3A_922 : vector<16xi32>
        %gather3A_924 = tpu.vector_load_idx %arg6[%add3A_923] : memref<64000xf32, #tpu.memory_space<vmem>>[vector<16xi32>], vector<16xf32>,
        %add3A_925 = arith.constant 59 : i32
        %add3A_926 = vector.broadcast %add3A_925 : i32 to vector<16xi32>
        %add3A_927 = arith.addi %mul3A_91, %add3A_926 : vector<16xi32>
        %gather3A_928 = tpu.vector_load_idx %arg6[%add3A_927] : memref<64000xf32, #tpu.memory_space<vmem>>[vector<16xi32>], vector<16xf32>,
        %add3A_929 = arith.constant 59 : i32
        %add3A_930 = vector.broadcast %add3A_929 : i32 to vector<16xi32>
        %add3A_931 = arith.addi %add3A_95, %add3A_930 : vector<16xi32>
        %mul3A_932 = arith.mulf %sub3A_85, %gather3A_924 : vector<16xf32>
        %mul3A_933 = arith.mulf %sub3A_82, %gather3A_928 : vector<16xf32>
        %add3A_934 = arith.addf %mul3A_932, %mul3A_933 : vector<16xf32>
        tpu.vector_store_idx %arg7[%add3A_931], %add3A_934 : memref<16384xf32, #tpu.memory_space<vmem>>[vector<16xi32>], vector<16xf32>,
        %add3A_935 = arith.constant 60 : i32
        %add3A_936 = vector.broadcast %add3A_935 : i32 to vector<16xi32>
        %add3A_937 = arith.addi %mul3A_88, %add3A_936 : vector<16xi32>
        %gather3A_938 = tpu.vector_load_idx %arg6[%add3A_937] : memref<64000xf32, #tpu.memory_space<vmem>>[vector<16xi32>], vector<16xf32>,
        %add3A_939 = arith.constant 60 : i32
        %add3A_940 = vector.broadcast %add3A_939 : i32 to vector<16xi32>
        %add3A_941 = arith.addi %mul3A_91, %add3A_940 : vector<16xi32>
        %gather3A_942 = tpu.vector_load_idx %arg6[%add3A_941] : memref<64000xf32, #tpu.memory_space<vmem>>[vector<16xi32>], vector<16xf32>,
        %add3A_943 = arith.constant 60 : i32
        %add3A_944 = vector.broadcast %add3A_943 : i32 to vector<16xi32>
        %add3A_945 = arith.addi %add3A_95, %add3A_944 : vector<16xi32>
        %mul3A_946 = arith.mulf %sub3A_85, %gather3A_938 : vector<16xf32>
        %mul3A_947 = arith.mulf %sub3A_82, %gather3A_942 : vector<16xf32>
        %add3A_948 = arith.addf %mul3A_946, %mul3A_947 : vector<16xf32>
        tpu.vector_store_idx %arg7[%add3A_945], %add3A_948 : memref<16384xf32, #tpu.memory_space<vmem>>[vector<16xi32>], vector<16xf32>,
        %add3A_949 = arith.constant 61 : i32
        %add3A_950 = vector.broadcast %add3A_949 : i32 to vector<16xi32>
        %add3A_951 = arith.addi %mul3A_88, %add3A_950 : vector<16xi32>
        %gather3A_952 = tpu.vector_load_idx %arg6[%add3A_951] : memref<64000xf32, #tpu.memory_space<vmem>>[vector<16xi32>], vector<16xf32>,
        %add3A_953 = arith.constant 61 : i32
        %add3A_954 = vector.broadcast %add3A_953 : i32 to vector<16xi32>
        %add3A_955 = arith.addi %mul3A_91, %add3A_954 : vector<16xi32>
        %gather3A_956 = tpu.vector_load_idx %arg6[%add3A_955] : memref<64000xf32, #tpu.memory_space<vmem>>[vector<16xi32>], vector<16xf32>,
        %add3A_957 = arith.constant 61 : i32
        %add3A_958 = vector.broadcast %add3A_957 : i32 to vector<16xi32>
        %add3A_959 = arith.addi %add3A_95, %add3A_958 : vector<16xi32>
        %mul3A_960 = arith.mulf %sub3A_85, %gather3A_952 : vector<16xf32>
        %mul3A_961 = arith.mulf %sub3A_82, %gather3A_956 : vector<16xf32>
        %add3A_962 = arith.addf %mul3A_960, %mul3A_961 : vector<16xf32>
        tpu.vector_store_idx %arg7[%add3A_959], %add3A_962 : memref<16384xf32, #tpu.memory_space<vmem>>[vector<16xi32>], vector<16xf32>,
        %add3A_963 = arith.constant 62 : i32
        %add3A_964 = vector.broadcast %add3A_963 : i32 to vector<16xi32>
        %add3A_965 = arith.addi %mul3A_88, %add3A_964 : vector<16xi32>
        %gather3A_966 = tpu.vector_load_idx %arg6[%add3A_965] : memref<64000xf32, #tpu.memory_space<vmem>>[vector<16xi32>], vector<16xf32>,
        %add3A_967 = arith.constant 62 : i32
        %add3A_968 = vector.broadcast %add3A_967 : i32 to vector<16xi32>
        %add3A_969 = arith.addi %mul3A_91, %add3A_968 : vector<16xi32>
        %gather3A_970 = tpu.vector_load_idx %arg6[%add3A_969] : memref<64000xf32, #tpu.memory_space<vmem>>[vector<16xi32>], vector<16xf32>,
        %add3A_971 = arith.constant 62 : i32
        %add3A_972 = vector.broadcast %add3A_971 : i32 to vector<16xi32>
        %add3A_973 = arith.addi %add3A_95, %add3A_972 : vector<16xi32>
        %mul3A_974 = arith.mulf %sub3A_85, %gather3A_966 : vector<16xf32>
        %mul3A_975 = arith.mulf %sub3A_82, %gather3A_970 : vector<16xf32>
        %add3A_976 = arith.addf %mul3A_974, %mul3A_975 : vector<16xf32>
        tpu.vector_store_idx %arg7[%add3A_973], %add3A_976 : memref<16384xf32, #tpu.memory_space<vmem>>[vector<16xi32>], vector<16xf32>,
        %add3A_977 = arith.constant 63 : i32
        %add3A_978 = vector.broadcast %add3A_977 : i32 to vector<16xi32>
        %add3A_979 = arith.addi %mul3A_88, %add3A_978 : vector<16xi32>
        %gather3A_980 = tpu.vector_load_idx %arg6[%add3A_979] : memref<64000xf32, #tpu.memory_space<vmem>>[vector<16xi32>], vector<16xf32>,
        %add3A_981 = arith.constant 63 : i32
        %add3A_982 = vector.broadcast %add3A_981 : i32 to vector<16xi32>
        %add3A_983 = arith.addi %mul3A_91, %add3A_982 : vector<16xi32>
        %gather3A_984 = tpu.vector_load_idx %arg6[%add3A_983] : memref<64000xf32, #tpu.memory_space<vmem>>[vector<16xi32>], vector<16xf32>,
        %add3A_985 = arith.constant 63 : i32
        %add3A_986 = vector.broadcast %add3A_985 : i32 to vector<16xi32>
        %add3A_987 = arith.addi %add3A_95, %add3A_986 : vector<16xi32>
        %mul3A_988 = arith.mulf %sub3A_85, %gather3A_980 : vector<16xf32>
        %mul3A_989 = arith.mulf %sub3A_82, %gather3A_984 : vector<16xf32>
        %add3A_990 = arith.addf %mul3A_988, %mul3A_989 : vector<16xf32>
        tpu.vector_store_idx %arg7[%add3A_987], %add3A_990 : memref<16384xf32, #tpu.memory_space<vmem>>[vector<16xi32>], vector<16xf32>,
      }
      %scan3A_30 = arith.constant 16 : i32
      %mul3A_31 = arith.constant 64 : i32
      %mul3A_32 = arith.muli %mul3A_2, %mul3A_31 : i32
      %mul3A_33 = arith.constant 16384 : i32
      %mul3A_34 = arith.muli %add3A_22, %mul3A_33 : i32
      %add3A_35 = arith.addi %mul3A_32, %mul3A_34 : i32
      %dma_start3A = tpu.memref_slice %arg4[%add3A_35] : memref<26214400xf32, #tpu.memory_space<hbm>> -> memref<16384xf32, #tpu.memory_space<hbm>>
      %dma_start3A_36 = tpu.memref_slice %arg4[%add3A_35] : memref<26214400xf32, #tpu.memory_space<hbm>> -> memref<16384xf32, #tpu.memory_space<hbm>>
      tpu.enqueue_dma source(%arg7 : memref<16384xf32, #tpu.memory_space<vmem>>) target(%dma_start3A_36 : memref<16384xf32, #tpu.memory_space<hbm>>) target_semaphore(%arg9 : memref<!tpu.dma_semaphore, #tpu.memory_space<semaphore_mem>>)
      %mul3A_37 = arith.constant 2 : i32
      %mul3A_38 = arith.muli %scan3A_18, %mul3A_37 : i32
      %add3A_39 = arith.constant 1 : i32
      %add3A_40 = arith.addi %mul3A_38, %add3A_39 : i32
      %gt3A_41 = arith.constant 0 : i32
      %gt3A_42 = arith.cmpi sgt, %scan3A_18, %gt3A_41 : i32
      %convert_element_type3A_43 = arith.extui %gt3A_42 : i1 to i32
      %cond3A_44 = arith.constant 0 : i32
      %cond3A_45 = arith.cmpi ne, %convert_element_type3A_43, %cond3A_44 : i32
      scf.if %cond3A_45 {
        %dma_wait3A_59 = arith.constant 0 : i32
        %dma_wait3A_60 = tpu.memref_slice %arg4[%dma_wait3A_59] : memref<26214400xf32, #tpu.memory_space<hbm>> -> memref<16384xf32, #tpu.memory_space<hbm>>
        %dma_wait3A_61 = arith.constant 0 : i32
        %dma_wait3A_62 = tpu.memref_slice %arg4[%dma_wait3A_61] : memref<26214400xf32, #tpu.memory_space<hbm>> -> memref<16384xf32, #tpu.memory_space<hbm>>
        tpu.wait_dma2 semaphore(%arg10 : memref<!tpu.dma_semaphore, #tpu.memory_space<semaphore_mem>>) src(%dma_wait3A_62 : memref<16384xf32, #tpu.memory_space<hbm>>) dst(%arg8 : memref<16384xf32, #tpu.memory_space<vmem>>)
      } else {
      }
      %scan3A_46 = arith.constant 0 : i32
      %scan3A_47 = arith.constant 0 : i32
      %scan3A_48 = arith.constant 16 : i32
      %scan3A_49 = arith.addi %scan3A_47, %scan3A_48 : i32
      %scan3A_50 = arith.constant 1 : i32
      scf.for %scan3A_59 = %scan3A_47 to %scan3A_49 step %scan3A_50  : i32 {
        %mul3A_60 = arith.constant 256 : i32
        %mul3A_61 = arith.muli %add3A_40, %mul3A_60 : i32
        %mul3A_62 = arith.constant 16 : i32
        %mul3A_63 = arith.muli %scan3A_59, %mul3A_62 : i32
        %add3A_64 = arith.addi %mul3A_61, %mul3A_63 : i32
        %get3A = arith.index_cast %add3A_64 : i32 to index
        %get3A_65 = tpu.vector_load %arg5[%get3A] {strides = array<i32>} : memref<12800xf32, #tpu.memory_space<vmem>>, vector<16xf32>,
        %sub3A = arith.constant -6.000000e+00 : f32
        %sub3A_66 = vector.broadcast %sub3A : f32 to vector<16xf32>
        %sub3A_67 = arith.subf %get3A_65, %sub3A_66 : vector<16xf32>
        %mul3A_68 = arith.constant 8.325000e+01 : f32
        %mul3A_69 = vector.broadcast %mul3A_68 : f32 to vector<16xf32>
        %mul3A_70 = arith.mulf %sub3A_67, %mul3A_69 : vector<16xf32>
        %jit3A = arith.constant 0.000000e+00 : f32
        %jit3A_71 = arith.constant 9.990000e+02 : f32
        %max3A = vector.broadcast %jit3A : f32 to vector<16xf32>
        %max3A_72 = arith.maximumf %max3A, %mul3A_70 : vector<16xf32>
        %min3A = vector.broadcast %jit3A_71 : f32 to vector<16xf32>
        %min3A_73 = arith.minimumf %min3A, %max3A_72 : vector<16xf32>
        %convert_element_type3A_74 = arith.fptosi %min3A_73 : vector<16xf32> to vector<16xi32>
        %add3A_75 = arith.constant 1 : i32
        %add3A_76 = vector.broadcast %add3A_75 : i32 to vector<16xi32>
        %add3A_77 = arith.addi %convert_element_type3A_74, %add3A_76 : vector<16xi32>
        %min3A_78 = arith.constant 999 : i32
        %min3A_79 = vector.broadcast %min3A_78 : i32 to vector<16xi32>
        %min3A_80 = arith.minsi %add3A_77, %min3A_79 : vector<16xi32>
        %convert_element_type3A_81 = arith.sitofp %convert_element_type3A_74 : vector<16xi32> to vector<16xf32>
        %sub3A_82 = arith.subf %min3A_73, %convert_element_type3A_81 : vector<16xf32>
        %sub3A_83 = arith.constant 1.000000e+00 : f32
        %sub3A_84 = vector.broadcast %sub3A_83 : f32 to vector<16xf32>
        %sub3A_85 = arith.subf %sub3A_84, %sub3A_82 : vector<16xf32>
        %mul3A_86 = arith.constant 64 : i32
        %mul3A_87 = vector.broadcast %mul3A_86 : i32 to vector<16xi32>
        %mul3A_88 = arith.muli %convert_element_type3A_74, %mul3A_87 : vector<16xi32>
        %mul3A_89 = arith.constant 64 : i32
        %mul3A_90 = vector.broadcast %mul3A_89 : i32 to vector<16xi32>
        %mul3A_91 = arith.muli %min3A_80, %mul3A_90 : vector<16xi32>
        %mul3A_92 = arith.constant 1024 : i32
        %mul3A_93 = arith.muli %scan3A_59, %mul3A_92 : i32
        %add3A_94 = vector.broadcast %mul3A_93 : i32 to vector<16xi32>
        %add3A_95 = arith.addi %mul3A_5, %add3A_94 : vector<16xi32>
        %add3A_96 = arith.constant 0 : i32
        %add3A_97 = vector.broadcast %add3A_96 : i32 to vector<16xi32>
        %add3A_98 = arith.addi %mul3A_88, %add3A_97 : vector<16xi32>
        %gather3A = tpu.vector_load_idx %arg6[%add3A_98] : memref<64000xf32, #tpu.memory_space<vmem>>[vector<16xi32>], vector<16xf32>,
        %add3A_99 = arith.constant 0 : i32
        %add3A_100 = vector.broadcast %add3A_99 : i32 to vector<16xi32>
        %add3A_101 = arith.addi %mul3A_91, %add3A_100 : vector<16xi32>
        %gather3A_102 = tpu.vector_load_idx %arg6[%add3A_101] : memref<64000xf32, #tpu.memory_space<vmem>>[vector<16xi32>], vector<16xf32>,
        %add3A_103 = arith.constant 0 : i32
        %add3A_104 = vector.broadcast %add3A_103 : i32 to vector<16xi32>
        %add3A_105 = arith.addi %add3A_95, %add3A_104 : vector<16xi32>
        %mul3A_106 = arith.mulf %sub3A_85, %gather3A : vector<16xf32>
        %mul3A_107 = arith.mulf %sub3A_82, %gather3A_102 : vector<16xf32>
        %add3A_108 = arith.addf %mul3A_106, %mul3A_107 : vector<16xf32>
        tpu.vector_store_idx %arg8[%add3A_105], %add3A_108 : memref<16384xf32, #tpu.memory_space<vmem>>[vector<16xi32>], vector<16xf32>,
        %add3A_109 = arith.constant 1 : i32
        %add3A_110 = vector.broadcast %add3A_109 : i32 to vector<16xi32>
        %add3A_111 = arith.addi %mul3A_88, %add3A_110 : vector<16xi32>
        %gather3A_112 = tpu.vector_load_idx %arg6[%add3A_111] : memref<64000xf32, #tpu.memory_space<vmem>>[vector<16xi32>], vector<16xf32>,
        %add3A_113 = arith.constant 1 : i32
        %add3A_114 = vector.broadcast %add3A_113 : i32 to vector<16xi32>
        %add3A_115 = arith.addi %mul3A_91, %add3A_114 : vector<16xi32>
        %gather3A_116 = tpu.vector_load_idx %arg6[%add3A_115] : memref<64000xf32, #tpu.memory_space<vmem>>[vector<16xi32>], vector<16xf32>,
        %add3A_117 = arith.constant 1 : i32
        %add3A_118 = vector.broadcast %add3A_117 : i32 to vector<16xi32>
        %add3A_119 = arith.addi %add3A_95, %add3A_118 : vector<16xi32>
        %mul3A_120 = arith.mulf %sub3A_85, %gather3A_112 : vector<16xf32>
        %mul3A_121 = arith.mulf %sub3A_82, %gather3A_116 : vector<16xf32>
        %add3A_122 = arith.addf %mul3A_120, %mul3A_121 : vector<16xf32>
        tpu.vector_store_idx %arg8[%add3A_119], %add3A_122 : memref<16384xf32, #tpu.memory_space<vmem>>[vector<16xi32>], vector<16xf32>,
        %add3A_123 = arith.constant 2 : i32
        %add3A_124 = vector.broadcast %add3A_123 : i32 to vector<16xi32>
        %add3A_125 = arith.addi %mul3A_88, %add3A_124 : vector<16xi32>
        %gather3A_126 = tpu.vector_load_idx %arg6[%add3A_125] : memref<64000xf32, #tpu.memory_space<vmem>>[vector<16xi32>], vector<16xf32>,
        %add3A_127 = arith.constant 2 : i32
        %add3A_128 = vector.broadcast %add3A_127 : i32 to vector<16xi32>
        %add3A_129 = arith.addi %mul3A_91, %add3A_128 : vector<16xi32>
        %gather3A_130 = tpu.vector_load_idx %arg6[%add3A_129] : memref<64000xf32, #tpu.memory_space<vmem>>[vector<16xi32>], vector<16xf32>,
        %add3A_131 = arith.constant 2 : i32
        %add3A_132 = vector.broadcast %add3A_131 : i32 to vector<16xi32>
        %add3A_133 = arith.addi %add3A_95, %add3A_132 : vector<16xi32>
        %mul3A_134 = arith.mulf %sub3A_85, %gather3A_126 : vector<16xf32>
        %mul3A_135 = arith.mulf %sub3A_82, %gather3A_130 : vector<16xf32>
        %add3A_136 = arith.addf %mul3A_134, %mul3A_135 : vector<16xf32>
        tpu.vector_store_idx %arg8[%add3A_133], %add3A_136 : memref<16384xf32, #tpu.memory_space<vmem>>[vector<16xi32>], vector<16xf32>,
        %add3A_137 = arith.constant 3 : i32
        %add3A_138 = vector.broadcast %add3A_137 : i32 to vector<16xi32>
        %add3A_139 = arith.addi %mul3A_88, %add3A_138 : vector<16xi32>
        %gather3A_140 = tpu.vector_load_idx %arg6[%add3A_139] : memref<64000xf32, #tpu.memory_space<vmem>>[vector<16xi32>], vector<16xf32>,
        %add3A_141 = arith.constant 3 : i32
        %add3A_142 = vector.broadcast %add3A_141 : i32 to vector<16xi32>
        %add3A_143 = arith.addi %mul3A_91, %add3A_142 : vector<16xi32>
        %gather3A_144 = tpu.vector_load_idx %arg6[%add3A_143] : memref<64000xf32, #tpu.memory_space<vmem>>[vector<16xi32>], vector<16xf32>,
        %add3A_145 = arith.constant 3 : i32
        %add3A_146 = vector.broadcast %add3A_145 : i32 to vector<16xi32>
        %add3A_147 = arith.addi %add3A_95, %add3A_146 : vector<16xi32>
        %mul3A_148 = arith.mulf %sub3A_85, %gather3A_140 : vector<16xf32>
        %mul3A_149 = arith.mulf %sub3A_82, %gather3A_144 : vector<16xf32>
        %add3A_150 = arith.addf %mul3A_148, %mul3A_149 : vector<16xf32>
        tpu.vector_store_idx %arg8[%add3A_147], %add3A_150 : memref<16384xf32, #tpu.memory_space<vmem>>[vector<16xi32>], vector<16xf32>,
        %add3A_151 = arith.constant 4 : i32
        %add3A_152 = vector.broadcast %add3A_151 : i32 to vector<16xi32>
        %add3A_153 = arith.addi %mul3A_88, %add3A_152 : vector<16xi32>
        %gather3A_154 = tpu.vector_load_idx %arg6[%add3A_153] : memref<64000xf32, #tpu.memory_space<vmem>>[vector<16xi32>], vector<16xf32>,
        %add3A_155 = arith.constant 4 : i32
        %add3A_156 = vector.broadcast %add3A_155 : i32 to vector<16xi32>
        %add3A_157 = arith.addi %mul3A_91, %add3A_156 : vector<16xi32>
        %gather3A_158 = tpu.vector_load_idx %arg6[%add3A_157] : memref<64000xf32, #tpu.memory_space<vmem>>[vector<16xi32>], vector<16xf32>,
        %add3A_159 = arith.constant 4 : i32
        %add3A_160 = vector.broadcast %add3A_159 : i32 to vector<16xi32>
        %add3A_161 = arith.addi %add3A_95, %add3A_160 : vector<16xi32>
        %mul3A_162 = arith.mulf %sub3A_85, %gather3A_154 : vector<16xf32>
        %mul3A_163 = arith.mulf %sub3A_82, %gather3A_158 : vector<16xf32>
        %add3A_164 = arith.addf %mul3A_162, %mul3A_163 : vector<16xf32>
        tpu.vector_store_idx %arg8[%add3A_161], %add3A_164 : memref<16384xf32, #tpu.memory_space<vmem>>[vector<16xi32>], vector<16xf32>,
        %add3A_165 = arith.constant 5 : i32
        %add3A_166 = vector.broadcast %add3A_165 : i32 to vector<16xi32>
        %add3A_167 = arith.addi %mul3A_88, %add3A_166 : vector<16xi32>
        %gather3A_168 = tpu.vector_load_idx %arg6[%add3A_167] : memref<64000xf32, #tpu.memory_space<vmem>>[vector<16xi32>], vector<16xf32>,
        %add3A_169 = arith.constant 5 : i32
        %add3A_170 = vector.broadcast %add3A_169 : i32 to vector<16xi32>
        %add3A_171 = arith.addi %mul3A_91, %add3A_170 : vector<16xi32>
        %gather3A_172 = tpu.vector_load_idx %arg6[%add3A_171] : memref<64000xf32, #tpu.memory_space<vmem>>[vector<16xi32>], vector<16xf32>,
        %add3A_173 = arith.constant 5 : i32
        %add3A_174 = vector.broadcast %add3A_173 : i32 to vector<16xi32>
        %add3A_175 = arith.addi %add3A_95, %add3A_174 : vector<16xi32>
        %mul3A_176 = arith.mulf %sub3A_85, %gather3A_168 : vector<16xf32>
        %mul3A_177 = arith.mulf %sub3A_82, %gather3A_172 : vector<16xf32>
        %add3A_178 = arith.addf %mul3A_176, %mul3A_177 : vector<16xf32>
        tpu.vector_store_idx %arg8[%add3A_175], %add3A_178 : memref<16384xf32, #tpu.memory_space<vmem>>[vector<16xi32>], vector<16xf32>,
        %add3A_179 = arith.constant 6 : i32
        %add3A_180 = vector.broadcast %add3A_179 : i32 to vector<16xi32>
        %add3A_181 = arith.addi %mul3A_88, %add3A_180 : vector<16xi32>
        %gather3A_182 = tpu.vector_load_idx %arg6[%add3A_181] : memref<64000xf32, #tpu.memory_space<vmem>>[vector<16xi32>], vector<16xf32>,
        %add3A_183 = arith.constant 6 : i32
        %add3A_184 = vector.broadcast %add3A_183 : i32 to vector<16xi32>
        %add3A_185 = arith.addi %mul3A_91, %add3A_184 : vector<16xi32>
        %gather3A_186 = tpu.vector_load_idx %arg6[%add3A_185] : memref<64000xf32, #tpu.memory_space<vmem>>[vector<16xi32>], vector<16xf32>,
        %add3A_187 = arith.constant 6 : i32
        %add3A_188 = vector.broadcast %add3A_187 : i32 to vector<16xi32>
        %add3A_189 = arith.addi %add3A_95, %add3A_188 : vector<16xi32>
        %mul3A_190 = arith.mulf %sub3A_85, %gather3A_182 : vector<16xf32>
        %mul3A_191 = arith.mulf %sub3A_82, %gather3A_186 : vector<16xf32>
        %add3A_192 = arith.addf %mul3A_190, %mul3A_191 : vector<16xf32>
        tpu.vector_store_idx %arg8[%add3A_189], %add3A_192 : memref<16384xf32, #tpu.memory_space<vmem>>[vector<16xi32>], vector<16xf32>,
        %add3A_193 = arith.constant 7 : i32
        %add3A_194 = vector.broadcast %add3A_193 : i32 to vector<16xi32>
        %add3A_195 = arith.addi %mul3A_88, %add3A_194 : vector<16xi32>
        %gather3A_196 = tpu.vector_load_idx %arg6[%add3A_195] : memref<64000xf32, #tpu.memory_space<vmem>>[vector<16xi32>], vector<16xf32>,
        %add3A_197 = arith.constant 7 : i32
        %add3A_198 = vector.broadcast %add3A_197 : i32 to vector<16xi32>
        %add3A_199 = arith.addi %mul3A_91, %add3A_198 : vector<16xi32>
        %gather3A_200 = tpu.vector_load_idx %arg6[%add3A_199] : memref<64000xf32, #tpu.memory_space<vmem>>[vector<16xi32>], vector<16xf32>,
        %add3A_201 = arith.constant 7 : i32
        %add3A_202 = vector.broadcast %add3A_201 : i32 to vector<16xi32>
        %add3A_203 = arith.addi %add3A_95, %add3A_202 : vector<16xi32>
        %mul3A_204 = arith.mulf %sub3A_85, %gather3A_196 : vector<16xf32>
        %mul3A_205 = arith.mulf %sub3A_82, %gather3A_200 : vector<16xf32>
        %add3A_206 = arith.addf %mul3A_204, %mul3A_205 : vector<16xf32>
        tpu.vector_store_idx %arg8[%add3A_203], %add3A_206 : memref<16384xf32, #tpu.memory_space<vmem>>[vector<16xi32>], vector<16xf32>,
        %add3A_207 = arith.constant 8 : i32
        %add3A_208 = vector.broadcast %add3A_207 : i32 to vector<16xi32>
        %add3A_209 = arith.addi %mul3A_88, %add3A_208 : vector<16xi32>
        %gather3A_210 = tpu.vector_load_idx %arg6[%add3A_209] : memref<64000xf32, #tpu.memory_space<vmem>>[vector<16xi32>], vector<16xf32>,
        %add3A_211 = arith.constant 8 : i32
        %add3A_212 = vector.broadcast %add3A_211 : i32 to vector<16xi32>
        %add3A_213 = arith.addi %mul3A_91, %add3A_212 : vector<16xi32>
        %gather3A_214 = tpu.vector_load_idx %arg6[%add3A_213] : memref<64000xf32, #tpu.memory_space<vmem>>[vector<16xi32>], vector<16xf32>,
        %add3A_215 = arith.constant 8 : i32
        %add3A_216 = vector.broadcast %add3A_215 : i32 to vector<16xi32>
        %add3A_217 = arith.addi %add3A_95, %add3A_216 : vector<16xi32>
        %mul3A_218 = arith.mulf %sub3A_85, %gather3A_210 : vector<16xf32>
        %mul3A_219 = arith.mulf %sub3A_82, %gather3A_214 : vector<16xf32>
        %add3A_220 = arith.addf %mul3A_218, %mul3A_219 : vector<16xf32>
        tpu.vector_store_idx %arg8[%add3A_217], %add3A_220 : memref<16384xf32, #tpu.memory_space<vmem>>[vector<16xi32>], vector<16xf32>,
        %add3A_221 = arith.constant 9 : i32
        %add3A_222 = vector.broadcast %add3A_221 : i32 to vector<16xi32>
        %add3A_223 = arith.addi %mul3A_88, %add3A_222 : vector<16xi32>
        %gather3A_224 = tpu.vector_load_idx %arg6[%add3A_223] : memref<64000xf32, #tpu.memory_space<vmem>>[vector<16xi32>], vector<16xf32>,
        %add3A_225 = arith.constant 9 : i32
        %add3A_226 = vector.broadcast %add3A_225 : i32 to vector<16xi32>
        %add3A_227 = arith.addi %mul3A_91, %add3A_226 : vector<16xi32>
        %gather3A_228 = tpu.vector_load_idx %arg6[%add3A_227] : memref<64000xf32, #tpu.memory_space<vmem>>[vector<16xi32>], vector<16xf32>,
        %add3A_229 = arith.constant 9 : i32
        %add3A_230 = vector.broadcast %add3A_229 : i32 to vector<16xi32>
        %add3A_231 = arith.addi %add3A_95, %add3A_230 : vector<16xi32>
        %mul3A_232 = arith.mulf %sub3A_85, %gather3A_224 : vector<16xf32>
        %mul3A_233 = arith.mulf %sub3A_82, %gather3A_228 : vector<16xf32>
        %add3A_234 = arith.addf %mul3A_232, %mul3A_233 : vector<16xf32>
        tpu.vector_store_idx %arg8[%add3A_231], %add3A_234 : memref<16384xf32, #tpu.memory_space<vmem>>[vector<16xi32>], vector<16xf32>,
        %add3A_235 = arith.constant 10 : i32
        %add3A_236 = vector.broadcast %add3A_235 : i32 to vector<16xi32>
        %add3A_237 = arith.addi %mul3A_88, %add3A_236 : vector<16xi32>
        %gather3A_238 = tpu.vector_load_idx %arg6[%add3A_237] : memref<64000xf32, #tpu.memory_space<vmem>>[vector<16xi32>], vector<16xf32>,
        %add3A_239 = arith.constant 10 : i32
        %add3A_240 = vector.broadcast %add3A_239 : i32 to vector<16xi32>
        %add3A_241 = arith.addi %mul3A_91, %add3A_240 : vector<16xi32>
        %gather3A_242 = tpu.vector_load_idx %arg6[%add3A_241] : memref<64000xf32, #tpu.memory_space<vmem>>[vector<16xi32>], vector<16xf32>,
        %add3A_243 = arith.constant 10 : i32
        %add3A_244 = vector.broadcast %add3A_243 : i32 to vector<16xi32>
        %add3A_245 = arith.addi %add3A_95, %add3A_244 : vector<16xi32>
        %mul3A_246 = arith.mulf %sub3A_85, %gather3A_238 : vector<16xf32>
        %mul3A_247 = arith.mulf %sub3A_82, %gather3A_242 : vector<16xf32>
        %add3A_248 = arith.addf %mul3A_246, %mul3A_247 : vector<16xf32>
        tpu.vector_store_idx %arg8[%add3A_245], %add3A_248 : memref<16384xf32, #tpu.memory_space<vmem>>[vector<16xi32>], vector<16xf32>,
        %add3A_249 = arith.constant 11 : i32
        %add3A_250 = vector.broadcast %add3A_249 : i32 to vector<16xi32>
        %add3A_251 = arith.addi %mul3A_88, %add3A_250 : vector<16xi32>
        %gather3A_252 = tpu.vector_load_idx %arg6[%add3A_251] : memref<64000xf32, #tpu.memory_space<vmem>>[vector<16xi32>], vector<16xf32>,
        %add3A_253 = arith.constant 11 : i32
        %add3A_254 = vector.broadcast %add3A_253 : i32 to vector<16xi32>
        %add3A_255 = arith.addi %mul3A_91, %add3A_254 : vector<16xi32>
        %gather3A_256 = tpu.vector_load_idx %arg6[%add3A_255] : memref<64000xf32, #tpu.memory_space<vmem>>[vector<16xi32>], vector<16xf32>,
        %add3A_257 = arith.constant 11 : i32
        %add3A_258 = vector.broadcast %add3A_257 : i32 to vector<16xi32>
        %add3A_259 = arith.addi %add3A_95, %add3A_258 : vector<16xi32>
        %mul3A_260 = arith.mulf %sub3A_85, %gather3A_252 : vector<16xf32>
        %mul3A_261 = arith.mulf %sub3A_82, %gather3A_256 : vector<16xf32>
        %add3A_262 = arith.addf %mul3A_260, %mul3A_261 : vector<16xf32>
        tpu.vector_store_idx %arg8[%add3A_259], %add3A_262 : memref<16384xf32, #tpu.memory_space<vmem>>[vector<16xi32>], vector<16xf32>,
        %add3A_263 = arith.constant 12 : i32
        %add3A_264 = vector.broadcast %add3A_263 : i32 to vector<16xi32>
        %add3A_265 = arith.addi %mul3A_88, %add3A_264 : vector<16xi32>
        %gather3A_266 = tpu.vector_load_idx %arg6[%add3A_265] : memref<64000xf32, #tpu.memory_space<vmem>>[vector<16xi32>], vector<16xf32>,
        %add3A_267 = arith.constant 12 : i32
        %add3A_268 = vector.broadcast %add3A_267 : i32 to vector<16xi32>
        %add3A_269 = arith.addi %mul3A_91, %add3A_268 : vector<16xi32>
        %gather3A_270 = tpu.vector_load_idx %arg6[%add3A_269] : memref<64000xf32, #tpu.memory_space<vmem>>[vector<16xi32>], vector<16xf32>,
        %add3A_271 = arith.constant 12 : i32
        %add3A_272 = vector.broadcast %add3A_271 : i32 to vector<16xi32>
        %add3A_273 = arith.addi %add3A_95, %add3A_272 : vector<16xi32>
        %mul3A_274 = arith.mulf %sub3A_85, %gather3A_266 : vector<16xf32>
        %mul3A_275 = arith.mulf %sub3A_82, %gather3A_270 : vector<16xf32>
        %add3A_276 = arith.addf %mul3A_274, %mul3A_275 : vector<16xf32>
        tpu.vector_store_idx %arg8[%add3A_273], %add3A_276 : memref<16384xf32, #tpu.memory_space<vmem>>[vector<16xi32>], vector<16xf32>,
        %add3A_277 = arith.constant 13 : i32
        %add3A_278 = vector.broadcast %add3A_277 : i32 to vector<16xi32>
        %add3A_279 = arith.addi %mul3A_88, %add3A_278 : vector<16xi32>
        %gather3A_280 = tpu.vector_load_idx %arg6[%add3A_279] : memref<64000xf32, #tpu.memory_space<vmem>>[vector<16xi32>], vector<16xf32>,
        %add3A_281 = arith.constant 13 : i32
        %add3A_282 = vector.broadcast %add3A_281 : i32 to vector<16xi32>
        %add3A_283 = arith.addi %mul3A_91, %add3A_282 : vector<16xi32>
        %gather3A_284 = tpu.vector_load_idx %arg6[%add3A_283] : memref<64000xf32, #tpu.memory_space<vmem>>[vector<16xi32>], vector<16xf32>,
        %add3A_285 = arith.constant 13 : i32
        %add3A_286 = vector.broadcast %add3A_285 : i32 to vector<16xi32>
        %add3A_287 = arith.addi %add3A_95, %add3A_286 : vector<16xi32>
        %mul3A_288 = arith.mulf %sub3A_85, %gather3A_280 : vector<16xf32>
        %mul3A_289 = arith.mulf %sub3A_82, %gather3A_284 : vector<16xf32>
        %add3A_290 = arith.addf %mul3A_288, %mul3A_289 : vector<16xf32>
        tpu.vector_store_idx %arg8[%add3A_287], %add3A_290 : memref<16384xf32, #tpu.memory_space<vmem>>[vector<16xi32>], vector<16xf32>,
        %add3A_291 = arith.constant 14 : i32
        %add3A_292 = vector.broadcast %add3A_291 : i32 to vector<16xi32>
        %add3A_293 = arith.addi %mul3A_88, %add3A_292 : vector<16xi32>
        %gather3A_294 = tpu.vector_load_idx %arg6[%add3A_293] : memref<64000xf32, #tpu.memory_space<vmem>>[vector<16xi32>], vector<16xf32>,
        %add3A_295 = arith.constant 14 : i32
        %add3A_296 = vector.broadcast %add3A_295 : i32 to vector<16xi32>
        %add3A_297 = arith.addi %mul3A_91, %add3A_296 : vector<16xi32>
        %gather3A_298 = tpu.vector_load_idx %arg6[%add3A_297] : memref<64000xf32, #tpu.memory_space<vmem>>[vector<16xi32>], vector<16xf32>,
        %add3A_299 = arith.constant 14 : i32
        %add3A_300 = vector.broadcast %add3A_299 : i32 to vector<16xi32>
        %add3A_301 = arith.addi %add3A_95, %add3A_300 : vector<16xi32>
        %mul3A_302 = arith.mulf %sub3A_85, %gather3A_294 : vector<16xf32>
        %mul3A_303 = arith.mulf %sub3A_82, %gather3A_298 : vector<16xf32>
        %add3A_304 = arith.addf %mul3A_302, %mul3A_303 : vector<16xf32>
        tpu.vector_store_idx %arg8[%add3A_301], %add3A_304 : memref<16384xf32, #tpu.memory_space<vmem>>[vector<16xi32>], vector<16xf32>,
        %add3A_305 = arith.constant 15 : i32
        %add3A_306 = vector.broadcast %add3A_305 : i32 to vector<16xi32>
        %add3A_307 = arith.addi %mul3A_88, %add3A_306 : vector<16xi32>
        %gather3A_308 = tpu.vector_load_idx %arg6[%add3A_307] : memref<64000xf32, #tpu.memory_space<vmem>>[vector<16xi32>], vector<16xf32>,
        %add3A_309 = arith.constant 15 : i32
        %add3A_310 = vector.broadcast %add3A_309 : i32 to vector<16xi32>
        %add3A_311 = arith.addi %mul3A_91, %add3A_310 : vector<16xi32>
        %gather3A_312 = tpu.vector_load_idx %arg6[%add3A_311] : memref<64000xf32, #tpu.memory_space<vmem>>[vector<16xi32>], vector<16xf32>,
        %add3A_313 = arith.constant 15 : i32
        %add3A_314 = vector.broadcast %add3A_313 : i32 to vector<16xi32>
        %add3A_315 = arith.addi %add3A_95, %add3A_314 : vector<16xi32>
        %mul3A_316 = arith.mulf %sub3A_85, %gather3A_308 : vector<16xf32>
        %mul3A_317 = arith.mulf %sub3A_82, %gather3A_312 : vector<16xf32>
        %add3A_318 = arith.addf %mul3A_316, %mul3A_317 : vector<16xf32>
        tpu.vector_store_idx %arg8[%add3A_315], %add3A_318 : memref<16384xf32, #tpu.memory_space<vmem>>[vector<16xi32>], vector<16xf32>,
        %add3A_319 = arith.constant 16 : i32
        %add3A_320 = vector.broadcast %add3A_319 : i32 to vector<16xi32>
        %add3A_321 = arith.addi %mul3A_88, %add3A_320 : vector<16xi32>
        %gather3A_322 = tpu.vector_load_idx %arg6[%add3A_321] : memref<64000xf32, #tpu.memory_space<vmem>>[vector<16xi32>], vector<16xf32>,
        %add3A_323 = arith.constant 16 : i32
        %add3A_324 = vector.broadcast %add3A_323 : i32 to vector<16xi32>
        %add3A_325 = arith.addi %mul3A_91, %add3A_324 : vector<16xi32>
        %gather3A_326 = tpu.vector_load_idx %arg6[%add3A_325] : memref<64000xf32, #tpu.memory_space<vmem>>[vector<16xi32>], vector<16xf32>,
        %add3A_327 = arith.constant 16 : i32
        %add3A_328 = vector.broadcast %add3A_327 : i32 to vector<16xi32>
        %add3A_329 = arith.addi %add3A_95, %add3A_328 : vector<16xi32>
        %mul3A_330 = arith.mulf %sub3A_85, %gather3A_322 : vector<16xf32>
        %mul3A_331 = arith.mulf %sub3A_82, %gather3A_326 : vector<16xf32>
        %add3A_332 = arith.addf %mul3A_330, %mul3A_331 : vector<16xf32>
        tpu.vector_store_idx %arg8[%add3A_329], %add3A_332 : memref<16384xf32, #tpu.memory_space<vmem>>[vector<16xi32>], vector<16xf32>,
        %add3A_333 = arith.constant 17 : i32
        %add3A_334 = vector.broadcast %add3A_333 : i32 to vector<16xi32>
        %add3A_335 = arith.addi %mul3A_88, %add3A_334 : vector<16xi32>
        %gather3A_336 = tpu.vector_load_idx %arg6[%add3A_335] : memref<64000xf32, #tpu.memory_space<vmem>>[vector<16xi32>], vector<16xf32>,
        %add3A_337 = arith.constant 17 : i32
        %add3A_338 = vector.broadcast %add3A_337 : i32 to vector<16xi32>
        %add3A_339 = arith.addi %mul3A_91, %add3A_338 : vector<16xi32>
        %gather3A_340 = tpu.vector_load_idx %arg6[%add3A_339] : memref<64000xf32, #tpu.memory_space<vmem>>[vector<16xi32>], vector<16xf32>,
        %add3A_341 = arith.constant 17 : i32
        %add3A_342 = vector.broadcast %add3A_341 : i32 to vector<16xi32>
        %add3A_343 = arith.addi %add3A_95, %add3A_342 : vector<16xi32>
        %mul3A_344 = arith.mulf %sub3A_85, %gather3A_336 : vector<16xf32>
        %mul3A_345 = arith.mulf %sub3A_82, %gather3A_340 : vector<16xf32>
        %add3A_346 = arith.addf %mul3A_344, %mul3A_345 : vector<16xf32>
        tpu.vector_store_idx %arg8[%add3A_343], %add3A_346 : memref<16384xf32, #tpu.memory_space<vmem>>[vector<16xi32>], vector<16xf32>,
        %add3A_347 = arith.constant 18 : i32
        %add3A_348 = vector.broadcast %add3A_347 : i32 to vector<16xi32>
        %add3A_349 = arith.addi %mul3A_88, %add3A_348 : vector<16xi32>
        %gather3A_350 = tpu.vector_load_idx %arg6[%add3A_349] : memref<64000xf32, #tpu.memory_space<vmem>>[vector<16xi32>], vector<16xf32>,
        %add3A_351 = arith.constant 18 : i32
        %add3A_352 = vector.broadcast %add3A_351 : i32 to vector<16xi32>
        %add3A_353 = arith.addi %mul3A_91, %add3A_352 : vector<16xi32>
        %gather3A_354 = tpu.vector_load_idx %arg6[%add3A_353] : memref<64000xf32, #tpu.memory_space<vmem>>[vector<16xi32>], vector<16xf32>,
        %add3A_355 = arith.constant 18 : i32
        %add3A_356 = vector.broadcast %add3A_355 : i32 to vector<16xi32>
        %add3A_357 = arith.addi %add3A_95, %add3A_356 : vector<16xi32>
        %mul3A_358 = arith.mulf %sub3A_85, %gather3A_350 : vector<16xf32>
        %mul3A_359 = arith.mulf %sub3A_82, %gather3A_354 : vector<16xf32>
        %add3A_360 = arith.addf %mul3A_358, %mul3A_359 : vector<16xf32>
        tpu.vector_store_idx %arg8[%add3A_357], %add3A_360 : memref<16384xf32, #tpu.memory_space<vmem>>[vector<16xi32>], vector<16xf32>,
        %add3A_361 = arith.constant 19 : i32
        %add3A_362 = vector.broadcast %add3A_361 : i32 to vector<16xi32>
        %add3A_363 = arith.addi %mul3A_88, %add3A_362 : vector<16xi32>
        %gather3A_364 = tpu.vector_load_idx %arg6[%add3A_363] : memref<64000xf32, #tpu.memory_space<vmem>>[vector<16xi32>], vector<16xf32>,
        %add3A_365 = arith.constant 19 : i32
        %add3A_366 = vector.broadcast %add3A_365 : i32 to vector<16xi32>
        %add3A_367 = arith.addi %mul3A_91, %add3A_366 : vector<16xi32>
        %gather3A_368 = tpu.vector_load_idx %arg6[%add3A_367] : memref<64000xf32, #tpu.memory_space<vmem>>[vector<16xi32>], vector<16xf32>,
        %add3A_369 = arith.constant 19 : i32
        %add3A_370 = vector.broadcast %add3A_369 : i32 to vector<16xi32>
        %add3A_371 = arith.addi %add3A_95, %add3A_370 : vector<16xi32>
        %mul3A_372 = arith.mulf %sub3A_85, %gather3A_364 : vector<16xf32>
        %mul3A_373 = arith.mulf %sub3A_82, %gather3A_368 : vector<16xf32>
        %add3A_374 = arith.addf %mul3A_372, %mul3A_373 : vector<16xf32>
        tpu.vector_store_idx %arg8[%add3A_371], %add3A_374 : memref<16384xf32, #tpu.memory_space<vmem>>[vector<16xi32>], vector<16xf32>,
        %add3A_375 = arith.constant 20 : i32
        %add3A_376 = vector.broadcast %add3A_375 : i32 to vector<16xi32>
        %add3A_377 = arith.addi %mul3A_88, %add3A_376 : vector<16xi32>
        %gather3A_378 = tpu.vector_load_idx %arg6[%add3A_377] : memref<64000xf32, #tpu.memory_space<vmem>>[vector<16xi32>], vector<16xf32>,
        %add3A_379 = arith.constant 20 : i32
        %add3A_380 = vector.broadcast %add3A_379 : i32 to vector<16xi32>
        %add3A_381 = arith.addi %mul3A_91, %add3A_380 : vector<16xi32>
        %gather3A_382 = tpu.vector_load_idx %arg6[%add3A_381] : memref<64000xf32, #tpu.memory_space<vmem>>[vector<16xi32>], vector<16xf32>,
        %add3A_383 = arith.constant 20 : i32
        %add3A_384 = vector.broadcast %add3A_383 : i32 to vector<16xi32>
        %add3A_385 = arith.addi %add3A_95, %add3A_384 : vector<16xi32>
        %mul3A_386 = arith.mulf %sub3A_85, %gather3A_378 : vector<16xf32>
        %mul3A_387 = arith.mulf %sub3A_82, %gather3A_382 : vector<16xf32>
        %add3A_388 = arith.addf %mul3A_386, %mul3A_387 : vector<16xf32>
        tpu.vector_store_idx %arg8[%add3A_385], %add3A_388 : memref<16384xf32, #tpu.memory_space<vmem>>[vector<16xi32>], vector<16xf32>,
        %add3A_389 = arith.constant 21 : i32
        %add3A_390 = vector.broadcast %add3A_389 : i32 to vector<16xi32>
        %add3A_391 = arith.addi %mul3A_88, %add3A_390 : vector<16xi32>
        %gather3A_392 = tpu.vector_load_idx %arg6[%add3A_391] : memref<64000xf32, #tpu.memory_space<vmem>>[vector<16xi32>], vector<16xf32>,
        %add3A_393 = arith.constant 21 : i32
        %add3A_394 = vector.broadcast %add3A_393 : i32 to vector<16xi32>
        %add3A_395 = arith.addi %mul3A_91, %add3A_394 : vector<16xi32>
        %gather3A_396 = tpu.vector_load_idx %arg6[%add3A_395] : memref<64000xf32, #tpu.memory_space<vmem>>[vector<16xi32>], vector<16xf32>,
        %add3A_397 = arith.constant 21 : i32
        %add3A_398 = vector.broadcast %add3A_397 : i32 to vector<16xi32>
        %add3A_399 = arith.addi %add3A_95, %add3A_398 : vector<16xi32>
        %mul3A_400 = arith.mulf %sub3A_85, %gather3A_392 : vector<16xf32>
        %mul3A_401 = arith.mulf %sub3A_82, %gather3A_396 : vector<16xf32>
        %add3A_402 = arith.addf %mul3A_400, %mul3A_401 : vector<16xf32>
        tpu.vector_store_idx %arg8[%add3A_399], %add3A_402 : memref<16384xf32, #tpu.memory_space<vmem>>[vector<16xi32>], vector<16xf32>,
        %add3A_403 = arith.constant 22 : i32
        %add3A_404 = vector.broadcast %add3A_403 : i32 to vector<16xi32>
        %add3A_405 = arith.addi %mul3A_88, %add3A_404 : vector<16xi32>
        %gather3A_406 = tpu.vector_load_idx %arg6[%add3A_405] : memref<64000xf32, #tpu.memory_space<vmem>>[vector<16xi32>], vector<16xf32>,
        %add3A_407 = arith.constant 22 : i32
        %add3A_408 = vector.broadcast %add3A_407 : i32 to vector<16xi32>
        %add3A_409 = arith.addi %mul3A_91, %add3A_408 : vector<16xi32>
        %gather3A_410 = tpu.vector_load_idx %arg6[%add3A_409] : memref<64000xf32, #tpu.memory_space<vmem>>[vector<16xi32>], vector<16xf32>,
        %add3A_411 = arith.constant 22 : i32
        %add3A_412 = vector.broadcast %add3A_411 : i32 to vector<16xi32>
        %add3A_413 = arith.addi %add3A_95, %add3A_412 : vector<16xi32>
        %mul3A_414 = arith.mulf %sub3A_85, %gather3A_406 : vector<16xf32>
        %mul3A_415 = arith.mulf %sub3A_82, %gather3A_410 : vector<16xf32>
        %add3A_416 = arith.addf %mul3A_414, %mul3A_415 : vector<16xf32>
        tpu.vector_store_idx %arg8[%add3A_413], %add3A_416 : memref<16384xf32, #tpu.memory_space<vmem>>[vector<16xi32>], vector<16xf32>,
        %add3A_417 = arith.constant 23 : i32
        %add3A_418 = vector.broadcast %add3A_417 : i32 to vector<16xi32>
        %add3A_419 = arith.addi %mul3A_88, %add3A_418 : vector<16xi32>
        %gather3A_420 = tpu.vector_load_idx %arg6[%add3A_419] : memref<64000xf32, #tpu.memory_space<vmem>>[vector<16xi32>], vector<16xf32>,
        %add3A_421 = arith.constant 23 : i32
        %add3A_422 = vector.broadcast %add3A_421 : i32 to vector<16xi32>
        %add3A_423 = arith.addi %mul3A_91, %add3A_422 : vector<16xi32>
        %gather3A_424 = tpu.vector_load_idx %arg6[%add3A_423] : memref<64000xf32, #tpu.memory_space<vmem>>[vector<16xi32>], vector<16xf32>,
        %add3A_425 = arith.constant 23 : i32
        %add3A_426 = vector.broadcast %add3A_425 : i32 to vector<16xi32>
        %add3A_427 = arith.addi %add3A_95, %add3A_426 : vector<16xi32>
        %mul3A_428 = arith.mulf %sub3A_85, %gather3A_420 : vector<16xf32>
        %mul3A_429 = arith.mulf %sub3A_82, %gather3A_424 : vector<16xf32>
        %add3A_430 = arith.addf %mul3A_428, %mul3A_429 : vector<16xf32>
        tpu.vector_store_idx %arg8[%add3A_427], %add3A_430 : memref<16384xf32, #tpu.memory_space<vmem>>[vector<16xi32>], vector<16xf32>,
        %add3A_431 = arith.constant 24 : i32
        %add3A_432 = vector.broadcast %add3A_431 : i32 to vector<16xi32>
        %add3A_433 = arith.addi %mul3A_88, %add3A_432 : vector<16xi32>
        %gather3A_434 = tpu.vector_load_idx %arg6[%add3A_433] : memref<64000xf32, #tpu.memory_space<vmem>>[vector<16xi32>], vector<16xf32>,
        %add3A_435 = arith.constant 24 : i32
        %add3A_436 = vector.broadcast %add3A_435 : i32 to vector<16xi32>
        %add3A_437 = arith.addi %mul3A_91, %add3A_436 : vector<16xi32>
        %gather3A_438 = tpu.vector_load_idx %arg6[%add3A_437] : memref<64000xf32, #tpu.memory_space<vmem>>[vector<16xi32>], vector<16xf32>,
        %add3A_439 = arith.constant 24 : i32
        %add3A_440 = vector.broadcast %add3A_439 : i32 to vector<16xi32>
        %add3A_441 = arith.addi %add3A_95, %add3A_440 : vector<16xi32>
        %mul3A_442 = arith.mulf %sub3A_85, %gather3A_434 : vector<16xf32>
        %mul3A_443 = arith.mulf %sub3A_82, %gather3A_438 : vector<16xf32>
        %add3A_444 = arith.addf %mul3A_442, %mul3A_443 : vector<16xf32>
        tpu.vector_store_idx %arg8[%add3A_441], %add3A_444 : memref<16384xf32, #tpu.memory_space<vmem>>[vector<16xi32>], vector<16xf32>,
        %add3A_445 = arith.constant 25 : i32
        %add3A_446 = vector.broadcast %add3A_445 : i32 to vector<16xi32>
        %add3A_447 = arith.addi %mul3A_88, %add3A_446 : vector<16xi32>
        %gather3A_448 = tpu.vector_load_idx %arg6[%add3A_447] : memref<64000xf32, #tpu.memory_space<vmem>>[vector<16xi32>], vector<16xf32>,
        %add3A_449 = arith.constant 25 : i32
        %add3A_450 = vector.broadcast %add3A_449 : i32 to vector<16xi32>
        %add3A_451 = arith.addi %mul3A_91, %add3A_450 : vector<16xi32>
        %gather3A_452 = tpu.vector_load_idx %arg6[%add3A_451] : memref<64000xf32, #tpu.memory_space<vmem>>[vector<16xi32>], vector<16xf32>,
        %add3A_453 = arith.constant 25 : i32
        %add3A_454 = vector.broadcast %add3A_453 : i32 to vector<16xi32>
        %add3A_455 = arith.addi %add3A_95, %add3A_454 : vector<16xi32>
        %mul3A_456 = arith.mulf %sub3A_85, %gather3A_448 : vector<16xf32>
        %mul3A_457 = arith.mulf %sub3A_82, %gather3A_452 : vector<16xf32>
        %add3A_458 = arith.addf %mul3A_456, %mul3A_457 : vector<16xf32>
        tpu.vector_store_idx %arg8[%add3A_455], %add3A_458 : memref<16384xf32, #tpu.memory_space<vmem>>[vector<16xi32>], vector<16xf32>,
        %add3A_459 = arith.constant 26 : i32
        %add3A_460 = vector.broadcast %add3A_459 : i32 to vector<16xi32>
        %add3A_461 = arith.addi %mul3A_88, %add3A_460 : vector<16xi32>
        %gather3A_462 = tpu.vector_load_idx %arg6[%add3A_461] : memref<64000xf32, #tpu.memory_space<vmem>>[vector<16xi32>], vector<16xf32>,
        %add3A_463 = arith.constant 26 : i32
        %add3A_464 = vector.broadcast %add3A_463 : i32 to vector<16xi32>
        %add3A_465 = arith.addi %mul3A_91, %add3A_464 : vector<16xi32>
        %gather3A_466 = tpu.vector_load_idx %arg6[%add3A_465] : memref<64000xf32, #tpu.memory_space<vmem>>[vector<16xi32>], vector<16xf32>,
        %add3A_467 = arith.constant 26 : i32
        %add3A_468 = vector.broadcast %add3A_467 : i32 to vector<16xi32>
        %add3A_469 = arith.addi %add3A_95, %add3A_468 : vector<16xi32>
        %mul3A_470 = arith.mulf %sub3A_85, %gather3A_462 : vector<16xf32>
        %mul3A_471 = arith.mulf %sub3A_82, %gather3A_466 : vector<16xf32>
        %add3A_472 = arith.addf %mul3A_470, %mul3A_471 : vector<16xf32>
        tpu.vector_store_idx %arg8[%add3A_469], %add3A_472 : memref<16384xf32, #tpu.memory_space<vmem>>[vector<16xi32>], vector<16xf32>,
        %add3A_473 = arith.constant 27 : i32
        %add3A_474 = vector.broadcast %add3A_473 : i32 to vector<16xi32>
        %add3A_475 = arith.addi %mul3A_88, %add3A_474 : vector<16xi32>
        %gather3A_476 = tpu.vector_load_idx %arg6[%add3A_475] : memref<64000xf32, #tpu.memory_space<vmem>>[vector<16xi32>], vector<16xf32>,
        %add3A_477 = arith.constant 27 : i32
        %add3A_478 = vector.broadcast %add3A_477 : i32 to vector<16xi32>
        %add3A_479 = arith.addi %mul3A_91, %add3A_478 : vector<16xi32>
        %gather3A_480 = tpu.vector_load_idx %arg6[%add3A_479] : memref<64000xf32, #tpu.memory_space<vmem>>[vector<16xi32>], vector<16xf32>,
        %add3A_481 = arith.constant 27 : i32
        %add3A_482 = vector.broadcast %add3A_481 : i32 to vector<16xi32>
        %add3A_483 = arith.addi %add3A_95, %add3A_482 : vector<16xi32>
        %mul3A_484 = arith.mulf %sub3A_85, %gather3A_476 : vector<16xf32>
        %mul3A_485 = arith.mulf %sub3A_82, %gather3A_480 : vector<16xf32>
        %add3A_486 = arith.addf %mul3A_484, %mul3A_485 : vector<16xf32>
        tpu.vector_store_idx %arg8[%add3A_483], %add3A_486 : memref<16384xf32, #tpu.memory_space<vmem>>[vector<16xi32>], vector<16xf32>,
        %add3A_487 = arith.constant 28 : i32
        %add3A_488 = vector.broadcast %add3A_487 : i32 to vector<16xi32>
        %add3A_489 = arith.addi %mul3A_88, %add3A_488 : vector<16xi32>
        %gather3A_490 = tpu.vector_load_idx %arg6[%add3A_489] : memref<64000xf32, #tpu.memory_space<vmem>>[vector<16xi32>], vector<16xf32>,
        %add3A_491 = arith.constant 28 : i32
        %add3A_492 = vector.broadcast %add3A_491 : i32 to vector<16xi32>
        %add3A_493 = arith.addi %mul3A_91, %add3A_492 : vector<16xi32>
        %gather3A_494 = tpu.vector_load_idx %arg6[%add3A_493] : memref<64000xf32, #tpu.memory_space<vmem>>[vector<16xi32>], vector<16xf32>,
        %add3A_495 = arith.constant 28 : i32
        %add3A_496 = vector.broadcast %add3A_495 : i32 to vector<16xi32>
        %add3A_497 = arith.addi %add3A_95, %add3A_496 : vector<16xi32>
        %mul3A_498 = arith.mulf %sub3A_85, %gather3A_490 : vector<16xf32>
        %mul3A_499 = arith.mulf %sub3A_82, %gather3A_494 : vector<16xf32>
        %add3A_500 = arith.addf %mul3A_498, %mul3A_499 : vector<16xf32>
        tpu.vector_store_idx %arg8[%add3A_497], %add3A_500 : memref<16384xf32, #tpu.memory_space<vmem>>[vector<16xi32>], vector<16xf32>,
        %add3A_501 = arith.constant 29 : i32
        %add3A_502 = vector.broadcast %add3A_501 : i32 to vector<16xi32>
        %add3A_503 = arith.addi %mul3A_88, %add3A_502 : vector<16xi32>
        %gather3A_504 = tpu.vector_load_idx %arg6[%add3A_503] : memref<64000xf32, #tpu.memory_space<vmem>>[vector<16xi32>], vector<16xf32>,
        %add3A_505 = arith.constant 29 : i32
        %add3A_506 = vector.broadcast %add3A_505 : i32 to vector<16xi32>
        %add3A_507 = arith.addi %mul3A_91, %add3A_506 : vector<16xi32>
        %gather3A_508 = tpu.vector_load_idx %arg6[%add3A_507] : memref<64000xf32, #tpu.memory_space<vmem>>[vector<16xi32>], vector<16xf32>,
        %add3A_509 = arith.constant 29 : i32
        %add3A_510 = vector.broadcast %add3A_509 : i32 to vector<16xi32>
        %add3A_511 = arith.addi %add3A_95, %add3A_510 : vector<16xi32>
        %mul3A_512 = arith.mulf %sub3A_85, %gather3A_504 : vector<16xf32>
        %mul3A_513 = arith.mulf %sub3A_82, %gather3A_508 : vector<16xf32>
        %add3A_514 = arith.addf %mul3A_512, %mul3A_513 : vector<16xf32>
        tpu.vector_store_idx %arg8[%add3A_511], %add3A_514 : memref<16384xf32, #tpu.memory_space<vmem>>[vector<16xi32>], vector<16xf32>,
        %add3A_515 = arith.constant 30 : i32
        %add3A_516 = vector.broadcast %add3A_515 : i32 to vector<16xi32>
        %add3A_517 = arith.addi %mul3A_88, %add3A_516 : vector<16xi32>
        %gather3A_518 = tpu.vector_load_idx %arg6[%add3A_517] : memref<64000xf32, #tpu.memory_space<vmem>>[vector<16xi32>], vector<16xf32>,
        %add3A_519 = arith.constant 30 : i32
        %add3A_520 = vector.broadcast %add3A_519 : i32 to vector<16xi32>
        %add3A_521 = arith.addi %mul3A_91, %add3A_520 : vector<16xi32>
        %gather3A_522 = tpu.vector_load_idx %arg6[%add3A_521] : memref<64000xf32, #tpu.memory_space<vmem>>[vector<16xi32>], vector<16xf32>,
        %add3A_523 = arith.constant 30 : i32
        %add3A_524 = vector.broadcast %add3A_523 : i32 to vector<16xi32>
        %add3A_525 = arith.addi %add3A_95, %add3A_524 : vector<16xi32>
        %mul3A_526 = arith.mulf %sub3A_85, %gather3A_518 : vector<16xf32>
        %mul3A_527 = arith.mulf %sub3A_82, %gather3A_522 : vector<16xf32>
        %add3A_528 = arith.addf %mul3A_526, %mul3A_527 : vector<16xf32>
        tpu.vector_store_idx %arg8[%add3A_525], %add3A_528 : memref<16384xf32, #tpu.memory_space<vmem>>[vector<16xi32>], vector<16xf32>,
        %add3A_529 = arith.constant 31 : i32
        %add3A_530 = vector.broadcast %add3A_529 : i32 to vector<16xi32>
        %add3A_531 = arith.addi %mul3A_88, %add3A_530 : vector<16xi32>
        %gather3A_532 = tpu.vector_load_idx %arg6[%add3A_531] : memref<64000xf32, #tpu.memory_space<vmem>>[vector<16xi32>], vector<16xf32>,
        %add3A_533 = arith.constant 31 : i32
        %add3A_534 = vector.broadcast %add3A_533 : i32 to vector<16xi32>
        %add3A_535 = arith.addi %mul3A_91, %add3A_534 : vector<16xi32>
        %gather3A_536 = tpu.vector_load_idx %arg6[%add3A_535] : memref<64000xf32, #tpu.memory_space<vmem>>[vector<16xi32>], vector<16xf32>,
        %add3A_537 = arith.constant 31 : i32
        %add3A_538 = vector.broadcast %add3A_537 : i32 to vector<16xi32>
        %add3A_539 = arith.addi %add3A_95, %add3A_538 : vector<16xi32>
        %mul3A_540 = arith.mulf %sub3A_85, %gather3A_532 : vector<16xf32>
        %mul3A_541 = arith.mulf %sub3A_82, %gather3A_536 : vector<16xf32>
        %add3A_542 = arith.addf %mul3A_540, %mul3A_541 : vector<16xf32>
        tpu.vector_store_idx %arg8[%add3A_539], %add3A_542 : memref<16384xf32, #tpu.memory_space<vmem>>[vector<16xi32>], vector<16xf32>,
        %add3A_543 = arith.constant 32 : i32
        %add3A_544 = vector.broadcast %add3A_543 : i32 to vector<16xi32>
        %add3A_545 = arith.addi %mul3A_88, %add3A_544 : vector<16xi32>
        %gather3A_546 = tpu.vector_load_idx %arg6[%add3A_545] : memref<64000xf32, #tpu.memory_space<vmem>>[vector<16xi32>], vector<16xf32>,
        %add3A_547 = arith.constant 32 : i32
        %add3A_548 = vector.broadcast %add3A_547 : i32 to vector<16xi32>
        %add3A_549 = arith.addi %mul3A_91, %add3A_548 : vector<16xi32>
        %gather3A_550 = tpu.vector_load_idx %arg6[%add3A_549] : memref<64000xf32, #tpu.memory_space<vmem>>[vector<16xi32>], vector<16xf32>,
        %add3A_551 = arith.constant 32 : i32
        %add3A_552 = vector.broadcast %add3A_551 : i32 to vector<16xi32>
        %add3A_553 = arith.addi %add3A_95, %add3A_552 : vector<16xi32>
        %mul3A_554 = arith.mulf %sub3A_85, %gather3A_546 : vector<16xf32>
        %mul3A_555 = arith.mulf %sub3A_82, %gather3A_550 : vector<16xf32>
        %add3A_556 = arith.addf %mul3A_554, %mul3A_555 : vector<16xf32>
        tpu.vector_store_idx %arg8[%add3A_553], %add3A_556 : memref<16384xf32, #tpu.memory_space<vmem>>[vector<16xi32>], vector<16xf32>,
        %add3A_557 = arith.constant 33 : i32
        %add3A_558 = vector.broadcast %add3A_557 : i32 to vector<16xi32>
        %add3A_559 = arith.addi %mul3A_88, %add3A_558 : vector<16xi32>
        %gather3A_560 = tpu.vector_load_idx %arg6[%add3A_559] : memref<64000xf32, #tpu.memory_space<vmem>>[vector<16xi32>], vector<16xf32>,
        %add3A_561 = arith.constant 33 : i32
        %add3A_562 = vector.broadcast %add3A_561 : i32 to vector<16xi32>
        %add3A_563 = arith.addi %mul3A_91, %add3A_562 : vector<16xi32>
        %gather3A_564 = tpu.vector_load_idx %arg6[%add3A_563] : memref<64000xf32, #tpu.memory_space<vmem>>[vector<16xi32>], vector<16xf32>,
        %add3A_565 = arith.constant 33 : i32
        %add3A_566 = vector.broadcast %add3A_565 : i32 to vector<16xi32>
        %add3A_567 = arith.addi %add3A_95, %add3A_566 : vector<16xi32>
        %mul3A_568 = arith.mulf %sub3A_85, %gather3A_560 : vector<16xf32>
        %mul3A_569 = arith.mulf %sub3A_82, %gather3A_564 : vector<16xf32>
        %add3A_570 = arith.addf %mul3A_568, %mul3A_569 : vector<16xf32>
        tpu.vector_store_idx %arg8[%add3A_567], %add3A_570 : memref<16384xf32, #tpu.memory_space<vmem>>[vector<16xi32>], vector<16xf32>,
        %add3A_571 = arith.constant 34 : i32
        %add3A_572 = vector.broadcast %add3A_571 : i32 to vector<16xi32>
        %add3A_573 = arith.addi %mul3A_88, %add3A_572 : vector<16xi32>
        %gather3A_574 = tpu.vector_load_idx %arg6[%add3A_573] : memref<64000xf32, #tpu.memory_space<vmem>>[vector<16xi32>], vector<16xf32>,
        %add3A_575 = arith.constant 34 : i32
        %add3A_576 = vector.broadcast %add3A_575 : i32 to vector<16xi32>
        %add3A_577 = arith.addi %mul3A_91, %add3A_576 : vector<16xi32>
        %gather3A_578 = tpu.vector_load_idx %arg6[%add3A_577] : memref<64000xf32, #tpu.memory_space<vmem>>[vector<16xi32>], vector<16xf32>,
        %add3A_579 = arith.constant 34 : i32
        %add3A_580 = vector.broadcast %add3A_579 : i32 to vector<16xi32>
        %add3A_581 = arith.addi %add3A_95, %add3A_580 : vector<16xi32>
        %mul3A_582 = arith.mulf %sub3A_85, %gather3A_574 : vector<16xf32>
        %mul3A_583 = arith.mulf %sub3A_82, %gather3A_578 : vector<16xf32>
        %add3A_584 = arith.addf %mul3A_582, %mul3A_583 : vector<16xf32>
        tpu.vector_store_idx %arg8[%add3A_581], %add3A_584 : memref<16384xf32, #tpu.memory_space<vmem>>[vector<16xi32>], vector<16xf32>,
        %add3A_585 = arith.constant 35 : i32
        %add3A_586 = vector.broadcast %add3A_585 : i32 to vector<16xi32>
        %add3A_587 = arith.addi %mul3A_88, %add3A_586 : vector<16xi32>
        %gather3A_588 = tpu.vector_load_idx %arg6[%add3A_587] : memref<64000xf32, #tpu.memory_space<vmem>>[vector<16xi32>], vector<16xf32>,
        %add3A_589 = arith.constant 35 : i32
        %add3A_590 = vector.broadcast %add3A_589 : i32 to vector<16xi32>
        %add3A_591 = arith.addi %mul3A_91, %add3A_590 : vector<16xi32>
        %gather3A_592 = tpu.vector_load_idx %arg6[%add3A_591] : memref<64000xf32, #tpu.memory_space<vmem>>[vector<16xi32>], vector<16xf32>,
        %add3A_593 = arith.constant 35 : i32
        %add3A_594 = vector.broadcast %add3A_593 : i32 to vector<16xi32>
        %add3A_595 = arith.addi %add3A_95, %add3A_594 : vector<16xi32>
        %mul3A_596 = arith.mulf %sub3A_85, %gather3A_588 : vector<16xf32>
        %mul3A_597 = arith.mulf %sub3A_82, %gather3A_592 : vector<16xf32>
        %add3A_598 = arith.addf %mul3A_596, %mul3A_597 : vector<16xf32>
        tpu.vector_store_idx %arg8[%add3A_595], %add3A_598 : memref<16384xf32, #tpu.memory_space<vmem>>[vector<16xi32>], vector<16xf32>,
        %add3A_599 = arith.constant 36 : i32
        %add3A_600 = vector.broadcast %add3A_599 : i32 to vector<16xi32>
        %add3A_601 = arith.addi %mul3A_88, %add3A_600 : vector<16xi32>
        %gather3A_602 = tpu.vector_load_idx %arg6[%add3A_601] : memref<64000xf32, #tpu.memory_space<vmem>>[vector<16xi32>], vector<16xf32>,
        %add3A_603 = arith.constant 36 : i32
        %add3A_604 = vector.broadcast %add3A_603 : i32 to vector<16xi32>
        %add3A_605 = arith.addi %mul3A_91, %add3A_604 : vector<16xi32>
        %gather3A_606 = tpu.vector_load_idx %arg6[%add3A_605] : memref<64000xf32, #tpu.memory_space<vmem>>[vector<16xi32>], vector<16xf32>,
        %add3A_607 = arith.constant 36 : i32
        %add3A_608 = vector.broadcast %add3A_607 : i32 to vector<16xi32>
        %add3A_609 = arith.addi %add3A_95, %add3A_608 : vector<16xi32>
        %mul3A_610 = arith.mulf %sub3A_85, %gather3A_602 : vector<16xf32>
        %mul3A_611 = arith.mulf %sub3A_82, %gather3A_606 : vector<16xf32>
        %add3A_612 = arith.addf %mul3A_610, %mul3A_611 : vector<16xf32>
        tpu.vector_store_idx %arg8[%add3A_609], %add3A_612 : memref<16384xf32, #tpu.memory_space<vmem>>[vector<16xi32>], vector<16xf32>,
        %add3A_613 = arith.constant 37 : i32
        %add3A_614 = vector.broadcast %add3A_613 : i32 to vector<16xi32>
        %add3A_615 = arith.addi %mul3A_88, %add3A_614 : vector<16xi32>
        %gather3A_616 = tpu.vector_load_idx %arg6[%add3A_615] : memref<64000xf32, #tpu.memory_space<vmem>>[vector<16xi32>], vector<16xf32>,
        %add3A_617 = arith.constant 37 : i32
        %add3A_618 = vector.broadcast %add3A_617 : i32 to vector<16xi32>
        %add3A_619 = arith.addi %mul3A_91, %add3A_618 : vector<16xi32>
        %gather3A_620 = tpu.vector_load_idx %arg6[%add3A_619] : memref<64000xf32, #tpu.memory_space<vmem>>[vector<16xi32>], vector<16xf32>,
        %add3A_621 = arith.constant 37 : i32
        %add3A_622 = vector.broadcast %add3A_621 : i32 to vector<16xi32>
        %add3A_623 = arith.addi %add3A_95, %add3A_622 : vector<16xi32>
        %mul3A_624 = arith.mulf %sub3A_85, %gather3A_616 : vector<16xf32>
        %mul3A_625 = arith.mulf %sub3A_82, %gather3A_620 : vector<16xf32>
        %add3A_626 = arith.addf %mul3A_624, %mul3A_625 : vector<16xf32>
        tpu.vector_store_idx %arg8[%add3A_623], %add3A_626 : memref<16384xf32, #tpu.memory_space<vmem>>[vector<16xi32>], vector<16xf32>,
        %add3A_627 = arith.constant 38 : i32
        %add3A_628 = vector.broadcast %add3A_627 : i32 to vector<16xi32>
        %add3A_629 = arith.addi %mul3A_88, %add3A_628 : vector<16xi32>
        %gather3A_630 = tpu.vector_load_idx %arg6[%add3A_629] : memref<64000xf32, #tpu.memory_space<vmem>>[vector<16xi32>], vector<16xf32>,
        %add3A_631 = arith.constant 38 : i32
        %add3A_632 = vector.broadcast %add3A_631 : i32 to vector<16xi32>
        %add3A_633 = arith.addi %mul3A_91, %add3A_632 : vector<16xi32>
        %gather3A_634 = tpu.vector_load_idx %arg6[%add3A_633] : memref<64000xf32, #tpu.memory_space<vmem>>[vector<16xi32>], vector<16xf32>,
        %add3A_635 = arith.constant 38 : i32
        %add3A_636 = vector.broadcast %add3A_635 : i32 to vector<16xi32>
        %add3A_637 = arith.addi %add3A_95, %add3A_636 : vector<16xi32>
        %mul3A_638 = arith.mulf %sub3A_85, %gather3A_630 : vector<16xf32>
        %mul3A_639 = arith.mulf %sub3A_82, %gather3A_634 : vector<16xf32>
        %add3A_640 = arith.addf %mul3A_638, %mul3A_639 : vector<16xf32>
        tpu.vector_store_idx %arg8[%add3A_637], %add3A_640 : memref<16384xf32, #tpu.memory_space<vmem>>[vector<16xi32>], vector<16xf32>,
        %add3A_641 = arith.constant 39 : i32
        %add3A_642 = vector.broadcast %add3A_641 : i32 to vector<16xi32>
        %add3A_643 = arith.addi %mul3A_88, %add3A_642 : vector<16xi32>
        %gather3A_644 = tpu.vector_load_idx %arg6[%add3A_643] : memref<64000xf32, #tpu.memory_space<vmem>>[vector<16xi32>], vector<16xf32>,
        %add3A_645 = arith.constant 39 : i32
        %add3A_646 = vector.broadcast %add3A_645 : i32 to vector<16xi32>
        %add3A_647 = arith.addi %mul3A_91, %add3A_646 : vector<16xi32>
        %gather3A_648 = tpu.vector_load_idx %arg6[%add3A_647] : memref<64000xf32, #tpu.memory_space<vmem>>[vector<16xi32>], vector<16xf32>,
        %add3A_649 = arith.constant 39 : i32
        %add3A_650 = vector.broadcast %add3A_649 : i32 to vector<16xi32>
        %add3A_651 = arith.addi %add3A_95, %add3A_650 : vector<16xi32>
        %mul3A_652 = arith.mulf %sub3A_85, %gather3A_644 : vector<16xf32>
        %mul3A_653 = arith.mulf %sub3A_82, %gather3A_648 : vector<16xf32>
        %add3A_654 = arith.addf %mul3A_652, %mul3A_653 : vector<16xf32>
        tpu.vector_store_idx %arg8[%add3A_651], %add3A_654 : memref<16384xf32, #tpu.memory_space<vmem>>[vector<16xi32>], vector<16xf32>,
        %add3A_655 = arith.constant 40 : i32
        %add3A_656 = vector.broadcast %add3A_655 : i32 to vector<16xi32>
        %add3A_657 = arith.addi %mul3A_88, %add3A_656 : vector<16xi32>
        %gather3A_658 = tpu.vector_load_idx %arg6[%add3A_657] : memref<64000xf32, #tpu.memory_space<vmem>>[vector<16xi32>], vector<16xf32>,
        %add3A_659 = arith.constant 40 : i32
        %add3A_660 = vector.broadcast %add3A_659 : i32 to vector<16xi32>
        %add3A_661 = arith.addi %mul3A_91, %add3A_660 : vector<16xi32>
        %gather3A_662 = tpu.vector_load_idx %arg6[%add3A_661] : memref<64000xf32, #tpu.memory_space<vmem>>[vector<16xi32>], vector<16xf32>,
        %add3A_663 = arith.constant 40 : i32
        %add3A_664 = vector.broadcast %add3A_663 : i32 to vector<16xi32>
        %add3A_665 = arith.addi %add3A_95, %add3A_664 : vector<16xi32>
        %mul3A_666 = arith.mulf %sub3A_85, %gather3A_658 : vector<16xf32>
        %mul3A_667 = arith.mulf %sub3A_82, %gather3A_662 : vector<16xf32>
        %add3A_668 = arith.addf %mul3A_666, %mul3A_667 : vector<16xf32>
        tpu.vector_store_idx %arg8[%add3A_665], %add3A_668 : memref<16384xf32, #tpu.memory_space<vmem>>[vector<16xi32>], vector<16xf32>,
        %add3A_669 = arith.constant 41 : i32
        %add3A_670 = vector.broadcast %add3A_669 : i32 to vector<16xi32>
        %add3A_671 = arith.addi %mul3A_88, %add3A_670 : vector<16xi32>
        %gather3A_672 = tpu.vector_load_idx %arg6[%add3A_671] : memref<64000xf32, #tpu.memory_space<vmem>>[vector<16xi32>], vector<16xf32>,
        %add3A_673 = arith.constant 41 : i32
        %add3A_674 = vector.broadcast %add3A_673 : i32 to vector<16xi32>
        %add3A_675 = arith.addi %mul3A_91, %add3A_674 : vector<16xi32>
        %gather3A_676 = tpu.vector_load_idx %arg6[%add3A_675] : memref<64000xf32, #tpu.memory_space<vmem>>[vector<16xi32>], vector<16xf32>,
        %add3A_677 = arith.constant 41 : i32
        %add3A_678 = vector.broadcast %add3A_677 : i32 to vector<16xi32>
        %add3A_679 = arith.addi %add3A_95, %add3A_678 : vector<16xi32>
        %mul3A_680 = arith.mulf %sub3A_85, %gather3A_672 : vector<16xf32>
        %mul3A_681 = arith.mulf %sub3A_82, %gather3A_676 : vector<16xf32>
        %add3A_682 = arith.addf %mul3A_680, %mul3A_681 : vector<16xf32>
        tpu.vector_store_idx %arg8[%add3A_679], %add3A_682 : memref<16384xf32, #tpu.memory_space<vmem>>[vector<16xi32>], vector<16xf32>,
        %add3A_683 = arith.constant 42 : i32
        %add3A_684 = vector.broadcast %add3A_683 : i32 to vector<16xi32>
        %add3A_685 = arith.addi %mul3A_88, %add3A_684 : vector<16xi32>
        %gather3A_686 = tpu.vector_load_idx %arg6[%add3A_685] : memref<64000xf32, #tpu.memory_space<vmem>>[vector<16xi32>], vector<16xf32>,
        %add3A_687 = arith.constant 42 : i32
        %add3A_688 = vector.broadcast %add3A_687 : i32 to vector<16xi32>
        %add3A_689 = arith.addi %mul3A_91, %add3A_688 : vector<16xi32>
        %gather3A_690 = tpu.vector_load_idx %arg6[%add3A_689] : memref<64000xf32, #tpu.memory_space<vmem>>[vector<16xi32>], vector<16xf32>,
        %add3A_691 = arith.constant 42 : i32
        %add3A_692 = vector.broadcast %add3A_691 : i32 to vector<16xi32>
        %add3A_693 = arith.addi %add3A_95, %add3A_692 : vector<16xi32>
        %mul3A_694 = arith.mulf %sub3A_85, %gather3A_686 : vector<16xf32>
        %mul3A_695 = arith.mulf %sub3A_82, %gather3A_690 : vector<16xf32>
        %add3A_696 = arith.addf %mul3A_694, %mul3A_695 : vector<16xf32>
        tpu.vector_store_idx %arg8[%add3A_693], %add3A_696 : memref<16384xf32, #tpu.memory_space<vmem>>[vector<16xi32>], vector<16xf32>,
        %add3A_697 = arith.constant 43 : i32
        %add3A_698 = vector.broadcast %add3A_697 : i32 to vector<16xi32>
        %add3A_699 = arith.addi %mul3A_88, %add3A_698 : vector<16xi32>
        %gather3A_700 = tpu.vector_load_idx %arg6[%add3A_699] : memref<64000xf32, #tpu.memory_space<vmem>>[vector<16xi32>], vector<16xf32>,
        %add3A_701 = arith.constant 43 : i32
        %add3A_702 = vector.broadcast %add3A_701 : i32 to vector<16xi32>
        %add3A_703 = arith.addi %mul3A_91, %add3A_702 : vector<16xi32>
        %gather3A_704 = tpu.vector_load_idx %arg6[%add3A_703] : memref<64000xf32, #tpu.memory_space<vmem>>[vector<16xi32>], vector<16xf32>,
        %add3A_705 = arith.constant 43 : i32
        %add3A_706 = vector.broadcast %add3A_705 : i32 to vector<16xi32>
        %add3A_707 = arith.addi %add3A_95, %add3A_706 : vector<16xi32>
        %mul3A_708 = arith.mulf %sub3A_85, %gather3A_700 : vector<16xf32>
        %mul3A_709 = arith.mulf %sub3A_82, %gather3A_704 : vector<16xf32>
        %add3A_710 = arith.addf %mul3A_708, %mul3A_709 : vector<16xf32>
        tpu.vector_store_idx %arg8[%add3A_707], %add3A_710 : memref<16384xf32, #tpu.memory_space<vmem>>[vector<16xi32>], vector<16xf32>,
        %add3A_711 = arith.constant 44 : i32
        %add3A_712 = vector.broadcast %add3A_711 : i32 to vector<16xi32>
        %add3A_713 = arith.addi %mul3A_88, %add3A_712 : vector<16xi32>
        %gather3A_714 = tpu.vector_load_idx %arg6[%add3A_713] : memref<64000xf32, #tpu.memory_space<vmem>>[vector<16xi32>], vector<16xf32>,
        %add3A_715 = arith.constant 44 : i32
        %add3A_716 = vector.broadcast %add3A_715 : i32 to vector<16xi32>
        %add3A_717 = arith.addi %mul3A_91, %add3A_716 : vector<16xi32>
        %gather3A_718 = tpu.vector_load_idx %arg6[%add3A_717] : memref<64000xf32, #tpu.memory_space<vmem>>[vector<16xi32>], vector<16xf32>,
        %add3A_719 = arith.constant 44 : i32
        %add3A_720 = vector.broadcast %add3A_719 : i32 to vector<16xi32>
        %add3A_721 = arith.addi %add3A_95, %add3A_720 : vector<16xi32>
        %mul3A_722 = arith.mulf %sub3A_85, %gather3A_714 : vector<16xf32>
        %mul3A_723 = arith.mulf %sub3A_82, %gather3A_718 : vector<16xf32>
        %add3A_724 = arith.addf %mul3A_722, %mul3A_723 : vector<16xf32>
        tpu.vector_store_idx %arg8[%add3A_721], %add3A_724 : memref<16384xf32, #tpu.memory_space<vmem>>[vector<16xi32>], vector<16xf32>,
        %add3A_725 = arith.constant 45 : i32
        %add3A_726 = vector.broadcast %add3A_725 : i32 to vector<16xi32>
        %add3A_727 = arith.addi %mul3A_88, %add3A_726 : vector<16xi32>
        %gather3A_728 = tpu.vector_load_idx %arg6[%add3A_727] : memref<64000xf32, #tpu.memory_space<vmem>>[vector<16xi32>], vector<16xf32>,
        %add3A_729 = arith.constant 45 : i32
        %add3A_730 = vector.broadcast %add3A_729 : i32 to vector<16xi32>
        %add3A_731 = arith.addi %mul3A_91, %add3A_730 : vector<16xi32>
        %gather3A_732 = tpu.vector_load_idx %arg6[%add3A_731] : memref<64000xf32, #tpu.memory_space<vmem>>[vector<16xi32>], vector<16xf32>,
        %add3A_733 = arith.constant 45 : i32
        %add3A_734 = vector.broadcast %add3A_733 : i32 to vector<16xi32>
        %add3A_735 = arith.addi %add3A_95, %add3A_734 : vector<16xi32>
        %mul3A_736 = arith.mulf %sub3A_85, %gather3A_728 : vector<16xf32>
        %mul3A_737 = arith.mulf %sub3A_82, %gather3A_732 : vector<16xf32>
        %add3A_738 = arith.addf %mul3A_736, %mul3A_737 : vector<16xf32>
        tpu.vector_store_idx %arg8[%add3A_735], %add3A_738 : memref<16384xf32, #tpu.memory_space<vmem>>[vector<16xi32>], vector<16xf32>,
        %add3A_739 = arith.constant 46 : i32
        %add3A_740 = vector.broadcast %add3A_739 : i32 to vector<16xi32>
        %add3A_741 = arith.addi %mul3A_88, %add3A_740 : vector<16xi32>
        %gather3A_742 = tpu.vector_load_idx %arg6[%add3A_741] : memref<64000xf32, #tpu.memory_space<vmem>>[vector<16xi32>], vector<16xf32>,
        %add3A_743 = arith.constant 46 : i32
        %add3A_744 = vector.broadcast %add3A_743 : i32 to vector<16xi32>
        %add3A_745 = arith.addi %mul3A_91, %add3A_744 : vector<16xi32>
        %gather3A_746 = tpu.vector_load_idx %arg6[%add3A_745] : memref<64000xf32, #tpu.memory_space<vmem>>[vector<16xi32>], vector<16xf32>,
        %add3A_747 = arith.constant 46 : i32
        %add3A_748 = vector.broadcast %add3A_747 : i32 to vector<16xi32>
        %add3A_749 = arith.addi %add3A_95, %add3A_748 : vector<16xi32>
        %mul3A_750 = arith.mulf %sub3A_85, %gather3A_742 : vector<16xf32>
        %mul3A_751 = arith.mulf %sub3A_82, %gather3A_746 : vector<16xf32>
        %add3A_752 = arith.addf %mul3A_750, %mul3A_751 : vector<16xf32>
        tpu.vector_store_idx %arg8[%add3A_749], %add3A_752 : memref<16384xf32, #tpu.memory_space<vmem>>[vector<16xi32>], vector<16xf32>,
        %add3A_753 = arith.constant 47 : i32
        %add3A_754 = vector.broadcast %add3A_753 : i32 to vector<16xi32>
        %add3A_755 = arith.addi %mul3A_88, %add3A_754 : vector<16xi32>
        %gather3A_756 = tpu.vector_load_idx %arg6[%add3A_755] : memref<64000xf32, #tpu.memory_space<vmem>>[vector<16xi32>], vector<16xf32>,
        %add3A_757 = arith.constant 47 : i32
        %add3A_758 = vector.broadcast %add3A_757 : i32 to vector<16xi32>
        %add3A_759 = arith.addi %mul3A_91, %add3A_758 : vector<16xi32>
        %gather3A_760 = tpu.vector_load_idx %arg6[%add3A_759] : memref<64000xf32, #tpu.memory_space<vmem>>[vector<16xi32>], vector<16xf32>,
        %add3A_761 = arith.constant 47 : i32
        %add3A_762 = vector.broadcast %add3A_761 : i32 to vector<16xi32>
        %add3A_763 = arith.addi %add3A_95, %add3A_762 : vector<16xi32>
        %mul3A_764 = arith.mulf %sub3A_85, %gather3A_756 : vector<16xf32>
        %mul3A_765 = arith.mulf %sub3A_82, %gather3A_760 : vector<16xf32>
        %add3A_766 = arith.addf %mul3A_764, %mul3A_765 : vector<16xf32>
        tpu.vector_store_idx %arg8[%add3A_763], %add3A_766 : memref<16384xf32, #tpu.memory_space<vmem>>[vector<16xi32>], vector<16xf32>,
        %add3A_767 = arith.constant 48 : i32
        %add3A_768 = vector.broadcast %add3A_767 : i32 to vector<16xi32>
        %add3A_769 = arith.addi %mul3A_88, %add3A_768 : vector<16xi32>
        %gather3A_770 = tpu.vector_load_idx %arg6[%add3A_769] : memref<64000xf32, #tpu.memory_space<vmem>>[vector<16xi32>], vector<16xf32>,
        %add3A_771 = arith.constant 48 : i32
        %add3A_772 = vector.broadcast %add3A_771 : i32 to vector<16xi32>
        %add3A_773 = arith.addi %mul3A_91, %add3A_772 : vector<16xi32>
        %gather3A_774 = tpu.vector_load_idx %arg6[%add3A_773] : memref<64000xf32, #tpu.memory_space<vmem>>[vector<16xi32>], vector<16xf32>,
        %add3A_775 = arith.constant 48 : i32
        %add3A_776 = vector.broadcast %add3A_775 : i32 to vector<16xi32>
        %add3A_777 = arith.addi %add3A_95, %add3A_776 : vector<16xi32>
        %mul3A_778 = arith.mulf %sub3A_85, %gather3A_770 : vector<16xf32>
        %mul3A_779 = arith.mulf %sub3A_82, %gather3A_774 : vector<16xf32>
        %add3A_780 = arith.addf %mul3A_778, %mul3A_779 : vector<16xf32>
        tpu.vector_store_idx %arg8[%add3A_777], %add3A_780 : memref<16384xf32, #tpu.memory_space<vmem>>[vector<16xi32>], vector<16xf32>,
        %add3A_781 = arith.constant 49 : i32
        %add3A_782 = vector.broadcast %add3A_781 : i32 to vector<16xi32>
        %add3A_783 = arith.addi %mul3A_88, %add3A_782 : vector<16xi32>
        %gather3A_784 = tpu.vector_load_idx %arg6[%add3A_783] : memref<64000xf32, #tpu.memory_space<vmem>>[vector<16xi32>], vector<16xf32>,
        %add3A_785 = arith.constant 49 : i32
        %add3A_786 = vector.broadcast %add3A_785 : i32 to vector<16xi32>
        %add3A_787 = arith.addi %mul3A_91, %add3A_786 : vector<16xi32>
        %gather3A_788 = tpu.vector_load_idx %arg6[%add3A_787] : memref<64000xf32, #tpu.memory_space<vmem>>[vector<16xi32>], vector<16xf32>,
        %add3A_789 = arith.constant 49 : i32
        %add3A_790 = vector.broadcast %add3A_789 : i32 to vector<16xi32>
        %add3A_791 = arith.addi %add3A_95, %add3A_790 : vector<16xi32>
        %mul3A_792 = arith.mulf %sub3A_85, %gather3A_784 : vector<16xf32>
        %mul3A_793 = arith.mulf %sub3A_82, %gather3A_788 : vector<16xf32>
        %add3A_794 = arith.addf %mul3A_792, %mul3A_793 : vector<16xf32>
        tpu.vector_store_idx %arg8[%add3A_791], %add3A_794 : memref<16384xf32, #tpu.memory_space<vmem>>[vector<16xi32>], vector<16xf32>,
        %add3A_795 = arith.constant 50 : i32
        %add3A_796 = vector.broadcast %add3A_795 : i32 to vector<16xi32>
        %add3A_797 = arith.addi %mul3A_88, %add3A_796 : vector<16xi32>
        %gather3A_798 = tpu.vector_load_idx %arg6[%add3A_797] : memref<64000xf32, #tpu.memory_space<vmem>>[vector<16xi32>], vector<16xf32>,
        %add3A_799 = arith.constant 50 : i32
        %add3A_800 = vector.broadcast %add3A_799 : i32 to vector<16xi32>
        %add3A_801 = arith.addi %mul3A_91, %add3A_800 : vector<16xi32>
        %gather3A_802 = tpu.vector_load_idx %arg6[%add3A_801] : memref<64000xf32, #tpu.memory_space<vmem>>[vector<16xi32>], vector<16xf32>,
        %add3A_803 = arith.constant 50 : i32
        %add3A_804 = vector.broadcast %add3A_803 : i32 to vector<16xi32>
        %add3A_805 = arith.addi %add3A_95, %add3A_804 : vector<16xi32>
        %mul3A_806 = arith.mulf %sub3A_85, %gather3A_798 : vector<16xf32>
        %mul3A_807 = arith.mulf %sub3A_82, %gather3A_802 : vector<16xf32>
        %add3A_808 = arith.addf %mul3A_806, %mul3A_807 : vector<16xf32>
        tpu.vector_store_idx %arg8[%add3A_805], %add3A_808 : memref<16384xf32, #tpu.memory_space<vmem>>[vector<16xi32>], vector<16xf32>,
        %add3A_809 = arith.constant 51 : i32
        %add3A_810 = vector.broadcast %add3A_809 : i32 to vector<16xi32>
        %add3A_811 = arith.addi %mul3A_88, %add3A_810 : vector<16xi32>
        %gather3A_812 = tpu.vector_load_idx %arg6[%add3A_811] : memref<64000xf32, #tpu.memory_space<vmem>>[vector<16xi32>], vector<16xf32>,
        %add3A_813 = arith.constant 51 : i32
        %add3A_814 = vector.broadcast %add3A_813 : i32 to vector<16xi32>
        %add3A_815 = arith.addi %mul3A_91, %add3A_814 : vector<16xi32>
        %gather3A_816 = tpu.vector_load_idx %arg6[%add3A_815] : memref<64000xf32, #tpu.memory_space<vmem>>[vector<16xi32>], vector<16xf32>,
        %add3A_817 = arith.constant 51 : i32
        %add3A_818 = vector.broadcast %add3A_817 : i32 to vector<16xi32>
        %add3A_819 = arith.addi %add3A_95, %add3A_818 : vector<16xi32>
        %mul3A_820 = arith.mulf %sub3A_85, %gather3A_812 : vector<16xf32>
        %mul3A_821 = arith.mulf %sub3A_82, %gather3A_816 : vector<16xf32>
        %add3A_822 = arith.addf %mul3A_820, %mul3A_821 : vector<16xf32>
        tpu.vector_store_idx %arg8[%add3A_819], %add3A_822 : memref<16384xf32, #tpu.memory_space<vmem>>[vector<16xi32>], vector<16xf32>,
        %add3A_823 = arith.constant 52 : i32
        %add3A_824 = vector.broadcast %add3A_823 : i32 to vector<16xi32>
        %add3A_825 = arith.addi %mul3A_88, %add3A_824 : vector<16xi32>
        %gather3A_826 = tpu.vector_load_idx %arg6[%add3A_825] : memref<64000xf32, #tpu.memory_space<vmem>>[vector<16xi32>], vector<16xf32>,
        %add3A_827 = arith.constant 52 : i32
        %add3A_828 = vector.broadcast %add3A_827 : i32 to vector<16xi32>
        %add3A_829 = arith.addi %mul3A_91, %add3A_828 : vector<16xi32>
        %gather3A_830 = tpu.vector_load_idx %arg6[%add3A_829] : memref<64000xf32, #tpu.memory_space<vmem>>[vector<16xi32>], vector<16xf32>,
        %add3A_831 = arith.constant 52 : i32
        %add3A_832 = vector.broadcast %add3A_831 : i32 to vector<16xi32>
        %add3A_833 = arith.addi %add3A_95, %add3A_832 : vector<16xi32>
        %mul3A_834 = arith.mulf %sub3A_85, %gather3A_826 : vector<16xf32>
        %mul3A_835 = arith.mulf %sub3A_82, %gather3A_830 : vector<16xf32>
        %add3A_836 = arith.addf %mul3A_834, %mul3A_835 : vector<16xf32>
        tpu.vector_store_idx %arg8[%add3A_833], %add3A_836 : memref<16384xf32, #tpu.memory_space<vmem>>[vector<16xi32>], vector<16xf32>,
        %add3A_837 = arith.constant 53 : i32
        %add3A_838 = vector.broadcast %add3A_837 : i32 to vector<16xi32>
        %add3A_839 = arith.addi %mul3A_88, %add3A_838 : vector<16xi32>
        %gather3A_840 = tpu.vector_load_idx %arg6[%add3A_839] : memref<64000xf32, #tpu.memory_space<vmem>>[vector<16xi32>], vector<16xf32>,
        %add3A_841 = arith.constant 53 : i32
        %add3A_842 = vector.broadcast %add3A_841 : i32 to vector<16xi32>
        %add3A_843 = arith.addi %mul3A_91, %add3A_842 : vector<16xi32>
        %gather3A_844 = tpu.vector_load_idx %arg6[%add3A_843] : memref<64000xf32, #tpu.memory_space<vmem>>[vector<16xi32>], vector<16xf32>,
        %add3A_845 = arith.constant 53 : i32
        %add3A_846 = vector.broadcast %add3A_845 : i32 to vector<16xi32>
        %add3A_847 = arith.addi %add3A_95, %add3A_846 : vector<16xi32>
        %mul3A_848 = arith.mulf %sub3A_85, %gather3A_840 : vector<16xf32>
        %mul3A_849 = arith.mulf %sub3A_82, %gather3A_844 : vector<16xf32>
        %add3A_850 = arith.addf %mul3A_848, %mul3A_849 : vector<16xf32>
        tpu.vector_store_idx %arg8[%add3A_847], %add3A_850 : memref<16384xf32, #tpu.memory_space<vmem>>[vector<16xi32>], vector<16xf32>,
        %add3A_851 = arith.constant 54 : i32
        %add3A_852 = vector.broadcast %add3A_851 : i32 to vector<16xi32>
        %add3A_853 = arith.addi %mul3A_88, %add3A_852 : vector<16xi32>
        %gather3A_854 = tpu.vector_load_idx %arg6[%add3A_853] : memref<64000xf32, #tpu.memory_space<vmem>>[vector<16xi32>], vector<16xf32>,
        %add3A_855 = arith.constant 54 : i32
        %add3A_856 = vector.broadcast %add3A_855 : i32 to vector<16xi32>
        %add3A_857 = arith.addi %mul3A_91, %add3A_856 : vector<16xi32>
        %gather3A_858 = tpu.vector_load_idx %arg6[%add3A_857] : memref<64000xf32, #tpu.memory_space<vmem>>[vector<16xi32>], vector<16xf32>,
        %add3A_859 = arith.constant 54 : i32
        %add3A_860 = vector.broadcast %add3A_859 : i32 to vector<16xi32>
        %add3A_861 = arith.addi %add3A_95, %add3A_860 : vector<16xi32>
        %mul3A_862 = arith.mulf %sub3A_85, %gather3A_854 : vector<16xf32>
        %mul3A_863 = arith.mulf %sub3A_82, %gather3A_858 : vector<16xf32>
        %add3A_864 = arith.addf %mul3A_862, %mul3A_863 : vector<16xf32>
        tpu.vector_store_idx %arg8[%add3A_861], %add3A_864 : memref<16384xf32, #tpu.memory_space<vmem>>[vector<16xi32>], vector<16xf32>,
        %add3A_865 = arith.constant 55 : i32
        %add3A_866 = vector.broadcast %add3A_865 : i32 to vector<16xi32>
        %add3A_867 = arith.addi %mul3A_88, %add3A_866 : vector<16xi32>
        %gather3A_868 = tpu.vector_load_idx %arg6[%add3A_867] : memref<64000xf32, #tpu.memory_space<vmem>>[vector<16xi32>], vector<16xf32>,
        %add3A_869 = arith.constant 55 : i32
        %add3A_870 = vector.broadcast %add3A_869 : i32 to vector<16xi32>
        %add3A_871 = arith.addi %mul3A_91, %add3A_870 : vector<16xi32>
        %gather3A_872 = tpu.vector_load_idx %arg6[%add3A_871] : memref<64000xf32, #tpu.memory_space<vmem>>[vector<16xi32>], vector<16xf32>,
        %add3A_873 = arith.constant 55 : i32
        %add3A_874 = vector.broadcast %add3A_873 : i32 to vector<16xi32>
        %add3A_875 = arith.addi %add3A_95, %add3A_874 : vector<16xi32>
        %mul3A_876 = arith.mulf %sub3A_85, %gather3A_868 : vector<16xf32>
        %mul3A_877 = arith.mulf %sub3A_82, %gather3A_872 : vector<16xf32>
        %add3A_878 = arith.addf %mul3A_876, %mul3A_877 : vector<16xf32>
        tpu.vector_store_idx %arg8[%add3A_875], %add3A_878 : memref<16384xf32, #tpu.memory_space<vmem>>[vector<16xi32>], vector<16xf32>,
        %add3A_879 = arith.constant 56 : i32
        %add3A_880 = vector.broadcast %add3A_879 : i32 to vector<16xi32>
        %add3A_881 = arith.addi %mul3A_88, %add3A_880 : vector<16xi32>
        %gather3A_882 = tpu.vector_load_idx %arg6[%add3A_881] : memref<64000xf32, #tpu.memory_space<vmem>>[vector<16xi32>], vector<16xf32>,
        %add3A_883 = arith.constant 56 : i32
        %add3A_884 = vector.broadcast %add3A_883 : i32 to vector<16xi32>
        %add3A_885 = arith.addi %mul3A_91, %add3A_884 : vector<16xi32>
        %gather3A_886 = tpu.vector_load_idx %arg6[%add3A_885] : memref<64000xf32, #tpu.memory_space<vmem>>[vector<16xi32>], vector<16xf32>,
        %add3A_887 = arith.constant 56 : i32
        %add3A_888 = vector.broadcast %add3A_887 : i32 to vector<16xi32>
        %add3A_889 = arith.addi %add3A_95, %add3A_888 : vector<16xi32>
        %mul3A_890 = arith.mulf %sub3A_85, %gather3A_882 : vector<16xf32>
        %mul3A_891 = arith.mulf %sub3A_82, %gather3A_886 : vector<16xf32>
        %add3A_892 = arith.addf %mul3A_890, %mul3A_891 : vector<16xf32>
        tpu.vector_store_idx %arg8[%add3A_889], %add3A_892 : memref<16384xf32, #tpu.memory_space<vmem>>[vector<16xi32>], vector<16xf32>,
        %add3A_893 = arith.constant 57 : i32
        %add3A_894 = vector.broadcast %add3A_893 : i32 to vector<16xi32>
        %add3A_895 = arith.addi %mul3A_88, %add3A_894 : vector<16xi32>
        %gather3A_896 = tpu.vector_load_idx %arg6[%add3A_895] : memref<64000xf32, #tpu.memory_space<vmem>>[vector<16xi32>], vector<16xf32>,
        %add3A_897 = arith.constant 57 : i32
        %add3A_898 = vector.broadcast %add3A_897 : i32 to vector<16xi32>
        %add3A_899 = arith.addi %mul3A_91, %add3A_898 : vector<16xi32>
        %gather3A_900 = tpu.vector_load_idx %arg6[%add3A_899] : memref<64000xf32, #tpu.memory_space<vmem>>[vector<16xi32>], vector<16xf32>,
        %add3A_901 = arith.constant 57 : i32
        %add3A_902 = vector.broadcast %add3A_901 : i32 to vector<16xi32>
        %add3A_903 = arith.addi %add3A_95, %add3A_902 : vector<16xi32>
        %mul3A_904 = arith.mulf %sub3A_85, %gather3A_896 : vector<16xf32>
        %mul3A_905 = arith.mulf %sub3A_82, %gather3A_900 : vector<16xf32>
        %add3A_906 = arith.addf %mul3A_904, %mul3A_905 : vector<16xf32>
        tpu.vector_store_idx %arg8[%add3A_903], %add3A_906 : memref<16384xf32, #tpu.memory_space<vmem>>[vector<16xi32>], vector<16xf32>,
        %add3A_907 = arith.constant 58 : i32
        %add3A_908 = vector.broadcast %add3A_907 : i32 to vector<16xi32>
        %add3A_909 = arith.addi %mul3A_88, %add3A_908 : vector<16xi32>
        %gather3A_910 = tpu.vector_load_idx %arg6[%add3A_909] : memref<64000xf32, #tpu.memory_space<vmem>>[vector<16xi32>], vector<16xf32>,
        %add3A_911 = arith.constant 58 : i32
        %add3A_912 = vector.broadcast %add3A_911 : i32 to vector<16xi32>
        %add3A_913 = arith.addi %mul3A_91, %add3A_912 : vector<16xi32>
        %gather3A_914 = tpu.vector_load_idx %arg6[%add3A_913] : memref<64000xf32, #tpu.memory_space<vmem>>[vector<16xi32>], vector<16xf32>,
        %add3A_915 = arith.constant 58 : i32
        %add3A_916 = vector.broadcast %add3A_915 : i32 to vector<16xi32>
        %add3A_917 = arith.addi %add3A_95, %add3A_916 : vector<16xi32>
        %mul3A_918 = arith.mulf %sub3A_85, %gather3A_910 : vector<16xf32>
        %mul3A_919 = arith.mulf %sub3A_82, %gather3A_914 : vector<16xf32>
        %add3A_920 = arith.addf %mul3A_918, %mul3A_919 : vector<16xf32>
        tpu.vector_store_idx %arg8[%add3A_917], %add3A_920 : memref<16384xf32, #tpu.memory_space<vmem>>[vector<16xi32>], vector<16xf32>,
        %add3A_921 = arith.constant 59 : i32
        %add3A_922 = vector.broadcast %add3A_921 : i32 to vector<16xi32>
        %add3A_923 = arith.addi %mul3A_88, %add3A_922 : vector<16xi32>
        %gather3A_924 = tpu.vector_load_idx %arg6[%add3A_923] : memref<64000xf32, #tpu.memory_space<vmem>>[vector<16xi32>], vector<16xf32>,
        %add3A_925 = arith.constant 59 : i32
        %add3A_926 = vector.broadcast %add3A_925 : i32 to vector<16xi32>
        %add3A_927 = arith.addi %mul3A_91, %add3A_926 : vector<16xi32>
        %gather3A_928 = tpu.vector_load_idx %arg6[%add3A_927] : memref<64000xf32, #tpu.memory_space<vmem>>[vector<16xi32>], vector<16xf32>,
        %add3A_929 = arith.constant 59 : i32
        %add3A_930 = vector.broadcast %add3A_929 : i32 to vector<16xi32>
        %add3A_931 = arith.addi %add3A_95, %add3A_930 : vector<16xi32>
        %mul3A_932 = arith.mulf %sub3A_85, %gather3A_924 : vector<16xf32>
        %mul3A_933 = arith.mulf %sub3A_82, %gather3A_928 : vector<16xf32>
        %add3A_934 = arith.addf %mul3A_932, %mul3A_933 : vector<16xf32>
        tpu.vector_store_idx %arg8[%add3A_931], %add3A_934 : memref<16384xf32, #tpu.memory_space<vmem>>[vector<16xi32>], vector<16xf32>,
        %add3A_935 = arith.constant 60 : i32
        %add3A_936 = vector.broadcast %add3A_935 : i32 to vector<16xi32>
        %add3A_937 = arith.addi %mul3A_88, %add3A_936 : vector<16xi32>
        %gather3A_938 = tpu.vector_load_idx %arg6[%add3A_937] : memref<64000xf32, #tpu.memory_space<vmem>>[vector<16xi32>], vector<16xf32>,
        %add3A_939 = arith.constant 60 : i32
        %add3A_940 = vector.broadcast %add3A_939 : i32 to vector<16xi32>
        %add3A_941 = arith.addi %mul3A_91, %add3A_940 : vector<16xi32>
        %gather3A_942 = tpu.vector_load_idx %arg6[%add3A_941] : memref<64000xf32, #tpu.memory_space<vmem>>[vector<16xi32>], vector<16xf32>,
        %add3A_943 = arith.constant 60 : i32
        %add3A_944 = vector.broadcast %add3A_943 : i32 to vector<16xi32>
        %add3A_945 = arith.addi %add3A_95, %add3A_944 : vector<16xi32>
        %mul3A_946 = arith.mulf %sub3A_85, %gather3A_938 : vector<16xf32>
        %mul3A_947 = arith.mulf %sub3A_82, %gather3A_942 : vector<16xf32>
        %add3A_948 = arith.addf %mul3A_946, %mul3A_947 : vector<16xf32>
        tpu.vector_store_idx %arg8[%add3A_945], %add3A_948 : memref<16384xf32, #tpu.memory_space<vmem>>[vector<16xi32>], vector<16xf32>,
        %add3A_949 = arith.constant 61 : i32
        %add3A_950 = vector.broadcast %add3A_949 : i32 to vector<16xi32>
        %add3A_951 = arith.addi %mul3A_88, %add3A_950 : vector<16xi32>
        %gather3A_952 = tpu.vector_load_idx %arg6[%add3A_951] : memref<64000xf32, #tpu.memory_space<vmem>>[vector<16xi32>], vector<16xf32>,
        %add3A_953 = arith.constant 61 : i32
        %add3A_954 = vector.broadcast %add3A_953 : i32 to vector<16xi32>
        %add3A_955 = arith.addi %mul3A_91, %add3A_954 : vector<16xi32>
        %gather3A_956 = tpu.vector_load_idx %arg6[%add3A_955] : memref<64000xf32, #tpu.memory_space<vmem>>[vector<16xi32>], vector<16xf32>,
        %add3A_957 = arith.constant 61 : i32
        %add3A_958 = vector.broadcast %add3A_957 : i32 to vector<16xi32>
        %add3A_959 = arith.addi %add3A_95, %add3A_958 : vector<16xi32>
        %mul3A_960 = arith.mulf %sub3A_85, %gather3A_952 : vector<16xf32>
        %mul3A_961 = arith.mulf %sub3A_82, %gather3A_956 : vector<16xf32>
        %add3A_962 = arith.addf %mul3A_960, %mul3A_961 : vector<16xf32>
        tpu.vector_store_idx %arg8[%add3A_959], %add3A_962 : memref<16384xf32, #tpu.memory_space<vmem>>[vector<16xi32>], vector<16xf32>,
        %add3A_963 = arith.constant 62 : i32
        %add3A_964 = vector.broadcast %add3A_963 : i32 to vector<16xi32>
        %add3A_965 = arith.addi %mul3A_88, %add3A_964 : vector<16xi32>
        %gather3A_966 = tpu.vector_load_idx %arg6[%add3A_965] : memref<64000xf32, #tpu.memory_space<vmem>>[vector<16xi32>], vector<16xf32>,
        %add3A_967 = arith.constant 62 : i32
        %add3A_968 = vector.broadcast %add3A_967 : i32 to vector<16xi32>
        %add3A_969 = arith.addi %mul3A_91, %add3A_968 : vector<16xi32>
        %gather3A_970 = tpu.vector_load_idx %arg6[%add3A_969] : memref<64000xf32, #tpu.memory_space<vmem>>[vector<16xi32>], vector<16xf32>,
        %add3A_971 = arith.constant 62 : i32
        %add3A_972 = vector.broadcast %add3A_971 : i32 to vector<16xi32>
        %add3A_973 = arith.addi %add3A_95, %add3A_972 : vector<16xi32>
        %mul3A_974 = arith.mulf %sub3A_85, %gather3A_966 : vector<16xf32>
        %mul3A_975 = arith.mulf %sub3A_82, %gather3A_970 : vector<16xf32>
        %add3A_976 = arith.addf %mul3A_974, %mul3A_975 : vector<16xf32>
        tpu.vector_store_idx %arg8[%add3A_973], %add3A_976 : memref<16384xf32, #tpu.memory_space<vmem>>[vector<16xi32>], vector<16xf32>,
        %add3A_977 = arith.constant 63 : i32
        %add3A_978 = vector.broadcast %add3A_977 : i32 to vector<16xi32>
        %add3A_979 = arith.addi %mul3A_88, %add3A_978 : vector<16xi32>
        %gather3A_980 = tpu.vector_load_idx %arg6[%add3A_979] : memref<64000xf32, #tpu.memory_space<vmem>>[vector<16xi32>], vector<16xf32>,
        %add3A_981 = arith.constant 63 : i32
        %add3A_982 = vector.broadcast %add3A_981 : i32 to vector<16xi32>
        %add3A_983 = arith.addi %mul3A_91, %add3A_982 : vector<16xi32>
        %gather3A_984 = tpu.vector_load_idx %arg6[%add3A_983] : memref<64000xf32, #tpu.memory_space<vmem>>[vector<16xi32>], vector<16xf32>,
        %add3A_985 = arith.constant 63 : i32
        %add3A_986 = vector.broadcast %add3A_985 : i32 to vector<16xi32>
        %add3A_987 = arith.addi %add3A_95, %add3A_986 : vector<16xi32>
        %mul3A_988 = arith.mulf %sub3A_85, %gather3A_980 : vector<16xf32>
        %mul3A_989 = arith.mulf %sub3A_82, %gather3A_984 : vector<16xf32>
        %add3A_990 = arith.addf %mul3A_988, %mul3A_989 : vector<16xf32>
        tpu.vector_store_idx %arg8[%add3A_987], %add3A_990 : memref<16384xf32, #tpu.memory_space<vmem>>[vector<16xi32>], vector<16xf32>,
      }
      %scan3A_51 = arith.constant 16 : i32
      %mul3A_52 = arith.constant 64 : i32
      %mul3A_53 = arith.muli %mul3A_2, %mul3A_52 : i32
      %mul3A_54 = arith.constant 16384 : i32
      %mul3A_55 = arith.muli %add3A_40, %mul3A_54 : i32
      %add3A_56 = arith.addi %mul3A_53, %mul3A_55 : i32
      %dma_start3A_57 = tpu.memref_slice %arg4[%add3A_56] : memref<26214400xf32, #tpu.memory_space<hbm>> -> memref<16384xf32, #tpu.memory_space<hbm>>
      %dma_start3A_58 = tpu.memref_slice %arg4[%add3A_56] : memref<26214400xf32, #tpu.memory_space<hbm>> -> memref<16384xf32, #tpu.memory_space<hbm>>
      tpu.enqueue_dma source(%arg8 : memref<16384xf32, #tpu.memory_space<vmem>>) target(%dma_start3A_58 : memref<16384xf32, #tpu.memory_space<hbm>>) target_semaphore(%arg10 : memref<!tpu.dma_semaphore, #tpu.memory_space<semaphore_mem>>)
    }
    %scan3A_10 = arith.constant 25 : i32
    %dma_wait3A = arith.constant 0 : i32
    %dma_wait3A_11 = tpu.memref_slice %arg4[%dma_wait3A] : memref<26214400xf32, #tpu.memory_space<hbm>> -> memref<16384xf32, #tpu.memory_space<hbm>>
    %dma_wait3A_12 = arith.constant 0 : i32
    %dma_wait3A_13 = tpu.memref_slice %arg4[%dma_wait3A_12] : memref<26214400xf32, #tpu.memory_space<hbm>> -> memref<16384xf32, #tpu.memory_space<hbm>>
    tpu.wait_dma2 semaphore(%arg9 : memref<!tpu.dma_semaphore, #tpu.memory_space<semaphore_mem>>) src(%dma_wait3A_13 : memref<16384xf32, #tpu.memory_space<hbm>>) dst(%arg7 : memref<16384xf32, #tpu.memory_space<vmem>>)
    %dma_wait3A_14 = arith.constant 0 : i32
    %dma_wait3A_15 = tpu.memref_slice %arg4[%dma_wait3A_14] : memref<26214400xf32, #tpu.memory_space<hbm>> -> memref<16384xf32, #tpu.memory_space<hbm>>
    %dma_wait3A_16 = arith.constant 0 : i32
    %dma_wait3A_17 = tpu.memref_slice %arg4[%dma_wait3A_16] : memref<26214400xf32, #tpu.memory_space<hbm>> -> memref<16384xf32, #tpu.memory_space<hbm>>
    tpu.wait_dma2 semaphore(%arg10 : memref<!tpu.dma_semaphore, #tpu.memory_space<semaphore_mem>>) src(%dma_wait3A_17 : memref<16384xf32, #tpu.memory_space<hbm>>) dst(%arg8 : memref<16384xf32, #tpu.memory_space<vmem>>)
    return
  }
}

</mosaic_0001>

<sc_bundles>
// kernel: kernel.3.cloned.1.call-start
scs
__scs_entry_jumppad:
0x0: {  	(pc) =	sbr.rel $0x88, $3  }
0x1: {  	(tag) =	ssettag $0x0;
	lr =	simm.s32 $0x1  }
0x2: {  	[smem:$0x3F9F] =	sst lr;
	_ =	strace $0xD0000000  }
0x3: {  	_ = 	snop  }
0x4: {  	_ = 	snop  }
0x5: {  	_ = 	snop  }
0x6: {  	_ = 	snop  }
0x7: {  	_ = 	snop  }
__scs_overlays_trampoline_lowered:
0x8: {  	[smem:$0x3FAE] =	sst s0  }
0x9: {  	[smem:$0x3FAF] =	sst s1  }
0xa: {  	[smem:$0x3FB0] =	sst s2  }
0xb: {  	[smem:$0x3FB1] =	sst s3  }
0xc: {  	[smem:$0x3FB2] =	sst s4  }
0xd: {  	[smem:$0x3FB3] =	sst s5  }
0xe: {  	[smem:$0x3FB4] =	sst s6  }
0xf: {  	[smem:$0x3FB5] =	sst s7  }
0x10: {  	[smem:$0x3FB6] =	sst s8  }
0x11: {  	[smem:$0x3FB7] =	sst s9;
	s0 =	simm.s32 @!p0 $0x0  }
0x12: {  	s1 =	sld [smem:$0x3F9D];
	s0 =	simm.s32 @p0 $0x1  }
0x13: {  	[smem:$0x3FB8] =	sst s0;
	s0 =	simm.s32 @!p1 $0x0  }
0x14: {  	s2 =	sld [smem:$0x3F9C];
	s0 =	simm.s32 @p1 $0x1  }
0x15: {  	[smem:$0x3FB9] =	sst s0;
	s0 =	simm.s32 @!p2 $0x0  }
0x16: {  	s3 =	sld [smem:$0x3FDB];
	s0 =	simm.s32 @p2 $0x1  }
0x17: {  	s4 =	simm.s32 $0x1BF5;
	[smem:$0x3FBB] =	sst s0  }
0x18: {  	s0 =	sld [smem:$0x3F9E];
	_ =	swait.ge [sflag:s4], $0x0  }
0x19: {  	s7 =	sld [smem:$0x3F9F]  }
0x1a: {  	s8 =	sadd.s32 $0xFFFFE003, lr  }
0x1b: {  	s9 =	sadd.s32 $0xFFFFFEF7, lr;
	s5 =	simm.s32 $0xFFFFFFFF;
	p2 =	slt.u32 s8, $0xFFFFF086  }
0x1c: {  	p1 =	slt.u32 s9, $0xF7A;
	s5 =	simm.s32 @!p2 $0x0  }
0x1d: {  	s5 =	simm.s32 @p1 $0x1;
	p0 =	seq.s32 s7, s2  }
0x1e: {  	s7 =	smul.u32 @!p0 $0xF7A, s2;
	p2 =	seq.s32 @!p0 s5, $0x0  }
0x1f: {  	s9 =	smul.u32 $0xF7A, s1;
	s8 =	simm.s32 @!p0 $0x1BF5;
	p2 =	por !p2, p0  }
0x20: {  	[sflag:s8] =	ssyncset.s32 @!p0 $0xFFFFF086;
	s6 =	sadd.s32 @!p0 s3, s7;
	s7 =	simm.s32 @!p0 $0x108  }
0x21: {  	s3 =	sadd.s32 s3, s9;
	s6 =	sadd.s32 @!p0 $0x88, s6;
	s7 =	simm.s32 @p2 $0x1082  }
0x22: {  	[simem:s7], [sflag:s8] =	dma.local @!p0 [hbm:s6], $0xF7A  }
0x23: {  	s9 =	sor.u32 $0xD0000000, s2;
	s6 =	simm.s32 $0x108;
	_ =	swait.ge @!p0 [sflag:s8], $0x0  }
0x24: {  	s3 =	sadd.s32 $0x88, s3;
	s6 =	simm.s32 @!p1 $0x1082;
	[sflag:s4] =	ssyncset.s32 $0xFFFFF086  }
0x25: {  	[simem:s6], [sflag:s4] =	dma.local [hbm:s3], $0xF7A  }
0x26: {  	[smem:$0x3F9F] =	sst s1;
	(tag) =	ssettag s2;
	_ =	strace s9  }
0x27: {  	s1 =	sld [smem:$0x3FAF]  }
0x28: {  	s2 =	sld [smem:$0x3FB0]  }
0x29: {  	s4 =	sld [smem:$0x3FB2]  }
0x2a: {  	p0 =	seq.s32 s5, $0x0;
	s5 =	sld [smem:$0x3FB3]  }
0x2b: {  	s6 =	sld [smem:$0x3FB4]  }
0x2c: {  	s7 =	sld [smem:$0x3FB5]  }
0x2d: {  	s3 =	simm.s32 $0x108;
	s8 =	sld [smem:$0x3FB6]  }
0x2e: {  	s3 =	simm.s32 @!p0 $0x1082;
	s9 =	sld [smem:$0x3FB7]  }
0x2f: {  	lr =	sadd.s32 s0, s3;
	s0 =	sld [smem:$0x3FAE]  }
0x30: {  	s3 =	sld [smem:$0x3FB1]  }
0x31: {  	[smem:$0x3FBA] =	sst s10  }
0x32: {  	s10 =	sld [smem:$0x3FB8];
	_ =	sdelay $0x3  }
0x33: {  	p0 =	seq.s32 s10, $0x1;
	s10 =	sld [smem:$0x3FBA];
	_ =	sdelay $0x3  }
0x34: {  	[smem:$0x3FBA] =	sst s10  }
0x35: {  	s10 =	sld [smem:$0x3FB9];
	_ =	sdelay $0x3  }
0x36: {  	p1 =	seq.s32 s10, $0x1;
	s10 =	sld [smem:$0x3FBA];
	_ =	sdelay $0x3  }
0x37: {  	[smem:$0x3FBA] =	sst s10  }
0x38: {  	s10 =	sld [smem:$0x3FBB]  }
0x39: {  	_ = 	snop;
	(pc) =	sbr.ind lr, $3  }
0x3a: {  	_ = 	snop  }
0x3b: {  	_ = 	snop  }
0x3c: {  	p2 =	seq.s32 s10, $0x1;
	s10 =	sld [smem:$0x3FBA]  }
0x3d: {  	_ =	shalt  }
0x3e: {  	_ =	shalt  }
0x3f: {  	_ =	shalt  }
0x40: {  	_ =	shalt  }
0x41: {  	_ =	shalt  }
0x42: {  	_ =	shalt  }
0x43: {  	_ =	shalt  }
0x44: {  	_ =	shalt  }
0x45: {  	_ =	shalt  }
0x46: {  	_ =	shalt  }
0x47: {  	_ =	shalt  }
0x48: {  	_ =	shalt  }
0x49: {  	_ =	shalt  }
0x4a: {  	_ =	shalt  }
0x4b: {  	_ =	shalt  }
0x4c: {  	_ =	shalt  }
0x4d: {  	_ =	shalt  }
0x4e: {  	_ =	shalt  }
0x4f: {  	_ =	shalt  }
0x50: {  	_ =	shalt  }
0x51: {  	_ =	shalt  }
0x52: {  	_ =	shalt  }
0x53: {  	_ =	shalt  }
0x54: {  	_ =	shalt  }
0x55: {  	_ =	shalt  }
0x56: {  	_ =	shalt  }
0x57: {  	_ =	shalt  }
0x58: {  	_ =	shalt  }
0x59: {  	_ =	shalt  }
0x5a: {  	_ =	shalt  }
0x5b: {  	_ =	shalt  }
0x5c: {  	_ =	shalt  }
0x5d: {  	_ =	shalt  }
0x5e: {  	_ =	shalt  }
0x5f: {  	_ =	shalt  }
0x60: {  	_ =	shalt  }
0x61: {  	_ =	shalt  }
0x62: {  	_ =	shalt  }
0x63: {  	_ =	shalt  }
0x64: {  	_ =	shalt  }
0x65: {  	_ =	shalt  }
0x66: {  	_ =	shalt  }
0x67: {  	_ =	shalt  }
0x68: {  	_ =	shalt  }
0x69: {  	_ =	shalt  }
0x6a: {  	_ =	shalt  }
0x6b: {  	_ =	shalt  }
0x6c: {  	_ =	shalt  }
0x6d: {  	_ =	shalt  }
0x6e: {  	_ =	shalt  }
0x6f: {  	_ =	shalt  }
0x70: {  	_ =	shalt  }
0x71: {  	_ =	shalt  }
0x72: {  	_ =	shalt  }
0x73: {  	_ =	shalt  }
0x74: {  	_ =	shalt  }
0x75: {  	_ =	shalt  }
0x76: {  	_ =	shalt  }
0x77: {  	_ =	shalt  }
0x78: {  	_ =	shalt  }
0x79: {  	_ =	shalt  }
0x7a: {  	_ =	shalt  }
0x7b: {  	_ =	shalt  }
0x7c: {  	_ =	shalt  }
0x7d: {  	_ =	shalt  }
0x7e: {  	_ =	shalt  }
0x7f: {  	_ =	shalt  }
0x80: {  	_ =	shalt  }
0x81: {  	_ =	shalt  }
0x82: {  	_ =	shalt  }
0x83: {  	_ =	shalt  }
0x84: {  	_ =	shalt  }
0x85: {  	_ =	shalt  }
0x86: {  	_ =	shalt  }
0x87: {  	_ =	shalt  }
.Lfunc_end0:
.L_simem_size_0:
called_computation_lowered:
.L_overlay_start_0:
0x88: {  	s2 =	sld [smem:$0x3FD9]  }
0x89: {  	s3 =	sld [smem:$0x3FFE];
	_ =	sdelay $0x1  }
0x8a: {  	s1 =	srdreg.scid  }
0x8b: {  	s0 =	sand.u32 $0x1, s1  }
0x8c: {  	s17 =	sshll.u32 s0, $0xA;
	s2 =	sadd.s32 s3, s2  }
0x8d: {  	s2 =	sadd.s32 s2, s17  }
0x8e: {  	[smem:$0x3FC6] =	sst s2  }
0x8f: {  	_ = 	snop  }
0x90: {  	s2 =	sld [smem:$0x3FD0];
	(tm) =	ssettm $0x1  }
0x91: {  	s18 =	sld [smem:$0x3FFB];
	_ =	sdelay $0x3  }
0x92: {  	_ =	strace s18  }
0x93: {  	s3 =	sld [smem:$0x3FFC];
	_ =	sdelay $0x3  }
0x94: {  	_ =	strace s3  }
0x95: {  	s3 =	sld [smem:$0x3FFD];
	_ =	sdelay $0x3  }
0x96: {  	_ =	strace s3  }
0x97: {  	_ =	strace $0x8FFFFFFF  }
0x98: {  	s19 =	sld [smem:$0x3FDB];
	_ =	sdelay $0x1  }
0x99: {  	s4 =	simm.s32 $_scs_section_size  }
0x9a: {  	s5 =	simm.s32 $_size__tile_overlayer_lowered;
	s6 =	simm.s32 $_tile_overlayer_lowered  }
0x9b: {  	s22 =	simm.s32 $0x1BFF;
	s21 =	sshll.u32 s6, $0x1;
	s3 =	sadd.s32 s4, s19  }
0x9c: {  	s7 =	simm.s32 $0x0;
	s20 =	sshll.u32 s5, $0x1;
	s5 =	sadd.s32 s21, s3  }
0x9d: {  	[timem:s7], [sflag:s22] =	dma.local [hbm:s5], s20  }
0x9e: {  	_ =	swait.ge [sflag:s22], s20  }
0x9f: {  	s4 =	ssub.s32 $0x0, s20;
	[sflag:s22] =	ssyncset.done $0x0  }
0xa0: {  	[sflag:s22] =	ssyncadd.s32 s4;
	_ =	sdelay $0x1  }
0xa1: {  	s23 =	simm.s32 $0x1B8B  }
0xa2: {  	_ =	swait.ge [sflag:s23], $0x1  }
0xa3: {  	[sflag:s23] =	ssyncset.done $0x0  }
0xa4: {  	s25 =	simm.s32 $0x1B8E;
	s24 =	sld [smem:$0x3FFE];
	[sflag:s23] =	ssyncadd.s32 $0xFFFFFFFF  }
0xa5: {  	s26 =	simm.s32 $execute0_lowered;
	[smem:$0x3FD2] =	sst s25  }
0xa6: {  	s5 =	sshll.u32 s26, $0x1;
	_ =	strace $0x80000046;
	[dreg:$0x1] =	wrdreg $0xFFFFFFFF  }
0xa7: {  	s28 =	simm.s32 $_size_execute0_lowered;
	s3 =	sadd.s32 s3, s5;
	[dreg:$0x0] =	wrdreg $0x0  }
0xa8: {  	s5 =	sshll.u32 s28, $0x1;
	[dreg:$0x2] =	wrdreg s3  }
0xa9: {  	[dreg:$0x3] =	wrdreg s5  }
0xaa: {  	[dreg:$0x4] =	wrdreg $0xC0  }
0xab: {  	_ =	task [dreg:s7], $0x5FFFF  }
0xac: {  	[dreg:$0x1] =	wrdreg $0xFFFFFFFF  }
0xad: {  	[dreg:$0x0] =	wrdreg $0x60  }
0xae: {  	[dreg:$0x2] =	wrdreg s2  }
0xaf: {  	[dreg:$0x3] =	wrdreg s24  }
0xb0: {  	[dreg:$0x4] =	wrdreg $0x9  }
0xb1: {  	_ =	task.clear_ibuf [dreg:s7], $0x5FFFF;
	_ =	strace $0x90000046  }
0xb2: {  	s29 =	simm.s32 $0x9;
	_ =	strace $0x80000048  }
0xb3: {  	_ =	swait.ge [sflag:s29], $0x1  }
0xb4: {  	[sflag:s29] =	ssyncadd.s32 $0xFFFFFFFF  }
0xb5: {  	_ =	strace $0x90000048  }
0xb6: {  	_ =	sfence  }
0xb7: {  	s30 =	sld [smem:$0x0];
	_ =	sdelay $0x2  }
0xb8: {  	s31 =	sshll.u32 s1, $0xD;
	s1 =	sshrl.u32 s1, $0x2  }
0xb9: {  	s3 =	sand.u32 $0x4000, s31;
	s1 =	sadd.s32 s1, s30  }
0xba: {  	s0 =	sor.u32 s3, s0;
	s1 =	sshll.u32 s1, $0x11  }
0xbb: {  	s0 =	sor.u32 s1, s0  }
0xbc: {  	s0 =	sadd.s32 $0x8F2B, s0  }
0xbd: {  	[sflag:s0] =	ssyncadd.remote.s32 $0x1  }
0xbe: {  	_ =	sfence.sel $0xFFFF  }
0xbf: {  	[dreg:$0x0] =	wrdreg $0xFFFFFFFF;
	(pc) =	sbr.abs _section_cstart, $3  }
0xc0: {  	[dreg:$0x1] =	wrdreg $0xFFFFFFFF  }
0xc1: {  	_ =	task.clear_ibuf [dreg:s7], $0x2FFFF;
	_ =	strace $0x9FFFFFFF  }
0xc2: {  	(tm) =	ssettm $0x7FFFFFFF  }
0xc3: {  	_ =	shalt  }
tec
execute0_lowered:
.L_overlay_start_1:
0x0: {  	(tag) =	ssettag $0x1  }
0x1: {  	v0 =	vlaneseq.u32  }
0x2: {  	v1 =	vand.u32 $0x1, v0;
	v0 =	vmul.u32 $0x40, v0;
	_ =	sdelay $0x1  }
0x3: {  	v1 =	vmul.u32 $0x40, v1;
	v12 =	vor.u32 $0x1, v0;
	v14 =	vor.u32 $0x3, v0  }
0x4: {  	s5 =	rddreg [dreg:$0x0];
	v2 =	vor.u32 $0x4, v0;
	v16 =	vor.u32 $0x5, v0;
	v3 =	vor.u32 $0x6, v0  }
0x5: {  	s4 =	rddreg [dreg:$0x1];
	s2 =	simm.s32 $0x0;
	v18 =	vor.u32 $0x7, v0;
	v9 =	vor.u32 $0xFFFFFF80, v1;
	v1 =	vor.u32 $0x2, v0  }
0x6: {  	s1 =	srdreg.scid;
	[smem:$0x7FF] =	sst s2;
	v4 =	vor.u32 $0x8, v0;
	v20 =	vor.u32 $0x9, v0;
	v5 =	vor.u32 $0xA, v0;
	[tilespmem:$0x1FEE0] =	vst v1  }
0x7: {  	s3 =	sand.u32 $0x1, s1;
	s1 =	rddreg [dreg:$0x2];
	v22 =	vor.u32 $0xB, v0;
	v6 =	vor.u32 $0xC, v0;
	v24 =	vor.u32 $0xD, v0;
	_ =	strace $0x80000047;
	[tilespmem:$0x1FEF0] =	vst v2  }
0x8: {  	v7 =	vor.u32 $0xE, v0;
	v26 =	vor.u32 $0xF, v0;
	v8 =	vor.u32 $0x10, v0;
	[tilespmem:$0x1FF00] =	vst v3  }
0x9: {  	v28 =	vor.u32 $0x11, v0;
	v29 =	vor.u32 $0x12, v0;
	v30 =	vor.u32 $0x13, v0;
	[tilespmem:$0x1FF10] =	vst v4  }
0xa: {  	v31 =	vor.u32 $0x14, v0;
	v32 =	vor.u32 $0x15, v0;
	v33 =	vor.u32 $0x16, v0;
	[tilespmem:$0x1FF20] =	vst v5  }
0xb: {  	v34 =	vor.u32 $0x17, v0;
	v35 =	vor.u32 $0x18, v0;
	v36 =	vor.u32 $0x19, v0;
	[tilespmem:$0x1FF30] =	vst v6  }
0xc: {  	v37 =	vor.u32 $0x1A, v0;
	v38 =	vor.u32 $0x1B, v0;
	v39 =	vor.u32 $0x1C, v0;
	[tilespmem:$0x1FF40] =	vst v7  }
0xd: {  	v40 =	vor.u32 $0x1D, v0;
	v41 =	vor.u32 $0x1E, v0;
	v11 =	vor.u32 $0x33, v0;
	[tilespmem:$0x1FF50] =	vst v8  }
0xe: {  	v42 =	vor.u32 $0x1F, v0;
	v43 =	vor.u32 $0x20, v0;
	v10 =	vor.u32 $0x31, v0;
	[tilespmem:$0x1FF60] =	vst v11  }
0xf: {  	v45 =	vor.u32 $0x22, v0;
	v17 =	vor.u32 $0x23, v0;
	v21 =	vor.u32 $0x2F, v0;
	[tilespmem:$0x1FF70] =	vst v10  }
0x10: {  	v47 =	vor.u32 $0x24, v0;
	v19 =	vor.u32 $0x25, v0;
	v13 =	vor.u32 $0x2D, v0;
	[tilespmem:$0x1FF80] =	vst v21  }
0x11: {  	s0 =	stileid.u32;
	v49 =	vor.u32 $0x26, v0;
	v23 =	vor.u32 $0x27, v0;
	v15 =	vor.u32 $0x2B, v0;
	[tilespmem:$0x1FF90] =	vst v13  }
0x12: {  	s10 =	simm.s32 $0x12C00;
	s11 =	simm.s32 $0x16C00;
	s12 =	simm.s32 $0x1;
	v51 =	vor.u32 $0x28, v0;
	v25 =	vor.u32 $0x29, v0;
	v53 =	vor.u32 $0x2A, v0;
	[tilespmem:$0x1FFA0] =	vst v15  }
0x13: {  	s13 =	simm.s32 $0x2;
	s14 =	simm.s32 $0x0;
	s6 =	sshll.u32 s0, $0x1;
	v55 =	vor.u32 $0x2C, v0;
	v57 =	vor.u32 $0x2E, v0;
	v59 =	vor.u32 $0x30, v0;
	[tilespmem:$0x1FFB0] =	vst v25  }
0x14: {  	s6 =	sor.u32 s3, s6;
	s7 =	ssub.s32 $0x2, s3;
	s3 =	sadd.s32 $0x400, s4;
	v27 =	vor.u32 $0x32, v0;
	v61 =	vor.u32 $0x34, v0;
	v62 =	vor.u32 $0x35, v0;
	[tilespmem:$0x1FFC0] =	vst v23  }
0x15: {  	s4 =	sadd.s32 $0x2400, s4;
	s8 =	smul.u32 $0x640, s6;
	s9 =	sshrl.u32 s7, $0x1;
	v58 =	vor.u32 $0x36, v0;
	v60 =	vor.u32 $0x37, v0;
	v56 =	vor.u32 $0x38, v0;
	[tilespmem:$0x1FFD0] =	vst v19  }
0x16: {  	s6 =	smul.u32 $0xC8000, s6;
	v54 =	vor.u32 $0x39, v0;
	v52 =	vor.u32 $0x3A, v0;
	s7 =	ssub.s32 s7, s9;
	s9 =	simm.s32 $0x3;
	v1 =	vor.u32 $0x21, v0;
	[tilespmem:$0x1FFE0] =	vst v17  }
0x17: {  	v50 =	vor.u32 $0x3B, v0;
	v48 =	vor.u32 $0x3C, v0;
	v46 =	vor.u32 $0x3D, v0;
	s5 =	sadd.s32 s5, s8;
	s7 =	smax.u32 s7, $0x1;
	s8 =	simm.s32 $0x3200;
	[tilespmem:$0x1FFF0] =	vst v1  }
.LBB2_1:
0x18: {  	[tilespmem:s8], [sflag:$0x3] =	stream.linear.gather [hbm4b:s3+s2], $0xFA00, $0x38;
	[tilespmem:$0x1AC00] =	vst v63  }
0x19: {  	_ =	swait.ge [sflag:s9], $0xFA00  }
0x1a: {  	[sflag:s9] =	ssyncset.done $0x0  }
0x1b: {  	[sflag:s9] =	ssyncadd.s32 $0xFFFF0600  }
0x1c: {  	[tilespmem:s2], [sflag:$0x3] =	stream.linear.gather [hbm4b:s5+s2], $0x3200, $0x38;
	[tilespmem:$0x1AC00] =	vst v63  }
0x1d: {  	_ =	swait.ge [sflag:s9], $0x3200  }
0x1e: {  	[sflag:s9] =	ssyncset.done $0x0  }
0x1f: {  	s15 =	simm.s32 $0x0;
	[sflag:s9] =	ssyncadd.s32 $0xFFFFCE00  }
.LBB2_2:
0x20: {  	p0 =	seq.s32 s15, $0x0  }
0x21: {  	s16 =	simm.s32 @!p0 $0x1  }
0x22: {  	_ =	swait.ge @!p0 [sflag:s16], $0x4000  }
0x23: {  	s31 =	sshll.u32 s15, $0x9;
	s17 =	simm.s32 $0x0;
	[sflag:s16] =	ssyncset.done @!p0 $0x0  }
0x24: {  	s18 =	simm.s32 $0x0;
	v44 =	vmov v1;
	[sflag:s16] =	ssyncadd.s32 @!p0 $0xFFFFC000;
	s16 =	sand.u32 $0x3FFFFE00, s31  }
.LBB2_3:
0x25: {  	s19 =	sand.u32 $0x80, s18  }
0x26: {  	s20 =	sand.u32 $0x70, s18;
	s19 =	sadd.s32 s19, s16  }
0x27: {  	s19 =	sadd.s32 s20, s19  }
0x28: {  	v1 =	vld [tilespmem:s19+$0x0];
	_ =	sdelay $0x4  }
0x29: {  	v1 =	vadd.f32 $6.000000000e+00, v1;
	_ =	sdelay $0x1  }
0x2a: {  	v1 =	vmul.f32 $8.325000000e+01, v1;
	_ =	sdelay $0x1  }
0x2b: {  	v1 =	vmax.f32 v1, $0.0e+00  }
0x2c: {  	v2 =	vmin.f32 v1, $9.990000000e+02  }
0x2d: {  	v1 =	vtrunc.f32 v2  }
0x2e: {  	v3 =	vcvt.f32.s32 v1;
	_ =	sdelay $0x1  }
0x2f: {  	v1 =	vadd.s32 $0x1, v3  }
0x30: {  	vm0 =	vlt.s32 v1, $0x3E7  }
0x31: {  	v4 =	vnsel vm0, $0x3E7, v1;
	v1 =	vshll.u32 v3, $0x6  }
0x32: {  	v4 =	vshll.u32 v4, $0x6;
	_ =	sdelay $0x3  }
0x33: {  	v3 =	vcvt.s32.f32 v3;
	v5 =	vld.idx.msk [tilespmem:v1+s8+$0x0], $0xffff  }
0x34: {  	v63 =	vld.idx.msk [tilespmem:v4+s8+$0x0], $0xffff  }
0x35: {  	v2 =	vsub.f32 v2, v3;
	_ =	sdelay $0x1  }
0x36: {  	v6 =	vor.u32 s17, v0;
	v3 =	vsub.f32 $1.000000000e+00, v2  }
0x37: {  	v6 =	vand.u32 v9, v6  }
0x38: {  	v7 =	vor.u32 $0x1, v1;
	v5 =	vmul.f32 v3, v5;
	v63 =	vmul.f32 v2, v63  }
0x39: {  	v8 =	vor.u32 $0x1, v4  }
0x3a: {  	v5 =	vadd.f32 v5, v63;
	_ =	sdelay $0x1  }
0x3b: {  	[tilespmem:v6+s10+$0x0] =	vst.idx.msk $0xffff, v5  }
0x3c: {  	v5 =	vld.idx.msk [tilespmem:v7+s8+$0x0], $0xffff  }
0x3d: {  	v6 =	vld.idx.msk [tilespmem:v8+s8+$0x0], $0xffff;
	_ =	sdelay $0x3  }
0x3e: {  	v7 =	vor.u32 s17, v12  }
0x3f: {  	v63 =	vor.u32 $0x2, v4;
	v5 =	vmul.f32 v3, v5;
	v6 =	vmul.f32 v2, v6;
	_ =	sdelay $0x1  }
0x40: {  	v8 =	vor.u32 $0x2, v1;
	v5 =	vadd.f32 v5, v6;
	_ =	sdelay $0x1  }
0x41: {  	[tilespmem:v7+s10+$0x0] =	vst.idx.msk $0xffff, v5  }
0x42: {  	v6 =	vld.idx.msk [tilespmem:v63+s8+$0x0], $0xffff  }
0x43: {  	v63 =	vld [tilespmem:$0x1FEE0]  }
0x44: {  	v5 =	vld.idx.msk [tilespmem:v8+s8+$0x0], $0xffff;
	_ =	sdelay $0x3  }
0x45: {  	v7 =	vor.u32 s17, v63  }
0x46: {  	v8 =	vor.u32 $0x3, v1;
	v5 =	vmul.f32 v3, v5;
	v6 =	vmul.f32 v6, v2  }
0x47: {  	v63 =	vor.u32 $0x3, v4  }
0x48: {  	v5 =	vadd.f32 v6, v5;
	_ =	sdelay $0x1  }
0x49: {  	[tilespmem:v7+s10+$0x0] =	vst.idx.msk $0xffff, v5  }
0x4a: {  	v5 =	vld.idx.msk [tilespmem:v8+s8+$0x0], $0xffff  }
0x4b: {  	v63 =	vld.idx.msk [tilespmem:v63+s8+$0x0], $0xffff;
	_ =	sdelay $0x3  }
0x4c: {  	v7 =	vor.u32 s17, v14  }
0x4d: {  	v5 =	vmul.f32 v5, v3;
	v6 =	vmul.f32 v63, v2;
	v63 =	vor.u32 $0x4, v4;
	_ =	sdelay $0x1  }
0x4e: {  	v8 =	vor.u32 $0x4, v1;
	v5 =	vadd.f32 v6, v5;
	_ =	sdelay $0x1  }
0x4f: {  	[tilespmem:v7+s10+$0x0] =	vst.idx.msk $0xffff, v5  }
0x50: {  	v6 =	vld.idx.msk [tilespmem:v63+s8+$0x0], $0xffff  }
0x51: {  	v63 =	vld [tilespmem:$0x1FEF0]  }
0x52: {  	v5 =	vld.idx.msk [tilespmem:v8+s8+$0x0], $0xffff;
	_ =	sdelay $0x3  }
0x53: {  	v7 =	vor.u32 s17, v63  }
0x54: {  	v8 =	vor.u32 $0x5, v1;
	v5 =	vmul.f32 v5, v3;
	v6 =	vmul.f32 v6, v2  }
0x55: {  	v63 =	vor.u32 $0x5, v4  }
0x56: {  	v5 =	vadd.f32 v6, v5;
	_ =	sdelay $0x1  }
0x57: {  	[tilespmem:v7+s10+$0x0] =	vst.idx.msk $0xffff, v5  }
0x58: {  	v5 =	vld.idx.msk [tilespmem:v8+s8+$0x0], $0xffff  }
0x59: {  	v63 =	vld.idx.msk [tilespmem:v63+s8+$0x0], $0xffff;
	_ =	sdelay $0x3  }
0x5a: {  	v7 =	vor.u32 s17, v16  }
0x5b: {  	v5 =	vmul.f32 v5, v3;
	v6 =	vmul.f32 v63, v2;
	v63 =	vor.u32 $0x6, v4;
	_ =	sdelay $0x1  }
0x5c: {  	v8 =	vor.u32 $0x6, v1;
	v5 =	vadd.f32 v6, v5;
	_ =	sdelay $0x1  }
0x5d: {  	[tilespmem:v7+s10+$0x0] =	vst.idx.msk $0xffff, v5  }
0x5e: {  	v6 =	vld.idx.msk [tilespmem:v63+s8+$0x0], $0xffff  }
0x5f: {  	v63 =	vld [tilespmem:$0x1FF00]  }
0x60: {  	v5 =	vld.idx.msk [tilespmem:v8+s8+$0x0], $0xffff;
	_ =	sdelay $0x3  }
0x61: {  	v7 =	vor.u32 s17, v63  }
0x62: {  	v8 =	vor.u32 $0x7, v1;
	v5 =	vmul.f32 v5, v3;
	v6 =	vmul.f32 v6, v2  }
0x63: {  	v63 =	vor.u32 $0x7, v4  }
0x64: {  	v5 =	vadd.f32 v6, v5;
	_ =	sdelay $0x1  }
0x65: {  	[tilespmem:v7+s10+$0x0] =	vst.idx.msk $0xffff, v5  }
0x66: {  	v5 =	vld.idx.msk [tilespmem:v8+s8+$0x0], $0xffff  }
0x67: {  	v63 =	vld.idx.msk [tilespmem:v63+s8+$0x0], $0xffff;
	_ =	sdelay $0x3  }
0x68: {  	v7 =	vor.u32 s17, v18  }
0x69: {  	v5 =	vmul.f32 v5, v3;
	v6 =	vmul.f32 v63, v2;
	v63 =	vor.u32 $0x8, v4;
	_ =	sdelay $0x1  }
0x6a: {  	v8 =	vor.u32 $0x8, v1;
	v5 =	vadd.f32 v6, v5;
	_ =	sdelay $0x1  }
0x6b: {  	[tilespmem:v7+s10+$0x0] =	vst.idx.msk $0xffff, v5  }
0x6c: {  	v6 =	vld.idx.msk [tilespmem:v63+s8+$0x0], $0xffff  }
0x6d: {  	v63 =	vld [tilespmem:$0x1FF10]  }
0x6e: {  	v5 =	vld.idx.msk [tilespmem:v8+s8+$0x0], $0xffff;
	_ =	sdelay $0x3  }
0x6f: {  	v7 =	vor.u32 s17, v63  }
0x70: {  	v8 =	vor.u32 $0x9, v1;
	v5 =	vmul.f32 v5, v3;
	v6 =	vmul.f32 v6, v2  }
0x71: {  	v63 =	vor.u32 $0x9, v4  }
0x72: {  	v5 =	vadd.f32 v6, v5;
	_ =	sdelay $0x1  }
0x73: {  	[tilespmem:v7+s10+$0x0] =	vst.idx.msk $0xffff, v5  }
0x74: {  	v5 =	vld.idx.msk [tilespmem:v8+s8+$0x0], $0xffff  }
0x75: {  	v63 =	vld.idx.msk [tilespmem:v63+s8+$0x0], $0xffff;
	_ =	sdelay $0x3  }
0x76: {  	v7 =	vor.u32 s17, v20  }
0x77: {  	v5 =	vmul.f32 v5, v3;
	v6 =	vmul.f32 v63, v2;
	v63 =	vor.u32 $0xA, v4;
	_ =	sdelay $0x1  }
0x78: {  	v8 =	vor.u32 $0xA, v1;
	v5 =	vadd.f32 v6, v5;
	_ =	sdelay $0x1  }
0x79: {  	[tilespmem:v7+s10+$0x0] =	vst.idx.msk $0xffff, v5  }
0x7a: {  	v6 =	vld.idx.msk [tilespmem:v63+s8+$0x0], $0xffff  }
0x7b: {  	v63 =	vld [tilespmem:$0x1FF20]  }
0x7c: {  	v5 =	vld.idx.msk [tilespmem:v8+s8+$0x0], $0xffff;
	_ =	sdelay $0x3  }
0x7d: {  	v7 =	vor.u32 s17, v63  }
0x7e: {  	v8 =	vor.u32 $0xB, v1;
	v5 =	vmul.f32 v5, v3;
	v6 =	vmul.f32 v6, v2  }
0x7f: {  	v63 =	vor.u32 $0xB, v4  }
0x80: {  	v5 =	vadd.f32 v6, v5;
	_ =	sdelay $0x1  }
0x81: {  	[tilespmem:v7+s10+$0x0] =	vst.idx.msk $0xffff, v5  }
0x82: {  	v5 =	vld.idx.msk [tilespmem:v8+s8+$0x0], $0xffff  }
0x83: {  	v63 =	vld.idx.msk [tilespmem:v63+s8+$0x0], $0xffff;
	_ =	sdelay $0x3  }
0x84: {  	v7 =	vor.u32 s17, v22  }
0x85: {  	v5 =	vmul.f32 v5, v3;
	v6 =	vmul.f32 v63, v2;
	v63 =	vor.u32 $0xC, v4;
	_ =	sdelay $0x1  }
0x86: {  	v8 =	vor.u32 $0xC, v1;
	v5 =	vadd.f32 v6, v5;
	_ =	sdelay $0x1  }
0x87: {  	[tilespmem:v7+s10+$0x0] =	vst.idx.msk $0xffff, v5  }
0x88: {  	v6 =	vld.idx.msk [tilespmem:v63+s8+$0x0], $0xffff  }
0x89: {  	v63 =	vld [tilespmem:$0x1FF30]  }
0x8a: {  	v5 =	vld.idx.msk [tilespmem:v8+s8+$0x0], $0xffff;
	_ =	sdelay $0x3  }
0x8b: {  	v7 =	vor.u32 s17, v63  }
0x8c: {  	v8 =	vor.u32 $0xD, v1;
	v5 =	vmul.f32 v5, v3;
	v6 =	vmul.f32 v6, v2  }
0x8d: {  	v63 =	vor.u32 $0xD, v4  }
0x8e: {  	v5 =	vadd.f32 v6, v5;
	_ =	sdelay $0x1  }
0x8f: {  	[tilespmem:v7+s10+$0x0] =	vst.idx.msk $0xffff, v5  }
0x90: {  	v5 =	vld.idx.msk [tilespmem:v8+s8+$0x0], $0xffff  }
0x91: {  	v63 =	vld.idx.msk [tilespmem:v63+s8+$0x0], $0xffff;
	_ =	sdelay $0x3  }
0x92: {  	v7 =	vor.u32 s17, v24  }
0x93: {  	v5 =	vmul.f32 v5, v3;
	v6 =	vmul.f32 v63, v2;
	v63 =	vor.u32 $0xE, v4;
	_ =	sdelay $0x1  }
0x94: {  	v8 =	vor.u32 $0xE, v1;
	v5 =	vadd.f32 v6, v5;
	_ =	sdelay $0x1  }
0x95: {  	[tilespmem:v7+s10+$0x0] =	vst.idx.msk $0xffff, v5  }
0x96: {  	v6 =	vld.idx.msk [tilespmem:v63+s8+$0x0], $0xffff  }
0x97: {  	v63 =	vld [tilespmem:$0x1FF40]  }
0x98: {  	v5 =	vld.idx.msk [tilespmem:v8+s8+$0x0], $0xffff;
	_ =	sdelay $0x3  }
0x99: {  	v7 =	vor.u32 s17, v63  }
0x9a: {  	v8 =	vor.u32 $0xF, v1;
	v5 =	vmul.f32 v5, v3;
	v6 =	vmul.f32 v6, v2  }
0x9b: {  	v63 =	vor.u32 $0xF, v4  }
0x9c: {  	v5 =	vadd.f32 v6, v5;
	_ =	sdelay $0x1  }
0x9d: {  	[tilespmem:v7+s10+$0x0] =	vst.idx.msk $0xffff, v5  }
0x9e: {  	v5 =	vld.idx.msk [tilespmem:v8+s8+$0x0], $0xffff  }
0x9f: {  	v63 =	vld.idx.msk [tilespmem:v63+s8+$0x0], $0xffff;
	_ =	sdelay $0x3  }
0xa0: {  	v7 =	vor.u32 s17, v26  }
0xa1: {  	v5 =	vmul.f32 v5, v3;
	v6 =	vmul.f32 v63, v2;
	v63 =	vor.u32 $0x10, v4;
	_ =	sdelay $0x1  }
0xa2: {  	v8 =	vor.u32 $0x10, v1;
	v5 =	vadd.f32 v6, v5;
	_ =	sdelay $0x1  }
0xa3: {  	[tilespmem:v7+s10+$0x0] =	vst.idx.msk $0xffff, v5  }
0xa4: {  	v6 =	vld.idx.msk [tilespmem:v63+s8+$0x0], $0xffff  }
0xa5: {  	v63 =	vld [tilespmem:$0x1FF50]  }
0xa6: {  	v5 =	vld.idx.msk [tilespmem:v8+s8+$0x0], $0xffff;
	_ =	sdelay $0x3  }
0xa7: {  	v7 =	vor.u32 s17, v63  }
0xa8: {  	v8 =	vor.u32 $0x11, v1;
	v5 =	vmul.f32 v5, v3;
	v6 =	vmul.f32 v6, v2  }
0xa9: {  	v63 =	vor.u32 $0x11, v4  }
0xaa: {  	v5 =	vadd.f32 v6, v5;
	_ =	sdelay $0x1  }
0xab: {  	[tilespmem:v7+s10+$0x0] =	vst.idx.msk $0xffff, v5  }
0xac: {  	v5 =	vld.idx.msk [tilespmem:v8+s8+$0x0], $0xffff  }
0xad: {  	v63 =	vld.idx.msk [tilespmem:v63+s8+$0x0], $0xffff;
	_ =	sdelay $0x3  }
0xae: {  	v7 =	vor.u32 s17, v28  }
0xaf: {  	v8 =	vor.u32 $0x12, v1;
	v5 =	vmul.f32 v5, v3;
	v6 =	vmul.f32 v63, v2  }
0xb0: {  	v63 =	vor.u32 $0x12, v4  }
0xb1: {  	v5 =	vadd.f32 v6, v5;
	_ =	sdelay $0x1  }
0xb2: {  	[tilespmem:v7+s10+$0x0] =	vst.idx.msk $0xffff, v5  }
0xb3: {  	v5 =	vld.idx.msk [tilespmem:v8+s8+$0x0], $0xffff  }
0xb4: {  	v63 =	vld.idx.msk [tilespmem:v63+s8+$0x0], $0xffff;
	_ =	sdelay $0x3  }
0xb5: {  	v7 =	vor.u32 s17, v29  }
0xb6: {  	v8 =	vor.u32 $0x13, v1;
	v5 =	vmul.f32 v5, v3;
	v6 =	vmul.f32 v63, v2  }
0xb7: {  	v63 =	vor.u32 $0x13, v4  }
0xb8: {  	v5 =	vadd.f32 v6, v5;
	_ =	sdelay $0x1  }
0xb9: {  	[tilespmem:v7+s10+$0x0] =	vst.idx.msk $0xffff, v5  }
0xba: {  	v5 =	vld.idx.msk [tilespmem:v8+s8+$0x0], $0xffff  }
0xbb: {  	v63 =	vld.idx.msk [tilespmem:v63+s8+$0x0], $0xffff;
	_ =	sdelay $0x3  }
0xbc: {  	v7 =	vor.u32 s17, v30  }
0xbd: {  	v8 =	vor.u32 $0x14, v1;
	v5 =	vmul.f32 v5, v3;
	v6 =	vmul.f32 v63, v2  }
0xbe: {  	v63 =	vor.u32 $0x14, v4  }
0xbf: {  	v5 =	vadd.f32 v6, v5;
	_ =	sdelay $0x1  }
0xc0: {  	[tilespmem:v7+s10+$0x0] =	vst.idx.msk $0xffff, v5  }
0xc1: {  	v5 =	vld.idx.msk [tilespmem:v8+s8+$0x0], $0xffff  }
0xc2: {  	v63 =	vld.idx.msk [tilespmem:v63+s8+$0x0], $0xffff;
	_ =	sdelay $0x3  }
0xc3: {  	v7 =	vor.u32 s17, v31  }
0xc4: {  	v8 =	vor.u32 $0x15, v1;
	v5 =	vmul.f32 v5, v3;
	v6 =	vmul.f32 v63, v2  }
0xc5: {  	v63 =	vor.u32 $0x15, v4  }
0xc6: {  	v5 =	vadd.f32 v6, v5;
	_ =	sdelay $0x1  }
0xc7: {  	[tilespmem:v7+s10+$0x0] =	vst.idx.msk $0xffff, v5  }
0xc8: {  	v5 =	vld.idx.msk [tilespmem:v8+s8+$0x0], $0xffff  }
0xc9: {  	v63 =	vld.idx.msk [tilespmem:v63+s8+$0x0], $0xffff;
	_ =	sdelay $0x3  }
0xca: {  	v7 =	vor.u32 s17, v32  }
0xcb: {  	v8 =	vor.u32 $0x16, v1;
	v5 =	vmul.f32 v5, v3;
	v6 =	vmul.f32 v63, v2  }
0xcc: {  	v63 =	vor.u32 $0x16, v4  }
0xcd: {  	v5 =	vadd.f32 v6, v5;
	_ =	sdelay $0x1  }
0xce: {  	[tilespmem:v7+s10+$0x0] =	vst.idx.msk $0xffff, v5  }
0xcf: {  	v5 =	vld.idx.msk [tilespmem:v8+s8+$0x0], $0xffff  }
0xd0: {  	v63 =	vld.idx.msk [tilespmem:v63+s8+$0x0], $0xffff;
	_ =	sdelay $0x3  }
0xd1: {  	v7 =	vor.u32 s17, v33  }
0xd2: {  	v8 =	vor.u32 $0x17, v1;
	v5 =	vmul.f32 v5, v3;
	v6 =	vmul.f32 v63, v2  }
0xd3: {  	v63 =	vor.u32 $0x17, v4  }
0xd4: {  	v5 =	vadd.f32 v6, v5;
	_ =	sdelay $0x1  }
0xd5: {  	[tilespmem:v7+s10+$0x0] =	vst.idx.msk $0xffff, v5  }
0xd6: {  	v5 =	vld.idx.msk [tilespmem:v8+s8+$0x0], $0xffff  }
0xd7: {  	v63 =	vld.idx.msk [tilespmem:v63+s8+$0x0], $0xffff;
	_ =	sdelay $0x3  }
0xd8: {  	v7 =	vor.u32 s17, v34  }
0xd9: {  	v8 =	vor.u32 $0x18, v1;
	v5 =	vmul.f32 v5, v3;
	v6 =	vmul.f32 v63, v2  }
0xda: {  	v63 =	vor.u32 $0x18, v4  }
0xdb: {  	v5 =	vadd.f32 v6, v5;
	_ =	sdelay $0x1  }
0xdc: {  	[tilespmem:v7+s10+$0x0] =	vst.idx.msk $0xffff, v5  }
0xdd: {  	v5 =	vld.idx.msk [tilespmem:v8+s8+$0x0], $0xffff  }
0xde: {  	v63 =	vld.idx.msk [tilespmem:v63+s8+$0x0], $0xffff;
	_ =	sdelay $0x3  }
0xdf: {  	v7 =	vor.u32 s17, v35  }
0xe0: {  	v8 =	vor.u32 $0x19, v1;
	v5 =	vmul.f32 v5, v3;
	v6 =	vmul.f32 v63, v2  }
0xe1: {  	v63 =	vor.u32 $0x19, v4  }
0xe2: {  	v5 =	vadd.f32 v6, v5;
	_ =	sdelay $0x1  }
0xe3: {  	[tilespmem:v7+s10+$0x0] =	vst.idx.msk $0xffff, v5  }
0xe4: {  	v5 =	vld.idx.msk [tilespmem:v8+s8+$0x0], $0xffff  }
0xe5: {  	v63 =	vld.idx.msk [tilespmem:v63+s8+$0x0], $0xffff;
	_ =	sdelay $0x3  }
0xe6: {  	v7 =	vor.u32 s17, v36  }
0xe7: {  	v8 =	vor.u32 $0x1A, v1;
	v5 =	vmul.f32 v5, v3;
	v6 =	vmul.f32 v63, v2  }
0xe8: {  	v63 =	vor.u32 $0x1A, v4  }
0xe9: {  	v5 =	vadd.f32 v6, v5;
	_ =	sdelay $0x1  }
0xea: {  	[tilespmem:v7+s10+$0x0] =	vst.idx.msk $0xffff, v5  }
0xeb: {  	v5 =	vld.idx.msk [tilespmem:v8+s8+$0x0], $0xffff  }
0xec: {  	v63 =	vld.idx.msk [tilespmem:v63+s8+$0x0], $0xffff;
	_ =	sdelay $0x3  }
0xed: {  	v7 =	vor.u32 s17, v37  }
0xee: {  	v8 =	vor.u32 $0x1B, v1;
	v5 =	vmul.f32 v5, v3;
	v6 =	vmul.f32 v63, v2  }
0xef: {  	v63 =	vor.u32 $0x1B, v4  }
0xf0: {  	v5 =	vadd.f32 v6, v5;
	_ =	sdelay $0x1  }
0xf1: {  	[tilespmem:v7+s10+$0x0] =	vst.idx.msk $0xffff, v5  }
0xf2: {  	v5 =	vld.idx.msk [tilespmem:v8+s8+$0x0], $0xffff  }
0xf3: {  	v63 =	vld.idx.msk [tilespmem:v63+s8+$0x0], $0xffff;
	_ =	sdelay $0x3  }
0xf4: {  	v7 =	vor.u32 s17, v38  }
0xf5: {  	v8 =	vor.u32 $0x1C, v1;
	v5 =	vmul.f32 v5, v3;
	v6 =	vmul.f32 v63, v2  }
0xf6: {  	v63 =	vor.u32 $0x1C, v4  }
0xf7: {  	v5 =	vadd.f32 v6, v5;
	_ =	sdelay $0x1  }
0xf8: {  	[tilespmem:v7+s10+$0x0] =	vst.idx.msk $0xffff, v5  }
0xf9: {  	v5 =	vld.idx.msk [tilespmem:v8+s8+$0x0], $0xffff  }
0xfa: {  	v63 =	vld.idx.msk [tilespmem:v63+s8+$0x0], $0xffff;
	_ =	sdelay $0x3  }
0xfb: {  	v7 =	vor.u32 s17, v39  }
0xfc: {  	v8 =	vor.u32 $0x1D, v1;
	v5 =	vmul.f32 v5, v3;
	v6 =	vmul.f32 v63, v2  }
0xfd: {  	v63 =	vor.u32 $0x1D, v4  }
0xfe: {  	v5 =	vadd.f32 v6, v5;
	_ =	sdelay $0x1  }
0xff: {  	[tilespmem:v7+s10+$0x0] =	vst.idx.msk $0xffff, v5  }
0x100: {  	v5 =	vld.idx.msk [tilespmem:v8+s8+$0x0], $0xffff  }
0x101: {  	v63 =	vld.idx.msk [tilespmem:v63+s8+$0x0], $0xffff;
	_ =	sdelay $0x3  }
0x102: {  	v7 =	vor.u32 s17, v40  }
0x103: {  	v8 =	vor.u32 $0x1E, v1;
	v5 =	vmul.f32 v5, v3;
	v6 =	vmul.f32 v63, v2  }
0x104: {  	v63 =	vor.u32 $0x1E, v4  }
0x105: {  	v5 =	vadd.f32 v6, v5;
	_ =	sdelay $0x1  }
0x106: {  	[tilespmem:v7+s10+$0x0] =	vst.idx.msk $0xffff, v5  }
0x107: {  	v5 =	vld.idx.msk [tilespmem:v8+s8+$0x0], $0xffff  }
0x108: {  	v63 =	vld.idx.msk [tilespmem:v63+s8+$0x0], $0xffff;
	_ =	sdelay $0x3  }
0x109: {  	v7 =	vor.u32 s17, v41  }
0x10a: {  	v8 =	vor.u32 $0x1F, v1;
	v5 =	vmul.f32 v5, v3;
	v6 =	vmul.f32 v63, v2  }
0x10b: {  	v63 =	vor.u32 $0x1F, v4  }
0x10c: {  	v5 =	vadd.f32 v6, v5;
	_ =	sdelay $0x1  }
0x10d: {  	[tilespmem:v7+s10+$0x0] =	vst.idx.msk $0xffff, v5  }
0x10e: {  	v5 =	vld.idx.msk [tilespmem:v8+s8+$0x0], $0xffff  }
0x10f: {  	v63 =	vld.idx.msk [tilespmem:v63+s8+$0x0], $0xffff;
	_ =	sdelay $0x3  }
0x110: {  	v7 =	vor.u32 s17, v42  }
0x111: {  	v8 =	vor.u32 $0x20, v1;
	v5 =	vmul.f32 v5, v3;
	v6 =	vmul.f32 v63, v2  }
0x112: {  	v63 =	vor.u32 $0x20, v4  }
0x113: {  	v5 =	vadd.f32 v6, v5;
	_ =	sdelay $0x1  }
0x114: {  	[tilespmem:v7+s10+$0x0] =	vst.idx.msk $0xffff, v5  }
0x115: {  	v5 =	vld.idx.msk [tilespmem:v8+s8+$0x0], $0xffff  }
0x116: {  	v63 =	vld.idx.msk [tilespmem:v63+s8+$0x0], $0xffff;
	_ =	sdelay $0x3  }
0x117: {  	v7 =	vor.u32 s17, v43  }
0x118: {  	v8 =	vor.u32 $0x21, v1;
	v5 =	vmul.f32 v5, v3;
	v6 =	vmul.f32 v63, v2  }
0x119: {  	v63 =	vor.u32 $0x21, v4  }
0x11a: {  	v5 =	vadd.f32 v6, v5;
	_ =	sdelay $0x1  }
0x11b: {  	[tilespmem:v7+s10+$0x0] =	vst.idx.msk $0xffff, v5  }
0x11c: {  	v5 =	vld.idx.msk [tilespmem:v8+s8+$0x0], $0xffff  }
0x11d: {  	v63 =	vld.idx.msk [tilespmem:v63+s8+$0x0], $0xffff;
	_ =	sdelay $0x3  }
0x11e: {  	v7 =	vor.u32 s17, v44  }
0x11f: {  	v8 =	vor.u32 $0x22, v1;
	v5 =	vmul.f32 v5, v3;
	v6 =	vmul.f32 v63, v2  }
0x120: {  	v63 =	vor.u32 $0x22, v4  }
0x121: {  	v5 =	vadd.f32 v6, v5;
	_ =	sdelay $0x1  }
0x122: {  	[tilespmem:v7+s10+$0x0] =	vst.idx.msk $0xffff, v5  }
0x123: {  	v5 =	vld.idx.msk [tilespmem:v8+s8+$0x0], $0xffff  }
0x124: {  	v63 =	vld.idx.msk [tilespmem:v63+s8+$0x0], $0xffff;
	_ =	sdelay $0x3  }
0x125: {  	v7 =	vor.u32 s17, v45  }
0x126: {  	v8 =	vor.u32 $0x23, v1;
	v5 =	vmul.f32 v5, v3;
	v6 =	vmul.f32 v63, v2  }
0x127: {  	v63 =	vor.u32 $0x23, v4  }
0x128: {  	v5 =	vadd.f32 v6, v5;
	_ =	sdelay $0x1  }
0x129: {  	[tilespmem:v7+s10+$0x0] =	vst.idx.msk $0xffff, v5  }
0x12a: {  	v5 =	vld.idx.msk [tilespmem:v8+s8+$0x0], $0xffff  }
0x12b: {  	v63 =	vld.idx.msk [tilespmem:v63+s8+$0x0], $0xffff;
	_ =	sdelay $0x3  }
0x12c: {  	v7 =	vor.u32 s17, v17  }
0x12d: {  	v8 =	vor.u32 $0x24, v1;
	v5 =	vmul.f32 v5, v3;
	v6 =	vmul.f32 v63, v2  }
0x12e: {  	v63 =	vor.u32 $0x24, v4  }
0x12f: {  	v5 =	vadd.f32 v6, v5;
	_ =	sdelay $0x1  }
0x130: {  	[tilespmem:v7+s10+$0x0] =	vst.idx.msk $0xffff, v5  }
0x131: {  	v5 =	vld.idx.msk [tilespmem:v8+s8+$0x0], $0xffff  }
0x132: {  	v63 =	vld.idx.msk [tilespmem:v63+s8+$0x0], $0xffff;
	_ =	sdelay $0x3  }
0x133: {  	v7 =	vor.u32 s17, v47  }
0x134: {  	v8 =	vor.u32 $0x25, v1;
	v5 =	vmul.f32 v5, v3;
	v6 =	vmul.f32 v63, v2  }
0x135: {  	v63 =	vor.u32 $0x25, v4  }
0x136: {  	v5 =	vadd.f32 v6, v5;
	_ =	sdelay $0x1  }
0x137: {  	[tilespmem:v7+s10+$0x0] =	vst.idx.msk $0xffff, v5  }
0x138: {  	v5 =	vld.idx.msk [tilespmem:v8+s8+$0x0], $0xffff  }
0x139: {  	v63 =	vld.idx.msk [tilespmem:v63+s8+$0x0], $0xffff;
	_ =	sdelay $0x3  }
0x13a: {  	v7 =	vor.u32 s17, v19  }
0x13b: {  	v8 =	vor.u32 $0x26, v1;
	v5 =	vmul.f32 v5, v3;
	v6 =	vmul.f32 v63, v2  }
0x13c: {  	v63 =	vor.u32 $0x26, v4  }
0x13d: {  	v5 =	vadd.f32 v6, v5;
	_ =	sdelay $0x1  }
0x13e: {  	[tilespmem:v7+s10+$0x0] =	vst.idx.msk $0xffff, v5  }
0x13f: {  	v5 =	vld.idx.msk [tilespmem:v8+s8+$0x0], $0xffff  }
0x140: {  	v63 =	vld.idx.msk [tilespmem:v63+s8+$0x0], $0xffff;
	_ =	sdelay $0x3  }
0x141: {  	v7 =	vor.u32 s17, v49  }
0x142: {  	v8 =	vor.u32 $0x27, v1;
	v5 =	vmul.f32 v5, v3;
	v6 =	vmul.f32 v63, v2  }
0x143: {  	v63 =	vor.u32 $0x27, v4  }
0x144: {  	v5 =	vadd.f32 v6, v5;
	_ =	sdelay $0x1  }
0x145: {  	[tilespmem:v7+s10+$0x0] =	vst.idx.msk $0xffff, v5  }
0x146: {  	v5 =	vld.idx.msk [tilespmem:v8+s8+$0x0], $0xffff  }
0x147: {  	v63 =	vld.idx.msk [tilespmem:v63+s8+$0x0], $0xffff;
	_ =	sdelay $0x3  }
0x148: {  	v7 =	vor.u32 s17, v23  }
0x149: {  	v8 =	vor.u32 $0x28, v1;
	v5 =	vmul.f32 v5, v3;
	v6 =	vmul.f32 v63, v2  }
0x14a: {  	v63 =	vor.u32 $0x28, v4  }
0x14b: {  	v5 =	vadd.f32 v6, v5;
	_ =	sdelay $0x1  }
0x14c: {  	[tilespmem:v7+s10+$0x0] =	vst.idx.msk $0xffff, v5  }
0x14d: {  	v5 =	vld.idx.msk [tilespmem:v8+s8+$0x0], $0xffff  }
0x14e: {  	v63 =	vld.idx.msk [tilespmem:v63+s8+$0x0], $0xffff;
	_ =	sdelay $0x3  }
0x14f: {  	v7 =	vor.u32 s17, v51  }
0x150: {  	v8 =	vor.u32 $0x29, v1;
	v5 =	vmul.f32 v5, v3;
	v6 =	vmul.f32 v63, v2  }
0x151: {  	v63 =	vor.u32 $0x29, v4  }
0x152: {  	v5 =	vadd.f32 v6, v5;
	_ =	sdelay $0x1  }
0x153: {  	[tilespmem:v7+s10+$0x0] =	vst.idx.msk $0xffff, v5  }
0x154: {  	v5 =	vld.idx.msk [tilespmem:v8+s8+$0x0], $0xffff  }
0x155: {  	v63 =	vld.idx.msk [tilespmem:v63+s8+$0x0], $0xffff;
	_ =	sdelay $0x3  }
0x156: {  	v7 =	vor.u32 s17, v25  }
0x157: {  	v8 =	vor.u32 $0x2A, v1;
	v5 =	vmul.f32 v5, v3;
	v6 =	vmul.f32 v63, v2  }
0x158: {  	v63 =	vor.u32 $0x2A, v4  }
0x159: {  	v5 =	vadd.f32 v6, v5;
	_ =	sdelay $0x1  }
0x15a: {  	[tilespmem:v7+s10+$0x0] =	vst.idx.msk $0xffff, v5  }
0x15b: {  	v5 =	vld.idx.msk [tilespmem:v8+s8+$0x0], $0xffff  }
0x15c: {  	v63 =	vld.idx.msk [tilespmem:v63+s8+$0x0], $0xffff;
	_ =	sdelay $0x3  }
0x15d: {  	v7 =	vor.u32 s17, v53  }
0x15e: {  	v8 =	vor.u32 $0x2B, v1;
	v5 =	vmul.f32 v5, v3;
	v6 =	vmul.f32 v63, v2  }
0x15f: {  	v63 =	vor.u32 $0x2B, v4  }
0x160: {  	v5 =	vadd.f32 v6, v5;
	_ =	sdelay $0x1  }
0x161: {  	[tilespmem:v7+s10+$0x0] =	vst.idx.msk $0xffff, v5  }
0x162: {  	v5 =	vld.idx.msk [tilespmem:v8+s8+$0x0], $0xffff  }
0x163: {  	v63 =	vld.idx.msk [tilespmem:v63+s8+$0x0], $0xffff;
	_ =	sdelay $0x3  }
0x164: {  	v7 =	vor.u32 s17, v15  }
0x165: {  	v8 =	vor.u32 $0x2C, v1;
	v5 =	vmul.f32 v5, v3;
	v6 =	vmul.f32 v63, v2  }
0x166: {  	v63 =	vor.u32 $0x2C, v4  }
0x167: {  	v5 =	vadd.f32 v6, v5;
	_ =	sdelay $0x1  }
0x168: {  	[tilespmem:v7+s10+$0x0] =	vst.idx.msk $0xffff, v5  }
0x169: {  	v5 =	vld.idx.msk [tilespmem:v8+s8+$0x0], $0xffff  }
0x16a: {  	v63 =	vld.idx.msk [tilespmem:v63+s8+$0x0], $0xffff;
	_ =	sdelay $0x3  }
0x16b: {  	v7 =	vor.u32 s17, v55  }
0x16c: {  	v8 =	vor.u32 $0x2D, v1;
	v5 =	vmul.f32 v5, v3;
	v6 =	vmul.f32 v63, v2  }
0x16d: {  	v63 =	vor.u32 $0x2D, v4  }
0x16e: {  	v5 =	vadd.f32 v6, v5;
	_ =	sdelay $0x1  }
0x16f: {  	[tilespmem:v7+s10+$0x0] =	vst.idx.msk $0xffff, v5  }
0x170: {  	v5 =	vld.idx.msk [tilespmem:v8+s8+$0x0], $0xffff  }
0x171: {  	v63 =	vld.idx.msk [tilespmem:v63+s8+$0x0], $0xffff;
	_ =	sdelay $0x3  }
0x172: {  	v7 =	vor.u32 s17, v13  }
0x173: {  	v8 =	vor.u32 $0x2E, v1;
	v5 =	vmul.f32 v5, v3;
	v6 =	vmul.f32 v63, v2  }
0x174: {  	v63 =	vor.u32 $0x2E, v4  }
0x175: {  	v5 =	vadd.f32 v6, v5;
	_ =	sdelay $0x1  }
0x176: {  	[tilespmem:v7+s10+$0x0] =	vst.idx.msk $0xffff, v5  }
0x177: {  	v5 =	vld.idx.msk [tilespmem:v8+s8+$0x0], $0xffff  }
0x178: {  	v63 =	vld.idx.msk [tilespmem:v63+s8+$0x0], $0xffff;
	_ =	sdelay $0x3  }
0x179: {  	v7 =	vor.u32 s17, v57  }
0x17a: {  	v8 =	vor.u32 $0x2F, v1;
	v5 =	vmul.f32 v5, v3;
	v6 =	vmul.f32 v63, v2  }
0x17b: {  	v63 =	vor.u32 $0x2F, v4  }
0x17c: {  	v5 =	vadd.f32 v6, v5;
	_ =	sdelay $0x1  }
0x17d: {  	[tilespmem:v7+s10+$0x0] =	vst.idx.msk $0xffff, v5  }
0x17e: {  	v5 =	vld.idx.msk [tilespmem:v8+s8+$0x0], $0xffff  }
0x17f: {  	v63 =	vld.idx.msk [tilespmem:v63+s8+$0x0], $0xffff;
	_ =	sdelay $0x3  }
0x180: {  	v7 =	vor.u32 s17, v21  }
0x181: {  	v8 =	vor.u32 $0x30, v1;
	v5 =	vmul.f32 v5, v3;
	v6 =	vmul.f32 v63, v2  }
0x182: {  	v63 =	vor.u32 $0x30, v4  }
0x183: {  	v5 =	vadd.f32 v6, v5;
	_ =	sdelay $0x1  }
0x184: {  	[tilespmem:v7+s10+$0x0] =	vst.idx.msk $0xffff, v5  }
0x185: {  	v5 =	vld.idx.msk [tilespmem:v8+s8+$0x0], $0xffff  }
0x186: {  	v63 =	vld.idx.msk [tilespmem:v63+s8+$0x0], $0xffff;
	_ =	sdelay $0x3  }
0x187: {  	v7 =	vor.u32 s17, v59  }
0x188: {  	v8 =	vor.u32 $0x31, v1;
	v5 =	vmul.f32 v5, v3;
	v6 =	vmul.f32 v63, v2  }
0x189: {  	v63 =	vor.u32 $0x31, v4  }
0x18a: {  	v5 =	vadd.f32 v6, v5;
	_ =	sdelay $0x1  }
0x18b: {  	[tilespmem:v7+s10+$0x0] =	vst.idx.msk $0xffff, v5  }
0x18c: {  	v5 =	vld.idx.msk [tilespmem:v8+s8+$0x0], $0xffff  }
0x18d: {  	v63 =	vld.idx.msk [tilespmem:v63+s8+$0x0], $0xffff;
	_ =	sdelay $0x3  }
0x18e: {  	v7 =	vor.u32 s17, v10  }
0x18f: {  	v8 =	vor.u32 $0x32, v1;
	v5 =	vmul.f32 v5, v3;
	v6 =	vmul.f32 v63, v2  }
0x190: {  	v63 =	vor.u32 $0x32, v4  }
0x191: {  	v5 =	vadd.f32 v6, v5;
	_ =	sdelay $0x1  }
0x192: {  	[tilespmem:v7+s10+$0x0] =	vst.idx.msk $0xffff, v5  }
0x193: {  	v5 =	vld.idx.msk [tilespmem:v8+s8+$0x0], $0xffff  }
0x194: {  	v63 =	vld.idx.msk [tilespmem:v63+s8+$0x0], $0xffff;
	_ =	sdelay $0x3  }
0x195: {  	v7 =	vor.u32 s17, v27  }
0x196: {  	v8 =	vor.u32 $0x33, v1;
	v5 =	vmul.f32 v5, v3;
	v6 =	vmul.f32 v63, v2  }
0x197: {  	v63 =	vor.u32 $0x33, v4  }
0x198: {  	v5 =	vadd.f32 v6, v5;
	_ =	sdelay $0x1  }
0x199: {  	[tilespmem:v7+s10+$0x0] =	vst.idx.msk $0xffff, v5  }
0x19a: {  	v5 =	vld.idx.msk [tilespmem:v8+s8+$0x0], $0xffff  }
0x19b: {  	v63 =	vld.idx.msk [tilespmem:v63+s8+$0x0], $0xffff;
	_ =	sdelay $0x3  }
0x19c: {  	v7 =	vor.u32 s17, v11  }
0x19d: {  	v8 =	vor.u32 $0x34, v1;
	v5 =	vmul.f32 v5, v3;
	v6 =	vmul.f32 v63, v2  }
0x19e: {  	v63 =	vor.u32 $0x34, v4  }
0x19f: {  	v5 =	vadd.f32 v6, v5;
	_ =	sdelay $0x1  }
0x1a0: {  	[tilespmem:v7+s10+$0x0] =	vst.idx.msk $0xffff, v5  }
0x1a1: {  	v5 =	vld.idx.msk [tilespmem:v8+s8+$0x0], $0xffff  }
0x1a2: {  	v63 =	vld.idx.msk [tilespmem:v63+s8+$0x0], $0xffff;
	_ =	sdelay $0x3  }
0x1a3: {  	v7 =	vor.u32 s17, v61  }
0x1a4: {  	v8 =	vor.u32 $0x35, v1;
	v5 =	vmul.f32 v5, v3;
	v6 =	vmul.f32 v63, v2  }
0x1a5: {  	v63 =	vor.u32 $0x35, v4  }
0x1a6: {  	v5 =	vadd.f32 v6, v5;
	_ =	sdelay $0x1  }
0x1a7: {  	[tilespmem:v7+s10+$0x0] =	vst.idx.msk $0xffff, v5  }
0x1a8: {  	v5 =	vld.idx.msk [tilespmem:v8+s8+$0x0], $0xffff  }
0x1a9: {  	v63 =	vld.idx.msk [tilespmem:v63+s8+$0x0], $0xffff;
	_ =	sdelay $0x3  }
0x1aa: {  	v7 =	vor.u32 s17, v62  }
0x1ab: {  	v8 =	vor.u32 $0x36, v1;
	v5 =	vmul.f32 v5, v3;
	v6 =	vmul.f32 v63, v2  }
0x1ac: {  	v63 =	vor.u32 $0x36, v4  }
0x1ad: {  	v5 =	vadd.f32 v6, v5;
	_ =	sdelay $0x1  }
0x1ae: {  	[tilespmem:v7+s10+$0x0] =	vst.idx.msk $0xffff, v5  }
0x1af: {  	v5 =	vld.idx.msk [tilespmem:v8+s8+$0x0], $0xffff  }
0x1b0: {  	v63 =	vld.idx.msk [tilespmem:v63+s8+$0x0], $0xffff;
	_ =	sdelay $0x3  }
0x1b1: {  	v7 =	vor.u32 s17, v58  }
0x1b2: {  	v8 =	vor.u32 $0x37, v1;
	v5 =	vmul.f32 v5, v3;
	v6 =	vmul.f32 v63, v2  }
0x1b3: {  	v63 =	vor.u32 $0x37, v4  }
0x1b4: {  	v5 =	vadd.f32 v6, v5;
	_ =	sdelay $0x1  }
0x1b5: {  	[tilespmem:v7+s10+$0x0] =	vst.idx.msk $0xffff, v5  }
0x1b6: {  	v5 =	vld.idx.msk [tilespmem:v8+s8+$0x0], $0xffff  }
0x1b7: {  	v63 =	vld.idx.msk [tilespmem:v63+s8+$0x0], $0xffff;
	_ =	sdelay $0x3  }
0x1b8: {  	v7 =	vor.u32 s17, v60  }
0x1b9: {  	v8 =	vor.u32 $0x38, v1;
	v5 =	vmul.f32 v5, v3;
	v6 =	vmul.f32 v63, v2  }
0x1ba: {  	v63 =	vor.u32 $0x38, v4  }
0x1bb: {  	v5 =	vadd.f32 v6, v5;
	_ =	sdelay $0x1  }
0x1bc: {  	[tilespmem:v7+s10+$0x0] =	vst.idx.msk $0xffff, v5  }
0x1bd: {  	v5 =	vld.idx.msk [tilespmem:v8+s8+$0x0], $0xffff  }
0x1be: {  	v63 =	vld.idx.msk [tilespmem:v63+s8+$0x0], $0xffff;
	_ =	sdelay $0x3  }
0x1bf: {  	v7 =	vor.u32 s17, v56  }
0x1c0: {  	v8 =	vor.u32 $0x39, v1;
	v5 =	vmul.f32 v5, v3;
	v6 =	vmul.f32 v63, v2  }
0x1c1: {  	v63 =	vor.u32 $0x39, v4  }
0x1c2: {  	v5 =	vadd.f32 v6, v5;
	_ =	sdelay $0x1  }
0x1c3: {  	[tilespmem:v7+s10+$0x0] =	vst.idx.msk $0xffff, v5  }
0x1c4: {  	v5 =	vld.idx.msk [tilespmem:v8+s8+$0x0], $0xffff  }
0x1c5: {  	v63 =	vld.idx.msk [tilespmem:v63+s8+$0x0], $0xffff;
	_ =	sdelay $0x3  }
0x1c6: {  	v7 =	vor.u32 s17, v54  }
0x1c7: {  	v8 =	vor.u32 $0x3A, v1;
	v5 =	vmul.f32 v5, v3;
	v6 =	vmul.f32 v63, v2  }
0x1c8: {  	v63 =	vor.u32 $0x3A, v4  }
0x1c9: {  	v5 =	vadd.f32 v6, v5;
	_ =	sdelay $0x1  }
0x1ca: {  	[tilespmem:v7+s10+$0x0] =	vst.idx.msk $0xffff, v5  }
0x1cb: {  	v5 =	vld.idx.msk [tilespmem:v8+s8+$0x0], $0xffff  }
0x1cc: {  	v63 =	vld.idx.msk [tilespmem:v63+s8+$0x0], $0xffff;
	_ =	sdelay $0x3  }
0x1cd: {  	v7 =	vor.u32 s17, v52  }
0x1ce: {  	v8 =	vor.u32 $0x3B, v1;
	v5 =	vmul.f32 v5, v3;
	v6 =	vmul.f32 v63, v2  }
0x1cf: {  	v63 =	vor.u32 $0x3B, v4  }
0x1d0: {  	v5 =	vadd.f32 v6, v5;
	_ =	sdelay $0x1  }
0x1d1: {  	[tilespmem:v7+s10+$0x0] =	vst.idx.msk $0xffff, v5  }
0x1d2: {  	v5 =	vld.idx.msk [tilespmem:v8+s8+$0x0], $0xffff  }
0x1d3: {  	v63 =	vld.idx.msk [tilespmem:v63+s8+$0x0], $0xffff;
	_ =	sdelay $0x3  }
0x1d4: {  	v7 =	vor.u32 s17, v50  }
0x1d5: {  	v8 =	vor.u32 $0x3C, v1;
	v5 =	vmul.f32 v5, v3;
	v6 =	vmul.f32 v63, v2  }
0x1d6: {  	v63 =	vor.u32 $0x3C, v4  }
0x1d7: {  	v5 =	vadd.f32 v6, v5;
	_ =	sdelay $0x1  }
0x1d8: {  	[tilespmem:v7+s10+$0x0] =	vst.idx.msk $0xffff, v5  }
0x1d9: {  	v5 =	vld.idx.msk [tilespmem:v8+s8+$0x0], $0xffff  }
0x1da: {  	v63 =	vld.idx.msk [tilespmem:v63+s8+$0x0], $0xffff;
	_ =	sdelay $0x3  }
0x1db: {  	v7 =	vor.u32 s17, v48  }
0x1dc: {  	v8 =	vor.u32 $0x3D, v1;
	v5 =	vmul.f32 v5, v3;
	v6 =	vmul.f32 v63, v2  }
0x1dd: {  	v63 =	vor.u32 $0x3D, v4  }
0x1de: {  	v5 =	vadd.f32 v6, v5;
	_ =	sdelay $0x1  }
0x1df: {  	[tilespmem:v7+s10+$0x0] =	vst.idx.msk $0xffff, v5  }
0x1e0: {  	v5 =	vld.idx.msk [tilespmem:v8+s8+$0x0], $0xffff  }
0x1e1: {  	v63 =	vld.idx.msk [tilespmem:v63+s8+$0x0], $0xffff;
	_ =	sdelay $0x3  }
0x1e2: {  	v7 =	vor.u32 s17, v46  }
0x1e3: {  	v8 =	vor.u32 $0x3E, v1;
	v5 =	vmul.f32 v5, v3;
	v6 =	vmul.f32 v63, v2  }
0x1e4: {  	v63 =	vor.u32 $0x3E, v4  }
0x1e5: {  	v5 =	vadd.f32 v6, v5;
	_ =	sdelay $0x1  }
0x1e6: {  	[tilespmem:v7+s10+$0x0] =	vst.idx.msk $0xffff, v5  }
0x1e7: {  	v5 =	vld.idx.msk [tilespmem:v8+s8+$0x0], $0xffff  }
0x1e8: {  	v6 =	vld.idx.msk [tilespmem:v63+s8+$0x0], $0xffff;
	_ =	sdelay $0x2  }
0x1e9: {  	v63 =	vor.u32 $0x3E, v0  }
0x1ea: {  	v7 =	vor.u32 s17, v63  }
0x1eb: {  	v1 =	vor.u32 $0x3F, v1;
	v5 =	vmul.f32 v5, v3;
	v6 =	vmul.f32 v6, v2  }
0x1ec: {  	v4 =	vor.u32 $0x3F, v4  }
0x1ed: {  	v5 =	vadd.f32 v6, v5;
	_ =	sdelay $0x1  }
0x1ee: {  	[tilespmem:v7+s10+$0x0] =	vst.idx.msk $0xffff, v5  }
0x1ef: {  	v5 =	vld.idx.msk [tilespmem:v1+s8+$0x0], $0xffff  }
0x1f0: {  	v4 =	vld.idx.msk [tilespmem:v4+s8+$0x0], $0xffff;
	_ =	sdelay $0x2  }
0x1f1: {  	v1 =	vor.u32 $0x3F, v0  }
0x1f2: {  	p1 =	sne.s32 s18, $0xF0;
	v6 =	vor.u32 s17, v1  }
.Ltmp0:
0x1f3: {  	v3 =	vmul.f32 v5, v3;
	v2 =	vmul.f32 v4, v2;
	(pc) =	sbr.rel @p1 .LBB2_3-.Ltmp0, $3  }
0x1f4: {  	_ = 	snop  }
0x1f5: {  	v2 =	vadd.f32 v2, v3;
	_ =	sdelay $0x1  }
0x1f6: {  	s18 =	sadd.s32 $0x10, s18;
	s17 =	sadd.s32 $0x400, s17;
	[tilespmem:v6+s10+$0x0] =	vst.idx.msk $0xffff, v2  }
0x1f7: {  	s16 =	sshll.u32 s15, $0xF  }
0x1f8: {  	s16 =	sadd.s32 s6, s16  }
0x1f9: {  	s16 =	sshrl.u32 s16, $0x3  }
0x1fa: {  	s17 =	simm.s32 @!p0 $0x2;
	s16 =	sadd.s32 s4, s16  }
0x1fb: {  	v44 =	vmov v46;
	[hbm4b:s16+s2] =	stream.linear.scatter [tilespmem:s10], [sflag:$0x1], $0x4000, $0x38;
	[tilespmem:$0x1AC00] =	vst v63  }
0x1fc: {  	v46 =	vmovc v48;
	v48 =	vmovc v50;
	v50 =	vmov v52;
	v52 =	vmov v54;
	v54 =	vmov v56;
	_ =	swait.ge @!p0 [sflag:s17], $0x4000  }
0x1fd: {  	v56 =	vmovc v60;
	v60 =	vmovc v58;
	v58 =	vmov v62;
	v62 =	vmov v61;
	v61 =	vmov v27;
	v27 =	vld [tilespmem:$0x1FF50]  }
0x1fe: {  	v25 =	vld [tilespmem:$0x1FF40]  }
0x1ff: {  	v23 =	vld [tilespmem:$0x1FF30]  }
0x200: {  	v21 =	vld [tilespmem:$0x1FF20]  }
0x201: {  	v19 =	vld [tilespmem:$0x1FF10]  }
0x202: {  	s16 =	sshllo.u32 s15, $0x1;
	v17 =	vld [tilespmem:$0x1FF00]  }
0x203: {  	s18 =	simm.s32 $0x0;
	s31 =	sshll.u32 s16, $0x8;
	[sflag:s17] =	ssyncset.done @!p0 $0x0;
	v15 =	vld [tilespmem:$0x1FEF0]  }
0x204: {  	s19 =	simm.s32 $0x0;
	v13 =	vld [tilespmem:$0x1FEE0];
	[sflag:s17] =	ssyncadd.s32 @!p0 $0xFFFFC000;
	s17 =	sand.u32 $0x3FFFFF00, s31  }
.LBB2_5:
0x205: {  	s20 =	sand.u32 $0x80, s19  }
0x206: {  	s21 =	sand.u32 $0x70, s19;
	s20 =	sadd.s32 s20, s17  }
0x207: {  	s20 =	sadd.s32 s21, s20  }
0x208: {  	v2 =	vld [tilespmem:s20+$0x0];
	_ =	sdelay $0x4  }
0x209: {  	v2 =	vadd.f32 $6.000000000e+00, v2;
	_ =	sdelay $0x1  }
0x20a: {  	v2 =	vmul.f32 $8.325000000e+01, v2;
	_ =	sdelay $0x1  }
0x20b: {  	v2 =	vmax.f32 v2, $0.0e+00  }
0x20c: {  	v2 =	vmin.f32 v2, $9.990000000e+02  }
0x20d: {  	v3 =	vtrunc.f32 v2  }
0x20e: {  	v3 =	vcvt.f32.s32 v3;
	_ =	sdelay $0x1  }
0x20f: {  	v4 =	vadd.s32 $0x1, v3  }
0x210: {  	vm0 =	vlt.s32 v4, $0x3E7  }
0x211: {  	v5 =	vnsel vm0, $0x3E7, v4;
	v4 =	vshll.u32 v3, $0x6  }
0x212: {  	v5 =	vshll.u32 v5, $0x6;
	_ =	sdelay $0x3  }
0x213: {  	v3 =	vcvt.s32.f32 v3;
	v6 =	vld.idx.msk [tilespmem:v4+s8+$0x0], $0xffff  }
0x214: {  	v7 =	vld.idx.msk [tilespmem:v5+s8+$0x0], $0xffff  }
0x215: {  	v2 =	vsub.f32 v2, v3;
	_ =	sdelay $0x1  }
0x216: {  	v8 =	vor.u32 s18, v0;
	v3 =	vsub.f32 $1.000000000e+00, v2  }
0x217: {  	v8 =	vand.u32 v9, v8  }
0x218: {  	v11 =	vmovc v9;
	v9 =	vor.u32 $0x1, v4;
	v6 =	vmul.f32 v3, v6;
	v7 =	vmul.f32 v2, v7  }
0x219: {  	v10 =	vor.u32 $0x1, v5  }
0x21a: {  	v6 =	vadd.f32 v6, v7;
	_ =	sdelay $0x1  }
0x21b: {  	[tilespmem:v8+s11+$0x0] =	vst.idx.msk $0xffff, v6  }
0x21c: {  	v6 =	vld.idx.msk [tilespmem:v9+s8+$0x0], $0xffff  }
0x21d: {  	v7 =	vld.idx.msk [tilespmem:v10+s8+$0x0], $0xffff;
	_ =	sdelay $0x3  }
0x21e: {  	v8 =	vor.u32 s18, v12  }
0x21f: {  	v9 =	vor.u32 $0x2, v4;
	v6 =	vmul.f32 v3, v6;
	v7 =	vmul.f32 v2, v7  }
0x220: {  	v10 =	vor.u32 $0x2, v5  }
0x221: {  	v6 =	vadd.f32 v6, v7;
	_ =	sdelay $0x1  }
0x222: {  	[tilespmem:v8+s11+$0x0] =	vst.idx.msk $0xffff, v6  }
0x223: {  	v6 =	vld.idx.msk [tilespmem:v9+s8+$0x0], $0xffff  }
0x224: {  	v7 =	vld.idx.msk [tilespmem:v10+s8+$0x0], $0xffff;
	_ =	sdelay $0x3  }
0x225: {  	v8 =	vor.u32 s18, v13  }
0x226: {  	v9 =	vor.u32 $0x3, v4;
	v6 =	vmul.f32 v3, v6;
	v7 =	vmul.f32 v7, v2  }
0x227: {  	v10 =	vor.u32 $0x3, v5  }
0x228: {  	v6 =	vadd.f32 v7, v6;
	_ =	sdelay $0x1  }
0x229: {  	[tilespmem:v8+s11+$0x0] =	vst.idx.msk $0xffff, v6  }
0x22a: {  	v6 =	vld.idx.msk [tilespmem:v9+s8+$0x0], $0xffff  }
0x22b: {  	v7 =	vld.idx.msk [tilespmem:v10+s8+$0x0], $0xffff;
	_ =	sdelay $0x3  }
0x22c: {  	v8 =	vor.u32 s18, v14  }
0x22d: {  	v9 =	vor.u32 $0x4, v4;
	v6 =	vmul.f32 v6, v3;
	v7 =	vmul.f32 v7, v2  }
0x22e: {  	v10 =	vor.u32 $0x4, v5  }
0x22f: {  	v6 =	vadd.f32 v7, v6;
	_ =	sdelay $0x1  }
0x230: {  	[tilespmem:v8+s11+$0x0] =	vst.idx.msk $0xffff, v6  }
0x231: {  	v6 =	vld.idx.msk [tilespmem:v9+s8+$0x0], $0xffff  }
0x232: {  	v7 =	vld.idx.msk [tilespmem:v10+s8+$0x0], $0xffff;
	_ =	sdelay $0x3  }
0x233: {  	v8 =	vor.u32 s18, v15  }
0x234: {  	v9 =	vor.u32 $0x5, v4;
	v6 =	vmul.f32 v6, v3;
	v7 =	vmul.f32 v7, v2  }
0x235: {  	v10 =	vor.u32 $0x5, v5  }
0x236: {  	v6 =	vadd.f32 v7, v6;
	_ =	sdelay $0x1  }
0x237: {  	[tilespmem:v8+s11+$0x0] =	vst.idx.msk $0xffff, v6  }
0x238: {  	v6 =	vld.idx.msk [tilespmem:v9+s8+$0x0], $0xffff  }
0x239: {  	v7 =	vld.idx.msk [tilespmem:v10+s8+$0x0], $0xffff;
	_ =	sdelay $0x3  }
0x23a: {  	v8 =	vor.u32 s18, v16  }
0x23b: {  	v9 =	vor.u32 $0x6, v4;
	v6 =	vmul.f32 v6, v3;
	v7 =	vmul.f32 v7, v2  }
0x23c: {  	v10 =	vor.u32 $0x6, v5  }
0x23d: {  	v6 =	vadd.f32 v7, v6;
	_ =	sdelay $0x1  }
0x23e: {  	[tilespmem:v8+s11+$0x0] =	vst.idx.msk $0xffff, v6  }
0x23f: {  	v6 =	vld.idx.msk [tilespmem:v9+s8+$0x0], $0xffff  }
0x240: {  	v7 =	vld.idx.msk [tilespmem:v10+s8+$0x0], $0xffff;
	_ =	sdelay $0x3  }
0x241: {  	v8 =	vor.u32 s18, v17  }
0x242: {  	v9 =	vor.u32 $0x7, v4;
	v6 =	vmul.f32 v6, v3;
	v7 =	vmul.f32 v7, v2  }
0x243: {  	v10 =	vor.u32 $0x7, v5  }
0x244: {  	v6 =	vadd.f32 v7, v6;
	_ =	sdelay $0x1  }
0x245: {  	[tilespmem:v8+s11+$0x0] =	vst.idx.msk $0xffff, v6  }
0x246: {  	v6 =	vld.idx.msk [tilespmem:v9+s8+$0x0], $0xffff  }
0x247: {  	v7 =	vld.idx.msk [tilespmem:v10+s8+$0x0], $0xffff;
	_ =	sdelay $0x3  }
0x248: {  	v8 =	vor.u32 s18, v18  }
0x249: {  	v9 =	vor.u32 $0x8, v4;
	v6 =	vmul.f32 v6, v3;
	v7 =	vmul.f32 v7, v2  }
0x24a: {  	v10 =	vor.u32 $0x8, v5  }
0x24b: {  	v6 =	vadd.f32 v7, v6;
	_ =	sdelay $0x1  }
0x24c: {  	[tilespmem:v8+s11+$0x0] =	vst.idx.msk $0xffff, v6  }
0x24d: {  	v6 =	vld.idx.msk [tilespmem:v9+s8+$0x0], $0xffff  }
0x24e: {  	v7 =	vld.idx.msk [tilespmem:v10+s8+$0x0], $0xffff;
	_ =	sdelay $0x3  }
0x24f: {  	v8 =	vor.u32 s18, v19  }
0x250: {  	v9 =	vor.u32 $0x9, v4;
	v6 =	vmul.f32 v6, v3;
	v7 =	vmul.f32 v7, v2  }
0x251: {  	v10 =	vor.u32 $0x9, v5  }
0x252: {  	v6 =	vadd.f32 v7, v6;
	_ =	sdelay $0x1  }
0x253: {  	[tilespmem:v8+s11+$0x0] =	vst.idx.msk $0xffff, v6  }
0x254: {  	v6 =	vld.idx.msk [tilespmem:v9+s8+$0x0], $0xffff  }
0x255: {  	v7 =	vld.idx.msk [tilespmem:v10+s8+$0x0], $0xffff;
	_ =	sdelay $0x3  }
0x256: {  	v8 =	vor.u32 s18, v20  }
0x257: {  	v9 =	vor.u32 $0xA, v4;
	v6 =	vmul.f32 v6, v3;
	v7 =	vmul.f32 v7, v2  }
0x258: {  	v10 =	vor.u32 $0xA, v5  }
0x259: {  	v6 =	vadd.f32 v7, v6;
	_ =	sdelay $0x1  }
0x25a: {  	[tilespmem:v8+s11+$0x0] =	vst.idx.msk $0xffff, v6  }
0x25b: {  	v6 =	vld.idx.msk [tilespmem:v9+s8+$0x0], $0xffff  }
0x25c: {  	v7 =	vld.idx.msk [tilespmem:v10+s8+$0x0], $0xffff;
	_ =	sdelay $0x3  }
0x25d: {  	v8 =	vor.u32 s18, v21  }
0x25e: {  	v9 =	vor.u32 $0xB, v4;
	v6 =	vmul.f32 v6, v3;
	v7 =	vmul.f32 v7, v2  }
0x25f: {  	v10 =	vor.u32 $0xB, v5  }
0x260: {  	v6 =	vadd.f32 v7, v6;
	_ =	sdelay $0x1  }
0x261: {  	[tilespmem:v8+s11+$0x0] =	vst.idx.msk $0xffff, v6  }
0x262: {  	v6 =	vld.idx.msk [tilespmem:v9+s8+$0x0], $0xffff  }
0x263: {  	v7 =	vld.idx.msk [tilespmem:v10+s8+$0x0], $0xffff;
	_ =	sdelay $0x3  }
0x264: {  	v8 =	vor.u32 s18, v22  }
0x265: {  	v9 =	vor.u32 $0xC, v4;
	v6 =	vmul.f32 v6, v3;
	v7 =	vmul.f32 v7, v2  }
0x266: {  	v10 =	vor.u32 $0xC, v5  }
0x267: {  	v6 =	vadd.f32 v7, v6;
	_ =	sdelay $0x1  }
0x268: {  	[tilespmem:v8+s11+$0x0] =	vst.idx.msk $0xffff, v6  }
0x269: {  	v6 =	vld.idx.msk [tilespmem:v9+s8+$0x0], $0xffff  }
0x26a: {  	v7 =	vld.idx.msk [tilespmem:v10+s8+$0x0], $0xffff;
	_ =	sdelay $0x3  }
0x26b: {  	v8 =	vor.u32 s18, v23  }
0x26c: {  	v9 =	vor.u32 $0xD, v4;
	v6 =	vmul.f32 v6, v3;
	v7 =	vmul.f32 v7, v2  }
0x26d: {  	v10 =	vor.u32 $0xD, v5  }
0x26e: {  	v6 =	vadd.f32 v7, v6;
	_ =	sdelay $0x1  }
0x26f: {  	[tilespmem:v8+s11+$0x0] =	vst.idx.msk $0xffff, v6  }
0x270: {  	v6 =	vld.idx.msk [tilespmem:v9+s8+$0x0], $0xffff  }
0x271: {  	v7 =	vld.idx.msk [tilespmem:v10+s8+$0x0], $0xffff;
	_ =	sdelay $0x3  }
0x272: {  	v8 =	vor.u32 s18, v24  }
0x273: {  	v9 =	vor.u32 $0xE, v4;
	v6 =	vmul.f32 v6, v3;
	v7 =	vmul.f32 v7, v2  }
0x274: {  	v10 =	vor.u32 $0xE, v5  }
0x275: {  	v6 =	vadd.f32 v7, v6;
	_ =	sdelay $0x1  }
0x276: {  	[tilespmem:v8+s11+$0x0] =	vst.idx.msk $0xffff, v6  }
0x277: {  	v6 =	vld.idx.msk [tilespmem:v9+s8+$0x0], $0xffff  }
0x278: {  	v7 =	vld.idx.msk [tilespmem:v10+s8+$0x0], $0xffff;
	_ =	sdelay $0x3  }
0x279: {  	v8 =	vor.u32 s18, v25  }
0x27a: {  	v9 =	vor.u32 $0xF, v4;
	v6 =	vmul.f32 v6, v3;
	v7 =	vmul.f32 v7, v2  }
0x27b: {  	v10 =	vor.u32 $0xF, v5  }
0x27c: {  	v6 =	vadd.f32 v7, v6;
	_ =	sdelay $0x1  }
0x27d: {  	[tilespmem:v8+s11+$0x0] =	vst.idx.msk $0xffff, v6  }
0x27e: {  	v6 =	vld.idx.msk [tilespmem:v9+s8+$0x0], $0xffff  }
0x27f: {  	v7 =	vld.idx.msk [tilespmem:v10+s8+$0x0], $0xffff;
	_ =	sdelay $0x3  }
0x280: {  	v8 =	vor.u32 s18, v26  }
0x281: {  	v9 =	vor.u32 $0x10, v4;
	v6 =	vmul.f32 v6, v3;
	v7 =	vmul.f32 v7, v2  }
0x282: {  	v10 =	vor.u32 $0x10, v5  }
0x283: {  	v6 =	vadd.f32 v7, v6;
	_ =	sdelay $0x1  }
0x284: {  	[tilespmem:v8+s11+$0x0] =	vst.idx.msk $0xffff, v6  }
0x285: {  	v6 =	vld.idx.msk [tilespmem:v9+s8+$0x0], $0xffff  }
0x286: {  	v7 =	vld.idx.msk [tilespmem:v10+s8+$0x0], $0xffff;
	_ =	sdelay $0x3  }
0x287: {  	v8 =	vor.u32 s18, v27  }
0x288: {  	v9 =	vor.u32 $0x11, v4;
	v6 =	vmul.f32 v6, v3;
	v7 =	vmul.f32 v7, v2  }
0x289: {  	v10 =	vor.u32 $0x11, v5  }
0x28a: {  	v6 =	vadd.f32 v7, v6;
	_ =	sdelay $0x1  }
0x28b: {  	[tilespmem:v8+s11+$0x0] =	vst.idx.msk $0xffff, v6  }
0x28c: {  	v6 =	vld.idx.msk [tilespmem:v9+s8+$0x0], $0xffff  }
0x28d: {  	v7 =	vld.idx.msk [tilespmem:v10+s8+$0x0], $0xffff;
	_ =	sdelay $0x3  }
0x28e: {  	v8 =	vor.u32 s18, v28  }
0x28f: {  	v9 =	vor.u32 $0x12, v4;
	v6 =	vmul.f32 v6, v3;
	v7 =	vmul.f32 v7, v2  }
0x290: {  	v10 =	vor.u32 $0x12, v5  }
0x291: {  	v6 =	vadd.f32 v7, v6;
	_ =	sdelay $0x1  }
0x292: {  	[tilespmem:v8+s11+$0x0] =	vst.idx.msk $0xffff, v6  }
0x293: {  	v6 =	vld.idx.msk [tilespmem:v9+s8+$0x0], $0xffff  }
0x294: {  	v7 =	vld.idx.msk [tilespmem:v10+s8+$0x0], $0xffff;
	_ =	sdelay $0x3  }
0x295: {  	v8 =	vor.u32 s18, v29  }
0x296: {  	v9 =	vor.u32 $0x13, v4;
	v6 =	vmul.f32 v6, v3;
	v7 =	vmul.f32 v7, v2  }
0x297: {  	v10 =	vor.u32 $0x13, v5  }
0x298: {  	v6 =	vadd.f32 v7, v6;
	_ =	sdelay $0x1  }
0x299: {  	[tilespmem:v8+s11+$0x0] =	vst.idx.msk $0xffff, v6  }
0x29a: {  	v6 =	vld.idx.msk [tilespmem:v9+s8+$0x0], $0xffff  }
0x29b: {  	v7 =	vld.idx.msk [tilespmem:v10+s8+$0x0], $0xffff;
	_ =	sdelay $0x3  }
0x29c: {  	v8 =	vor.u32 s18, v30  }
0x29d: {  	v9 =	vor.u32 $0x14, v4;
	v6 =	vmul.f32 v6, v3;
	v7 =	vmul.f32 v7, v2  }
0x29e: {  	v10 =	vor.u32 $0x14, v5  }
0x29f: {  	v6 =	vadd.f32 v7, v6;
	_ =	sdelay $0x1  }
0x2a0: {  	[tilespmem:v8+s11+$0x0] =	vst.idx.msk $0xffff, v6  }
0x2a1: {  	v6 =	vld.idx.msk [tilespmem:v9+s8+$0x0], $0xffff  }
0x2a2: {  	v7 =	vld.idx.msk [tilespmem:v10+s8+$0x0], $0xffff;
	_ =	sdelay $0x3  }
0x2a3: {  	v8 =	vor.u32 s18, v31  }
0x2a4: {  	v9 =	vor.u32 $0x15, v4;
	v6 =	vmul.f32 v6, v3;
	v7 =	vmul.f32 v7, v2  }
0x2a5: {  	v10 =	vor.u32 $0x15, v5  }
0x2a6: {  	v6 =	vadd.f32 v7, v6;
	_ =	sdelay $0x1  }
0x2a7: {  	[tilespmem:v8+s11+$0x0] =	vst.idx.msk $0xffff, v6  }
0x2a8: {  	v6 =	vld.idx.msk [tilespmem:v9+s8+$0x0], $0xffff  }
0x2a9: {  	v7 =	vld.idx.msk [tilespmem:v10+s8+$0x0], $0xffff;
	_ =	sdelay $0x3  }
0x2aa: {  	v8 =	vor.u32 s18, v32  }
0x2ab: {  	v9 =	vor.u32 $0x16, v4;
	v6 =	vmul.f32 v6, v3;
	v7 =	vmul.f32 v7, v2  }
0x2ac: {  	v10 =	vor.u32 $0x16, v5  }
0x2ad: {  	v6 =	vadd.f32 v7, v6;
	_ =	sdelay $0x1  }
0x2ae: {  	[tilespmem:v8+s11+$0x0] =	vst.idx.msk $0xffff, v6  }
0x2af: {  	v6 =	vld.idx.msk [tilespmem:v9+s8+$0x0], $0xffff  }
0x2b0: {  	v7 =	vld.idx.msk [tilespmem:v10+s8+$0x0], $0xffff;
	_ =	sdelay $0x3  }
0x2b1: {  	v8 =	vor.u32 s18, v33  }
0x2b2: {  	v9 =	vor.u32 $0x17, v4;
	v6 =	vmul.f32 v6, v3;
	v7 =	vmul.f32 v7, v2  }
0x2b3: {  	v10 =	vor.u32 $0x17, v5  }
0x2b4: {  	v6 =	vadd.f32 v7, v6;
	_ =	sdelay $0x1  }
0x2b5: {  	[tilespmem:v8+s11+$0x0] =	vst.idx.msk $0xffff, v6  }
0x2b6: {  	v6 =	vld.idx.msk [tilespmem:v9+s8+$0x0], $0xffff  }
0x2b7: {  	v7 =	vld.idx.msk [tilespmem:v10+s8+$0x0], $0xffff;
	_ =	sdelay $0x3  }
0x2b8: {  	v8 =	vor.u32 s18, v34  }
0x2b9: {  	v9 =	vor.u32 $0x18, v4;
	v6 =	vmul.f32 v6, v3;
	v7 =	vmul.f32 v7, v2  }
0x2ba: {  	v10 =	vor.u32 $0x18, v5  }
0x2bb: {  	v6 =	vadd.f32 v7, v6;
	_ =	sdelay $0x1  }
0x2bc: {  	[tilespmem:v8+s11+$0x0] =	vst.idx.msk $0xffff, v6  }
0x2bd: {  	v6 =	vld.idx.msk [tilespmem:v9+s8+$0x0], $0xffff  }
0x2be: {  	v7 =	vld.idx.msk [tilespmem:v10+s8+$0x0], $0xffff;
	_ =	sdelay $0x3  }
0x2bf: {  	v8 =	vor.u32 s18, v35  }
0x2c0: {  	v9 =	vor.u32 $0x19, v4;
	v6 =	vmul.f32 v6, v3;
	v7 =	vmul.f32 v7, v2  }
0x2c1: {  	v10 =	vor.u32 $0x19, v5  }
0x2c2: {  	v6 =	vadd.f32 v7, v6;
	_ =	sdelay $0x1  }
0x2c3: {  	[tilespmem:v8+s11+$0x0] =	vst.idx.msk $0xffff, v6  }
0x2c4: {  	v6 =	vld.idx.msk [tilespmem:v9+s8+$0x0], $0xffff  }
0x2c5: {  	v7 =	vld.idx.msk [tilespmem:v10+s8+$0x0], $0xffff;
	_ =	sdelay $0x3  }
0x2c6: {  	v8 =	vor.u32 s18, v36  }
0x2c7: {  	v9 =	vor.u32 $0x1A, v4;
	v6 =	vmul.f32 v6, v3;
	v7 =	vmul.f32 v7, v2  }
0x2c8: {  	v10 =	vor.u32 $0x1A, v5  }
0x2c9: {  	v6 =	vadd.f32 v7, v6;
	_ =	sdelay $0x1  }
0x2ca: {  	[tilespmem:v8+s11+$0x0] =	vst.idx.msk $0xffff, v6  }
0x2cb: {  	v6 =	vld.idx.msk [tilespmem:v9+s8+$0x0], $0xffff  }
0x2cc: {  	v7 =	vld.idx.msk [tilespmem:v10+s8+$0x0], $0xffff;
	_ =	sdelay $0x3  }
0x2cd: {  	v8 =	vor.u32 s18, v37  }
0x2ce: {  	v9 =	vor.u32 $0x1B, v4;
	v6 =	vmul.f32 v6, v3;
	v7 =	vmul.f32 v7, v2  }
0x2cf: {  	v10 =	vor.u32 $0x1B, v5  }
0x2d0: {  	v6 =	vadd.f32 v7, v6;
	_ =	sdelay $0x1  }
0x2d1: {  	[tilespmem:v8+s11+$0x0] =	vst.idx.msk $0xffff, v6  }
0x2d2: {  	v6 =	vld.idx.msk [tilespmem:v9+s8+$0x0], $0xffff  }
0x2d3: {  	v7 =	vld.idx.msk [tilespmem:v10+s8+$0x0], $0xffff;
	_ =	sdelay $0x3  }
0x2d4: {  	v8 =	vor.u32 s18, v38  }
0x2d5: {  	v9 =	vor.u32 $0x1C, v4;
	v6 =	vmul.f32 v6, v3;
	v7 =	vmul.f32 v7, v2  }
0x2d6: {  	v10 =	vor.u32 $0x1C, v5  }
0x2d7: {  	v6 =	vadd.f32 v7, v6;
	_ =	sdelay $0x1  }
0x2d8: {  	[tilespmem:v8+s11+$0x0] =	vst.idx.msk $0xffff, v6  }
0x2d9: {  	v6 =	vld.idx.msk [tilespmem:v9+s8+$0x0], $0xffff  }
0x2da: {  	v7 =	vld.idx.msk [tilespmem:v10+s8+$0x0], $0xffff;
	_ =	sdelay $0x3  }
0x2db: {  	v8 =	vor.u32 s18, v39  }
0x2dc: {  	v9 =	vor.u32 $0x1D, v4;
	v6 =	vmul.f32 v6, v3;
	v7 =	vmul.f32 v7, v2  }
0x2dd: {  	v10 =	vor.u32 $0x1D, v5  }
0x2de: {  	v6 =	vadd.f32 v7, v6;
	_ =	sdelay $0x1  }
0x2df: {  	[tilespmem:v8+s11+$0x0] =	vst.idx.msk $0xffff, v6  }
0x2e0: {  	v6 =	vld.idx.msk [tilespmem:v9+s8+$0x0], $0xffff  }
0x2e1: {  	v7 =	vld.idx.msk [tilespmem:v10+s8+$0x0], $0xffff;
	_ =	sdelay $0x3  }
0x2e2: {  	v8 =	vor.u32 s18, v40  }
0x2e3: {  	v9 =	vor.u32 $0x1E, v4;
	v6 =	vmul.f32 v6, v3;
	v7 =	vmul.f32 v7, v2  }
0x2e4: {  	v10 =	vor.u32 $0x1E, v5  }
0x2e5: {  	v6 =	vadd.f32 v7, v6;
	_ =	sdelay $0x1  }
0x2e6: {  	[tilespmem:v8+s11+$0x0] =	vst.idx.msk $0xffff, v6  }
0x2e7: {  	v6 =	vld.idx.msk [tilespmem:v9+s8+$0x0], $0xffff  }
0x2e8: {  	v7 =	vld.idx.msk [tilespmem:v10+s8+$0x0], $0xffff;
	_ =	sdelay $0x3  }
0x2e9: {  	v8 =	vor.u32 s18, v41  }
0x2ea: {  	v9 =	vor.u32 $0x1F, v4;
	v6 =	vmul.f32 v6, v3;
	v7 =	vmul.f32 v7, v2  }
0x2eb: {  	v10 =	vor.u32 $0x1F, v5  }
0x2ec: {  	v6 =	vadd.f32 v7, v6;
	_ =	sdelay $0x1  }
0x2ed: {  	[tilespmem:v8+s11+$0x0] =	vst.idx.msk $0xffff, v6  }
0x2ee: {  	v6 =	vld.idx.msk [tilespmem:v9+s8+$0x0], $0xffff  }
0x2ef: {  	v7 =	vld.idx.msk [tilespmem:v10+s8+$0x0], $0xffff;
	_ =	sdelay $0x3  }
0x2f0: {  	v8 =	vor.u32 s18, v42  }
0x2f1: {  	v9 =	vor.u32 $0x20, v4;
	v6 =	vmul.f32 v6, v3;
	v7 =	vmul.f32 v7, v2  }
0x2f2: {  	v10 =	vor.u32 $0x20, v5  }
0x2f3: {  	v6 =	vadd.f32 v7, v6;
	_ =	sdelay $0x1  }
0x2f4: {  	[tilespmem:v8+s11+$0x0] =	vst.idx.msk $0xffff, v6  }
0x2f5: {  	v6 =	vld.idx.msk [tilespmem:v9+s8+$0x0], $0xffff  }
0x2f6: {  	v7 =	vld.idx.msk [tilespmem:v10+s8+$0x0], $0xffff;
	_ =	sdelay $0x3  }
0x2f7: {  	v8 =	vor.u32 s18, v43  }
0x2f8: {  	v9 =	vor.u32 $0x21, v4;
	v6 =	vmul.f32 v6, v3;
	v7 =	vmul.f32 v7, v2  }
0x2f9: {  	v10 =	vor.u32 $0x21, v5  }
0x2fa: {  	v6 =	vadd.f32 v7, v6;
	_ =	sdelay $0x1  }
0x2fb: {  	[tilespmem:v8+s11+$0x0] =	vst.idx.msk $0xffff, v6;
	v8 =	vld [tilespmem:$0x1FFF0]  }
0x2fc: {  	v6 =	vld.idx.msk [tilespmem:v9+s8+$0x0], $0xffff  }
0x2fd: {  	v7 =	vld.idx.msk [tilespmem:v10+s8+$0x0], $0xffff;
	_ =	sdelay $0x3  }
0x2fe: {  	v8 =	vor.u32 s18, v8  }
0x2ff: {  	v9 =	vor.u32 $0x22, v4;
	v6 =	vmul.f32 v6, v3;
	v7 =	vmul.f32 v7, v2  }
0x300: {  	v10 =	vor.u32 $0x22, v5  }
0x301: {  	v6 =	vadd.f32 v7, v6;
	_ =	sdelay $0x1  }
0x302: {  	[tilespmem:v8+s11+$0x0] =	vst.idx.msk $0xffff, v6  }
0x303: {  	v6 =	vld.idx.msk [tilespmem:v9+s8+$0x0], $0xffff  }
0x304: {  	v7 =	vld.idx.msk [tilespmem:v10+s8+$0x0], $0xffff;
	_ =	sdelay $0x3  }
0x305: {  	v8 =	vor.u32 s18, v45  }
0x306: {  	v9 =	vor.u32 $0x23, v4;
	v6 =	vmul.f32 v6, v3;
	v7 =	vmul.f32 v7, v2  }
0x307: {  	v10 =	vor.u32 $0x23, v5  }
0x308: {  	v6 =	vadd.f32 v7, v6;
	_ =	sdelay $0x1  }
0x309: {  	[tilespmem:v8+s11+$0x0] =	vst.idx.msk $0xffff, v6;
	v8 =	vld [tilespmem:$0x1FFE0]  }
0x30a: {  	v6 =	vld.idx.msk [tilespmem:v9+s8+$0x0], $0xffff  }
0x30b: {  	v7 =	vld.idx.msk [tilespmem:v10+s8+$0x0], $0xffff;
	_ =	sdelay $0x3  }
0x30c: {  	v8 =	vor.u32 s18, v8  }
0x30d: {  	v9 =	vor.u32 $0x24, v4;
	v6 =	vmul.f32 v6, v3;
	v7 =	vmul.f32 v7, v2  }
0x30e: {  	v10 =	vor.u32 $0x24, v5  }
0x30f: {  	v6 =	vadd.f32 v7, v6;
	_ =	sdelay $0x1  }
0x310: {  	[tilespmem:v8+s11+$0x0] =	vst.idx.msk $0xffff, v6  }
0x311: {  	v6 =	vld.idx.msk [tilespmem:v9+s8+$0x0], $0xffff  }
0x312: {  	v7 =	vld.idx.msk [tilespmem:v10+s8+$0x0], $0xffff;
	_ =	sdelay $0x3  }
0x313: {  	v8 =	vor.u32 s18, v47  }
0x314: {  	v9 =	vor.u32 $0x25, v4;
	v6 =	vmul.f32 v6, v3;
	v7 =	vmul.f32 v7, v2  }
0x315: {  	v10 =	vor.u32 $0x25, v5  }
0x316: {  	v6 =	vadd.f32 v7, v6;
	_ =	sdelay $0x1  }
0x317: {  	[tilespmem:v8+s11+$0x0] =	vst.idx.msk $0xffff, v6;
	v8 =	vld [tilespmem:$0x1FFD0]  }
0x318: {  	v6 =	vld.idx.msk [tilespmem:v9+s8+$0x0], $0xffff  }
0x319: {  	v7 =	vld.idx.msk [tilespmem:v10+s8+$0x0], $0xffff;
	_ =	sdelay $0x3  }
0x31a: {  	v8 =	vor.u32 s18, v8  }
0x31b: {  	v9 =	vor.u32 $0x26, v4;
	v6 =	vmul.f32 v6, v3;
	v7 =	vmul.f32 v7, v2  }
0x31c: {  	v10 =	vor.u32 $0x26, v5  }
0x31d: {  	v6 =	vadd.f32 v7, v6;
	_ =	sdelay $0x1  }
0x31e: {  	[tilespmem:v8+s11+$0x0] =	vst.idx.msk $0xffff, v6  }
0x31f: {  	v6 =	vld.idx.msk [tilespmem:v9+s8+$0x0], $0xffff  }
0x320: {  	v7 =	vld.idx.msk [tilespmem:v10+s8+$0x0], $0xffff;
	_ =	sdelay $0x3  }
0x321: {  	v8 =	vor.u32 s18, v49  }
0x322: {  	v9 =	vor.u32 $0x27, v4;
	v6 =	vmul.f32 v6, v3;
	v7 =	vmul.f32 v7, v2  }
0x323: {  	v10 =	vor.u32 $0x27, v5  }
0x324: {  	v6 =	vadd.f32 v7, v6;
	_ =	sdelay $0x1  }
0x325: {  	[tilespmem:v8+s11+$0x0] =	vst.idx.msk $0xffff, v6;
	v8 =	vld [tilespmem:$0x1FFC0]  }
0x326: {  	v6 =	vld.idx.msk [tilespmem:v9+s8+$0x0], $0xffff  }
0x327: {  	v7 =	vld.idx.msk [tilespmem:v10+s8+$0x0], $0xffff;
	_ =	sdelay $0x3  }
0x328: {  	v8 =	vor.u32 s18, v8  }
0x329: {  	v9 =	vor.u32 $0x28, v4;
	v6 =	vmul.f32 v6, v3;
	v7 =	vmul.f32 v7, v2  }
0x32a: {  	v10 =	vor.u32 $0x28, v5  }
0x32b: {  	v6 =	vadd.f32 v7, v6;
	_ =	sdelay $0x1  }
0x32c: {  	[tilespmem:v8+s11+$0x0] =	vst.idx.msk $0xffff, v6  }
0x32d: {  	v6 =	vld.idx.msk [tilespmem:v9+s8+$0x0], $0xffff  }
0x32e: {  	v7 =	vld.idx.msk [tilespmem:v10+s8+$0x0], $0xffff;
	_ =	sdelay $0x3  }
0x32f: {  	v8 =	vor.u32 s18, v51  }
0x330: {  	v9 =	vor.u32 $0x29, v4;
	v6 =	vmul.f32 v6, v3;
	v7 =	vmul.f32 v7, v2  }
0x331: {  	v10 =	vor.u32 $0x29, v5  }
0x332: {  	v6 =	vadd.f32 v7, v6;
	_ =	sdelay $0x1  }
0x333: {  	[tilespmem:v8+s11+$0x0] =	vst.idx.msk $0xffff, v6;
	v8 =	vld [tilespmem:$0x1FFB0]  }
0x334: {  	v6 =	vld.idx.msk [tilespmem:v9+s8+$0x0], $0xffff  }
0x335: {  	v7 =	vld.idx.msk [tilespmem:v10+s8+$0x0], $0xffff;
	_ =	sdelay $0x3  }
0x336: {  	v8 =	vor.u32 s18, v8  }
0x337: {  	v9 =	vor.u32 $0x2A, v4;
	v6 =	vmul.f32 v6, v3;
	v7 =	vmul.f32 v7, v2  }
0x338: {  	v10 =	vor.u32 $0x2A, v5  }
0x339: {  	v6 =	vadd.f32 v7, v6;
	_ =	sdelay $0x1  }
0x33a: {  	[tilespmem:v8+s11+$0x0] =	vst.idx.msk $0xffff, v6  }
0x33b: {  	v6 =	vld.idx.msk [tilespmem:v9+s8+$0x0], $0xffff  }
0x33c: {  	v7 =	vld.idx.msk [tilespmem:v10+s8+$0x0], $0xffff;
	_ =	sdelay $0x3  }
0x33d: {  	v8 =	vor.u32 s18, v53  }
0x33e: {  	v9 =	vor.u32 $0x2B, v4;
	v6 =	vmul.f32 v6, v3;
	v7 =	vmul.f32 v7, v2  }
0x33f: {  	v10 =	vor.u32 $0x2B, v5  }
0x340: {  	v6 =	vadd.f32 v7, v6;
	_ =	sdelay $0x1  }
0x341: {  	[tilespmem:v8+s11+$0x0] =	vst.idx.msk $0xffff, v6;
	v8 =	vld [tilespmem:$0x1FFA0]  }
0x342: {  	v6 =	vld.idx.msk [tilespmem:v9+s8+$0x0], $0xffff  }
0x343: {  	v7 =	vld.idx.msk [tilespmem:v10+s8+$0x0], $0xffff;
	_ =	sdelay $0x3  }
0x344: {  	v8 =	vor.u32 s18, v8  }
0x345: {  	v9 =	vor.u32 $0x2C, v4;
	v6 =	vmul.f32 v6, v3;
	v7 =	vmul.f32 v7, v2  }
0x346: {  	v10 =	vor.u32 $0x2C, v5  }
0x347: {  	v6 =	vadd.f32 v7, v6;
	_ =	sdelay $0x1  }
0x348: {  	[tilespmem:v8+s11+$0x0] =	vst.idx.msk $0xffff, v6  }
0x349: {  	v6 =	vld.idx.msk [tilespmem:v9+s8+$0x0], $0xffff  }
0x34a: {  	v7 =	vld.idx.msk [tilespmem:v10+s8+$0x0], $0xffff;
	_ =	sdelay $0x3  }
0x34b: {  	v8 =	vor.u32 s18, v55  }
0x34c: {  	v9 =	vor.u32 $0x2D, v4;
	v6 =	vmul.f32 v6, v3;
	v7 =	vmul.f32 v7, v2  }
0x34d: {  	v10 =	vor.u32 $0x2D, v5  }
0x34e: {  	v6 =	vadd.f32 v7, v6;
	_ =	sdelay $0x1  }
0x34f: {  	[tilespmem:v8+s11+$0x0] =	vst.idx.msk $0xffff, v6;
	v8 =	vld [tilespmem:$0x1FF90]  }
0x350: {  	v6 =	vld.idx.msk [tilespmem:v9+s8+$0x0], $0xffff  }
0x351: {  	v7 =	vld.idx.msk [tilespmem:v10+s8+$0x0], $0xffff;
	_ =	sdelay $0x3  }
0x352: {  	v8 =	vor.u32 s18, v8  }
0x353: {  	v9 =	vor.u32 $0x2E, v4;
	v6 =	vmul.f32 v6, v3;
	v7 =	vmul.f32 v7, v2  }
0x354: {  	v10 =	vor.u32 $0x2E, v5  }
0x355: {  	v6 =	vadd.f32 v7, v6;
	_ =	sdelay $0x1  }
0x356: {  	[tilespmem:v8+s11+$0x0] =	vst.idx.msk $0xffff, v6  }
0x357: {  	v6 =	vld.idx.msk [tilespmem:v9+s8+$0x0], $0xffff  }
0x358: {  	v7 =	vld.idx.msk [tilespmem:v10+s8+$0x0], $0xffff;
	_ =	sdelay $0x3  }
0x359: {  	v8 =	vor.u32 s18, v57  }
0x35a: {  	v9 =	vor.u32 $0x2F, v4;
	v6 =	vmul.f32 v6, v3;
	v7 =	vmul.f32 v7, v2  }
0x35b: {  	v10 =	vor.u32 $0x2F, v5  }
0x35c: {  	v6 =	vadd.f32 v7, v6;
	_ =	sdelay $0x1  }
0x35d: {  	[tilespmem:v8+s11+$0x0] =	vst.idx.msk $0xffff, v6;
	v8 =	vld [tilespmem:$0x1FF80]  }
0x35e: {  	v6 =	vld.idx.msk [tilespmem:v9+s8+$0x0], $0xffff  }
0x35f: {  	v7 =	vld.idx.msk [tilespmem:v10+s8+$0x0], $0xffff;
	_ =	sdelay $0x3  }
0x360: {  	v8 =	vor.u32 s18, v8  }
0x361: {  	v9 =	vor.u32 $0x30, v4;
	v6 =	vmul.f32 v6, v3;
	v7 =	vmul.f32 v7, v2  }
0x362: {  	v10 =	vor.u32 $0x30, v5  }
0x363: {  	v6 =	vadd.f32 v7, v6;
	_ =	sdelay $0x1  }
0x364: {  	[tilespmem:v8+s11+$0x0] =	vst.idx.msk $0xffff, v6  }
0x365: {  	v6 =	vld.idx.msk [tilespmem:v9+s8+$0x0], $0xffff  }
0x366: {  	v7 =	vld.idx.msk [tilespmem:v10+s8+$0x0], $0xffff;
	_ =	sdelay $0x3  }
0x367: {  	v8 =	vor.u32 s18, v59  }
0x368: {  	v9 =	vor.u32 $0x31, v4;
	v6 =	vmul.f32 v6, v3;
	v7 =	vmul.f32 v7, v2  }
0x369: {  	v10 =	vor.u32 $0x31, v5  }
0x36a: {  	v6 =	vadd.f32 v7, v6;
	_ =	sdelay $0x1  }
0x36b: {  	[tilespmem:v8+s11+$0x0] =	vst.idx.msk $0xffff, v6;
	v8 =	vld [tilespmem:$0x1FF70]  }
0x36c: {  	v6 =	vld.idx.msk [tilespmem:v9+s8+$0x0], $0xffff  }
0x36d: {  	v7 =	vld.idx.msk [tilespmem:v10+s8+$0x0], $0xffff;
	_ =	sdelay $0x3  }
0x36e: {  	v8 =	vor.u32 s18, v8  }
0x36f: {  	v9 =	vor.u32 $0x32, v4;
	v6 =	vmul.f32 v6, v3;
	v7 =	vmul.f32 v7, v2  }
0x370: {  	v10 =	vor.u32 $0x32, v5  }
0x371: {  	v6 =	vadd.f32 v7, v6;
	_ =	sdelay $0x1  }
0x372: {  	[tilespmem:v8+s11+$0x0] =	vst.idx.msk $0xffff, v6  }
0x373: {  	v6 =	vld.idx.msk [tilespmem:v9+s8+$0x0], $0xffff  }
0x374: {  	v7 =	vld.idx.msk [tilespmem:v10+s8+$0x0], $0xffff;
	_ =	sdelay $0x3  }
0x375: {  	v8 =	vor.u32 s18, v61  }
0x376: {  	v9 =	vor.u32 $0x33, v4;
	v6 =	vmul.f32 v6, v3;
	v7 =	vmul.f32 v7, v2  }
0x377: {  	v10 =	vor.u32 $0x33, v5  }
0x378: {  	v6 =	vadd.f32 v7, v6;
	_ =	sdelay $0x1  }
0x379: {  	[tilespmem:v8+s11+$0x0] =	vst.idx.msk $0xffff, v6;
	v8 =	vld [tilespmem:$0x1FF60]  }
0x37a: {  	v6 =	vld.idx.msk [tilespmem:v9+s8+$0x0], $0xffff  }
0x37b: {  	v7 =	vld.idx.msk [tilespmem:v10+s8+$0x0], $0xffff;
	_ =	sdelay $0x3  }
0x37c: {  	v8 =	vor.u32 s18, v8  }
0x37d: {  	v9 =	vor.u32 $0x34, v4;
	v6 =	vmul.f32 v6, v3;
	v7 =	vmul.f32 v7, v2  }
0x37e: {  	v10 =	vor.u32 $0x34, v5  }
0x37f: {  	v6 =	vadd.f32 v7, v6;
	_ =	sdelay $0x1  }
0x380: {  	[tilespmem:v8+s11+$0x0] =	vst.idx.msk $0xffff, v6  }
0x381: {  	v6 =	vld.idx.msk [tilespmem:v9+s8+$0x0], $0xffff  }
0x382: {  	v7 =	vld.idx.msk [tilespmem:v10+s8+$0x0], $0xffff;
	_ =	sdelay $0x3  }
0x383: {  	v8 =	vor.u32 s18, v62  }
0x384: {  	v9 =	vor.u32 $0x35, v4;
	v6 =	vmul.f32 v6, v3;
	v7 =	vmul.f32 v7, v2  }
0x385: {  	v10 =	vor.u32 $0x35, v5  }
0x386: {  	v6 =	vadd.f32 v7, v6;
	_ =	sdelay $0x1  }
0x387: {  	[tilespmem:v8+s11+$0x0] =	vst.idx.msk $0xffff, v6  }
0x388: {  	v6 =	vld.idx.msk [tilespmem:v9+s8+$0x0], $0xffff  }
0x389: {  	v7 =	vld.idx.msk [tilespmem:v10+s8+$0x0], $0xffff;
	_ =	sdelay $0x3  }
0x38a: {  	v8 =	vor.u32 s18, v58  }
0x38b: {  	v9 =	vor.u32 $0x36, v4;
	v6 =	vmul.f32 v6, v3;
	v7 =	vmul.f32 v7, v2  }
0x38c: {  	v10 =	vor.u32 $0x36, v5  }
0x38d: {  	v6 =	vadd.f32 v7, v6;
	_ =	sdelay $0x1  }
0x38e: {  	[tilespmem:v8+s11+$0x0] =	vst.idx.msk $0xffff, v6  }
0x38f: {  	v6 =	vld.idx.msk [tilespmem:v9+s8+$0x0], $0xffff  }
0x390: {  	v7 =	vld.idx.msk [tilespmem:v10+s8+$0x0], $0xffff;
	_ =	sdelay $0x3  }
0x391: {  	v8 =	vor.u32 s18, v60  }
0x392: {  	v9 =	vor.u32 $0x37, v4;
	v6 =	vmul.f32 v6, v3;
	v7 =	vmul.f32 v7, v2  }
0x393: {  	v10 =	vor.u32 $0x37, v5  }
0x394: {  	v6 =	vadd.f32 v7, v6;
	_ =	sdelay $0x1  }
0x395: {  	[tilespmem:v8+s11+$0x0] =	vst.idx.msk $0xffff, v6  }
0x396: {  	v6 =	vld.idx.msk [tilespmem:v9+s8+$0x0], $0xffff  }
0x397: {  	v7 =	vld.idx.msk [tilespmem:v10+s8+$0x0], $0xffff;
	_ =	sdelay $0x3  }
0x398: {  	v8 =	vor.u32 s18, v56  }
0x399: {  	v9 =	vor.u32 $0x38, v4;
	v6 =	vmul.f32 v6, v3;
	v7 =	vmul.f32 v7, v2  }
0x39a: {  	v10 =	vor.u32 $0x38, v5  }
0x39b: {  	v6 =	vadd.f32 v7, v6;
	_ =	sdelay $0x1  }
0x39c: {  	[tilespmem:v8+s11+$0x0] =	vst.idx.msk $0xffff, v6  }
0x39d: {  	v6 =	vld.idx.msk [tilespmem:v9+s8+$0x0], $0xffff  }
0x39e: {  	v7 =	vld.idx.msk [tilespmem:v10+s8+$0x0], $0xffff;
	_ =	sdelay $0x3  }
0x39f: {  	v8 =	vor.u32 s18, v54  }
0x3a0: {  	v9 =	vor.u32 $0x39, v4;
	v6 =	vmul.f32 v6, v3;
	v7 =	vmul.f32 v7, v2  }
0x3a1: {  	v10 =	vor.u32 $0x39, v5  }
0x3a2: {  	v6 =	vadd.f32 v7, v6;
	_ =	sdelay $0x1  }
0x3a3: {  	[tilespmem:v8+s11+$0x0] =	vst.idx.msk $0xffff, v6  }
0x3a4: {  	v6 =	vld.idx.msk [tilespmem:v9+s8+$0x0], $0xffff  }
0x3a5: {  	v7 =	vld.idx.msk [tilespmem:v10+s8+$0x0], $0xffff;
	_ =	sdelay $0x3  }
0x3a6: {  	v8 =	vor.u32 s18, v52  }
0x3a7: {  	v9 =	vor.u32 $0x3A, v4;
	v6 =	vmul.f32 v6, v3;
	v7 =	vmul.f32 v7, v2  }
0x3a8: {  	v10 =	vor.u32 $0x3A, v5  }
0x3a9: {  	v6 =	vadd.f32 v7, v6;
	_ =	sdelay $0x1  }
0x3aa: {  	[tilespmem:v8+s11+$0x0] =	vst.idx.msk $0xffff, v6  }
0x3ab: {  	v6 =	vld.idx.msk [tilespmem:v9+s8+$0x0], $0xffff  }
0x3ac: {  	v7 =	vld.idx.msk [tilespmem:v10+s8+$0x0], $0xffff;
	_ =	sdelay $0x3  }
0x3ad: {  	v8 =	vor.u32 s18, v50  }
0x3ae: {  	v9 =	vor.u32 $0x3B, v4;
	v6 =	vmul.f32 v6, v3;
	v7 =	vmul.f32 v7, v2  }
0x3af: {  	v10 =	vor.u32 $0x3B, v5  }
0x3b0: {  	v6 =	vadd.f32 v7, v6;
	_ =	sdelay $0x1  }
0x3b1: {  	[tilespmem:v8+s11+$0x0] =	vst.idx.msk $0xffff, v6  }
0x3b2: {  	v6 =	vld.idx.msk [tilespmem:v9+s8+$0x0], $0xffff  }
0x3b3: {  	v7 =	vld.idx.msk [tilespmem:v10+s8+$0x0], $0xffff;
	_ =	sdelay $0x3  }
0x3b4: {  	v8 =	vor.u32 s18, v48  }
0x3b5: {  	v9 =	vor.u32 $0x3C, v4;
	v6 =	vmul.f32 v6, v3;
	v7 =	vmul.f32 v7, v2  }
0x3b6: {  	v10 =	vor.u32 $0x3C, v5  }
0x3b7: {  	v6 =	vadd.f32 v7, v6;
	_ =	sdelay $0x1  }
0x3b8: {  	[tilespmem:v8+s11+$0x0] =	vst.idx.msk $0xffff, v6  }
0x3b9: {  	v6 =	vld.idx.msk [tilespmem:v9+s8+$0x0], $0xffff  }
0x3ba: {  	v7 =	vld.idx.msk [tilespmem:v10+s8+$0x0], $0xffff;
	_ =	sdelay $0x3  }
0x3bb: {  	v8 =	vor.u32 s18, v46  }
0x3bc: {  	v9 =	vor.u32 $0x3D, v4;
	v6 =	vmul.f32 v6, v3;
	v7 =	vmul.f32 v7, v2  }
0x3bd: {  	v10 =	vor.u32 $0x3D, v5  }
0x3be: {  	v6 =	vadd.f32 v7, v6;
	_ =	sdelay $0x1  }
0x3bf: {  	[tilespmem:v8+s11+$0x0] =	vst.idx.msk $0xffff, v6  }
0x3c0: {  	v6 =	vld.idx.msk [tilespmem:v9+s8+$0x0], $0xffff  }
0x3c1: {  	v7 =	vld.idx.msk [tilespmem:v10+s8+$0x0], $0xffff;
	_ =	sdelay $0x3  }
0x3c2: {  	v8 =	vor.u32 s18, v44  }
0x3c3: {  	v9 =	vor.u32 $0x3E, v4;
	v6 =	vmul.f32 v6, v3;
	v7 =	vmul.f32 v7, v2  }
0x3c4: {  	v10 =	vor.u32 $0x3E, v5  }
0x3c5: {  	v6 =	vadd.f32 v7, v6;
	_ =	sdelay $0x1  }
0x3c6: {  	[tilespmem:v8+s11+$0x0] =	vst.idx.msk $0xffff, v6  }
0x3c7: {  	v6 =	vld.idx.msk [tilespmem:v9+s8+$0x0], $0xffff  }
0x3c8: {  	v7 =	vld.idx.msk [tilespmem:v10+s8+$0x0], $0xffff;
	_ =	sdelay $0x3  }
0x3c9: {  	v8 =	vor.u32 s18, v63  }
0x3ca: {  	v4 =	vor.u32 $0x3F, v4;
	v6 =	vmul.f32 v6, v3;
	v7 =	vmul.f32 v7, v2  }
0x3cb: {  	v5 =	vor.u32 $0x3F, v5  }
0x3cc: {  	v6 =	vadd.f32 v7, v6;
	_ =	sdelay $0x1  }
0x3cd: {  	[tilespmem:v8+s11+$0x0] =	vst.idx.msk $0xffff, v6  }
0x3ce: {  	v4 =	vld.idx.msk [tilespmem:v4+s8+$0x0], $0xffff  }
0x3cf: {  	v5 =	vld.idx.msk [tilespmem:v5+s8+$0x0], $0xffff;
	_ =	sdelay $0x3  }
0x3d0: {  	p0 =	sne.s32 s19, $0xF0;
	v6 =	vor.u32 s18, v1  }
.Ltmp1:
0x3d1: {  	v3 =	vmul.f32 v4, v3;
	v2 =	vmul.f32 v5, v2;
	(pc) =	sbr.rel @p0 .LBB2_5-.Ltmp1, $3  }
0x3d2: {  	_ = 	snop  }
0x3d3: {  	v2 =	vadd.f32 v2, v3;
	_ =	sdelay $0x1  }
0x3d4: {  	s19 =	sadd.s32 $0x10, s19;
	v9 =	vmov v11;
	s18 =	sadd.s32 $0x400, s18;
	[tilespmem:v6+s11+$0x0] =	vst.idx.msk $0xffff, v2  }
0x3d5: {  	v1 =	vld [tilespmem:$0x1FFF0]  }
0x3d6: {  	v17 =	vld [tilespmem:$0x1FFE0]  }
0x3d7: {  	v19 =	vld [tilespmem:$0x1FFD0]  }
0x3d8: {  	s15 =	sadd.s32 $0x1, s15;
	v23 =	vld [tilespmem:$0x1FFC0]  }
0x3d9: {  	v25 =	vld [tilespmem:$0x1FFB0];
	p0 =	sne.s32 s15, $0x19  }
.Ltmp2:
0x3da: {  	s16 =	sshll.u32 s16, $0xE;
	v15 =	vld [tilespmem:$0x1FFA0];
	(pc) =	sbr.rel @p0 .LBB2_2-.Ltmp2, $4  }
0x3db: {  	v13 =	vld [tilespmem:$0x1FF90];
	s16 =	sadd.s32 s6, s16  }
0x3dc: {  	v21 =	vld [tilespmem:$0x1FF80];
	v27 =	vmov v61;
	s16 =	sshrl.u32 s16, $0x3  }
0x3dd: {  	v10 =	vld [tilespmem:$0x1FF70];
	v61 =	vmovc v62;
	v62 =	vmovc v58;
	v58 =	vmov v60;
	v60 =	vmov v56;
	v56 =	vmov v54;
	s16 =	sadd.s32 s4, s16  }
0x3de: {  	v11 =	vld [tilespmem:$0x1FF60];
	v54 =	vmovc v52;
	v52 =	vmovc v50;
	v50 =	vmov v48;
	v48 =	vmov v46;
	v46 =	vmov v44;
	[hbm4b:s16+s2] =	stream.linear.scatter [tilespmem:s11], [sflag:$0x2], $0x4000, $0x38  }
0x3df: {  	s14 =	sadd.s32 $0x1, s14  }
0x3e0: {  	_ =	swait.ge [sflag:s12], $0x4000;
	p0 =	sne.s32 s14, s7  }
.Ltmp3:
0x3e1: {  	[sflag:s12] =	ssyncset.done $0x0;
	(pc) =	sbr.rel @p0 .LBB2_1-.Ltmp3, $4  }
0x3e2: {  	[sflag:s12] =	ssyncadd.s32 $0xFFFFC000  }
0x3e3: {  	_ =	swait.ge [sflag:s13], $0x4000  }
0x3e4: {  	[sflag:s13] =	ssyncset.done $0x0  }
0x3e5: {  	[sflag:s13] =	ssyncadd.s32 $0xFFFFC000  }
0x3e6: {  	_ =	sfence.sel $0x180000  }
0x3e7: {  	[bflag:$0x0] =	sbarrier.arrive $0xFFFF  }
0x3e8: {  	p0 =	sne.s32 s0, $0x0;
	_ =	strace $0x90000047  }
0x3e9: {  	s0 =	sadd.s32 @!p0 $0x100000, s1;
	[bflag:$0x2] =	sbarrier.arrive $0xFFFF  }
0x3ea: {  	[sflag:s0] =	ssyncadd.tile.s32 @!p0 $0x1;
	_ =	shalt  }
.Lfunc_end2:
_tile_overlayer_lowered:
.L_overlay_start_2:
0x3eb: {  	(tag) =	ssettag $0x2  }
0x3ec: {  	s0 =	rddreg [dreg:$0x0];
	s2 =	stileid.u32  }
0x3ed: {  	s1 =	rddreg [dreg:$0x1];
	p0 =	sne.s32 s2, $0x0  }
0x3ee: {  	s3 =	rddreg [dreg:$0x2];
	[bflag:$0x3] =	sbarrier.arrive $0xFFFF;
	s2 =	simm.s32 @!p0 $0x1C03  }
0x3ef: {  	[timem:s3], [sflag:s2] =	dma.local @!p0 [hbm:s0], s1  }
0x3f0: {  	s0 =	simm.s32 @!p0 $0x3  }
0x3f1: {  	_ =	swait.ge @!p0 [sflag:s0], s1  }
0x3f2: {  	s1 =	ssub.s32 @!p0 $0x0, s1;
	[sflag:s0] =	ssyncset.done @!p0 $0x0  }
0x3f3: {  	[sflag:s0] =	ssyncadd.s32 @!p0 s1  }
0x3f4: {  	[bflag:$0x3] =	sbarrier.arrive $0xFFFF  }
0x3f5: {  	_ =	shalt  }

</sc_bundles>
